<compile_context>
chip_gen: v7x
topology: tpu7x:2x2x1
jax: 0.10.2.dev20260603
libtpu: 0.0.44.dev20260713+nightly
codegen_flags: <defaults>
</compile_context>

<pallas_src>
import functools
import math

import numpy as np

import jax
import jax.numpy as jnp
from jax import lax
from jax.experimental import pallas as pl
from jax.experimental.pallas import tpu as pltpu
from jax.experimental.pallas import tpu_sc as plsc

_SEL = 513
_SENTINEL = 50.0


def _np_threefry2x32(k1, k2, x0, x1):
    def rotl(x, d):
        return ((x << np.uint32(d)) | (x >> np.uint32(32 - d))).astype(np.uint32)

    ks = [np.uint32(k1), np.uint32(k2),
          np.uint32(np.uint32(k1) ^ np.uint32(k2) ^ np.uint32(0x1BD11BDA))]
    rotations = [[13, 15, 26, 6], [17, 29, 16, 24]]
    x0 = (x0 + ks[0]).astype(np.uint32)
    x1 = (x1 + ks[1]).astype(np.uint32)
    for i in range(5):
        for r in rotations[i % 2]:
            x0 = (x0 + x1).astype(np.uint32)
            x1 = rotl(x1, r)
            x1 = x1 ^ x0
        x0 = (x0 + ks[(i + 1) % 3]).astype(np.uint32)
        x1 = (x1 + ks[(i + 2) % 3] + np.uint32(i + 1)).astype(np.uint32)
    return x0, x1


def _np_uniform_key42(shape):
    size = int(np.prod(shape))
    idx = np.arange(size, dtype=np.uint64)
    c1 = (idx >> np.uint64(32)).astype(np.uint32)
    c2 = (idx & np.uint64(0xFFFFFFFF)).astype(np.uint32)
    b1, b2 = _np_threefry2x32(0, 42, c1, c2)
    bits = (b1 ^ b2).astype(np.uint32)
    fb = (bits >> np.uint32(9)) | np.uint32(0x3F800000)
    f = fb.view(np.float32) - np.float32(1.0)
    mn = np.float32(np.finfo(np.float32).tiny)
    u = np.maximum(mn, f * (np.float32(1.0) - mn) + mn).astype(np.float32)
    return u.reshape(shape)


def _z_kernel(q_ref, k_ref, u_ref, z_ref):
    kk = k_ref[0]
    a = jax.lax.dot_general(
        q_ref[0], kk, (((1,), (0,)), ((), ())),
        preferred_element_type=jnp.float32,
    )
    a = a / math.sqrt(kk.shape[0])
    col = jax.lax.broadcasted_iota(jnp.int32, a.shape, 1)
    is0 = col == 0
    am = jnp.where(is0, -jnp.inf, a)
    m = jnp.max(am)
    e = jnp.where(is0, 0.0, jnp.exp(am - m))
    p = e / jnp.sum(e)
    g = -jnp.log(-jnp.log(u_ref[0]))
    z = jnp.log(p + 1e-20) + g
    z_ref[0] = jnp.where(is0, _SENTINEL, z)


def _sc_select(B, S):
    NC, NS, L = 2, 16, 16
    NW = NC * NS
    ROWS_PER_W = B // NW
    NCH = S // L
    mesh = plsc.VectorSubcoreMesh(core_axis_name="c", subcore_axis_name="s",
                                  num_cores=NC, num_subcores=NS)

    M31 = jnp.int32(0x7FFFFFFF)
    SIGN = jnp.int32(-2147483648)

    def scalar(x):
        return lax.reduce_max(x, (0,))

    @functools.partial(
        pl.kernel, mesh=mesh,
        out_type=jax.ShapeDtypeStruct((B, S), jnp.int32),
        compiler_params=pltpu.CompilerParams(needs_layout_passes=False),
        scratch_types=[
            pltpu.VMEM((S,), jnp.float32),
            pltpu.VMEM((S,), jnp.int32),
            pltpu.VMEM((256,), jnp.int32),
        ],
    )
    def sel(z_hbm, out_hbm, zrow, mrow, hist):
        wid = lax.axis_index("s") * NC + lax.axis_index("c")

        def ukey_of(x):
            s = lax.bitcast_convert_type(x, jnp.int32)
            key = jnp.where(s < 0, jnp.int32(-1) - (s & M31), s)
            return key ^ SIGN

        for r in range(ROWS_PER_W):
            row = wid * ROWS_PER_W + r
            pltpu.sync_copy(z_hbm.at[row], zrow)

            prefix = jnp.int32(0)
            remaining = jnp.int32(_SEL)
            ones = jnp.ones((L,), jnp.int32)
            for p in range(4):
                shift = 24 - 8 * p
                for c in range(16):
                    hist[pl.ds(c * L, L)] = jnp.zeros((L,), jnp.int32)

                pfx = prefix

                def hbody(c, carry):
                    u = ukey_of(zrow[pl.ds(c * L, L)])
                    dig = lax.shift_right_logical(u, shift) & jnp.int32(0xFF)
                    if p == 0:
                        plsc.addupdate_scatter(hist, [dig], ones)
                    else:
                        hi = lax.shift_right_logical(u, shift + 8)
                        plsc.addupdate_scatter(hist, [dig], ones,
                                               mask=hi == pfx)
                    return carry

                jax.lax.fori_loop(0, NCH, hbody, jnp.int32(0))

                def sbody(i, st):
                    carry, found, dstar, rem = st
                    c = 15 - i
                    h = hist[pl.ds(c * L, L)]
                    sfx = lax.rev(plsc.cumsum(lax.rev(h, (0,))), (0,))
                    ge = sfx + carry
                    cond = ge >= rem
                    npos = scalar(plsc.all_reduce_population_count(cond))
                    here = (1 - found) * jnp.where(npos > 0, 1, 0)
                    istar = jnp.maximum(npos - 1, 0)
                    lane = lax.broadcasted_iota(jnp.int32, (L,), 0)
                    sel_ge = jnp.max(jnp.where(lane == istar, ge,
                                               jnp.int32(-2147483647)))
                    sel_h = jnp.max(jnp.where(lane == istar, h,
                                              jnp.int32(-2147483647)))
                    dstar = jnp.where(here == 1, c * L + istar, dstar)
                    rem = jnp.where(here == 1, rem - (sel_ge - sel_h), rem)
                    found = found | here
                    carry = carry + scalar(plsc.cumsum(h))
                    return carry, found, dstar, rem

                _, _, dstar, remaining = jax.lax.fori_loop(
                    0, 16, sbody,
                    (jnp.int32(0), jnp.int32(0), jnp.int32(0), remaining))
                prefix = (prefix << 8) | dstar

            ustar = prefix
            kstar = ustar ^ SIGN

            def mbody(c, ties_seen):
                u = ukey_of(zrow[pl.ds(c * L, L)])
                key = u ^ SIGN
                gt = (key > kstar).astype(jnp.int32)
                tie = (key == kstar).astype(jnp.int32)
                pc = plsc.cumsum(tie)
                keep = tie * jnp.where((ties_seen + pc) <= remaining, 1, 0)
                mrow[pl.ds(c * L, L)] = gt | keep
                return ties_seen + scalar(pc)

            jax.lax.fori_loop(0, NCH, mbody, jnp.int32(0))
            pltpu.sync_copy(mrow, out_hbm.at[row])

    return sel


def kernel(q, k):
    B, S, D = q.shape
    gp_np = np.full((B, 1, S), 0.5, np.float32)
    gp_np[:, 0, 1:] = _np_uniform_key42((B, S - 1))
    gp = jnp.asarray(gp_np)
    q0 = q[:, :1, :]
    kt = jnp.swapaxes(k, 1, 2)
    z = pl.pallas_call(
        _z_kernel,
        grid=(B,),
        in_specs=[
            pl.BlockSpec((1, 1, D), lambda b: (b, 0, 0)),
            pl.BlockSpec((1, D, S), lambda b: (b, 0, 0)),
            pl.BlockSpec((1, 1, S), lambda b: (b, 0, 0)),
        ],
        out_specs=pl.BlockSpec((1, 1, S), lambda b: (b, 0, 0)),
        out_shape=jax.ShapeDtypeStruct((B, 1, S), jnp.float32),
    )(q0, kt, gp).reshape(B, S)
    m = _sc_select(B, S)(z)
    return m.astype(bool)

# --- scband reference (transcript-rebuilt; emitter-appended) ---
"""Pipeline reference for scband-distribution-sample-65867618452180 (READ-ONLY COPY).

The authoritative reference and input builder live on the scoring server;
editing this copy changes nothing except your own understanding.
"""

import jax, jax.numpy as jnp
import numpy as np
import math

R = 512  # num_samples (r), without replacement


def setup_inputs(seed: int = 0) -> dict:
    key = jax.random.key(seed)
    k1, k2 = jax.random.split(key)
    q = jax.random.normal(k1, (64, 8192, 64), dtype=jnp.float32)
    k = jax.random.normal(k2, (64, 8192, 64), dtype=jnp.float32)
    return {"q": q, "k": k}


def reference(q, k):
    # a = q[..., :1, :] @ k[..., 1:, :]^T / sqrt(d)
    d = q.shape[-1]
    a = jnp.matmul(q[..., :1, :], jnp.swapaxes(k[..., 1:, :], -2, -1))
    a = a / math.sqrt(d)
    p = jax.nn.softmax(a, axis=-1)[..., 0, :]  # [B*H, S-1]
    # torch.multinomial(p, R, replacement=False) under no_grad ->
    # Gumbel top-k trick: argtop_k(log p + Gumbel noise) samples R indices
    # without replacement from the categorical distribution p.
    gkey = jax.random.key(42)
    g = jax.random.gumbel(gkey, p.shape, dtype=p.dtype)
    z = jnp.log(p + 1e-20) + g
    idx = jax.lax.top_k(z, R)[1]  # [B*H, R] int32
    idx = jax.lax.stop_gradient(idx)
    # index = cat([zeros, idx + 1], dim=-1)
    index = jnp.concatenate([jnp.zeros_like(idx[..., :1]), idx + 1], axis=-1)  # [B*H, R+1]
    B = q.shape[0]
    S = q.shape[1]
    logic = jnp.zeros((B, S), dtype=bool)
    rows = jnp.arange(B)[:, None]
    logic = logic.at[rows, index].set(True)  # scatter overwrite of True
    return logic

if __name__ == "__main__":
    import jax
    _d = setup_inputs()
    print(jax.jit(kernel)(*tuple(_d.values())))

</pallas_src>

<mosaic_0001>
#map = affine_map<(d0, d1) -> (0, 0)>
#map1 = affine_map<(d0, d1) -> (0)>
module attributes {stable_mosaic.version = 14 : i64} {
  func.func @_rewritten_body(%arg0: i32, %arg1: i32, %arg2: memref<64x8192xf32, #tpu.memory_space<hbm>>, %arg3: memref<1xi32, #tpu.memory_space<hbm>>, %arg4: memref<1xi32, #tpu.memory_space<hbm>>, %arg5: memref<64x8192xi32, #tpu.memory_space<hbm>>, %arg6: memref<8192xf32, #tpu.memory_space<vmem>>, %arg7: memref<8192xi32, #tpu.memory_space<vmem>>, %arg8: memref<256xi32, #tpu.memory_space<vmem>>) attributes {dimension_semantics = [#tpu.dimension_semantics<core_parallel>, #tpu.dimension_semantics<subcore_parallel>], iteration_bounds = array<i64: 2, 16>, scalar_prefetch = 0 : i64, scratch_operands = 3 : i64, tpu.core_type = #tpu.core_type<sc_vector_subcore>, window_params = [{transform_indices = #map}, {transform_indices = #map1}, {transform_indices = #map1}, {transform_indices = #map}]} {
    %empty_ref3A = memref.alloca() : memref<16xi32, #tpu.memory_space<vmem>>
    %empty_ref3A_0 = memref.alloca() : memref<16xi32, #tpu.memory_space<vmem>>
    "tpu.region"() ({
      %run_scoped3A = tpu.sem_alloc : memref<!tpu.dma_semaphore, #tpu.memory_space<semaphore_mem>>
      %dma_start3A = arith.constant 0 : i32
      %dma_start3A_689 = tpu.memref_slice %empty_ref3A[%dma_start3A] : memref<16xi32, #tpu.memory_space<vmem>> -> memref<1xi32, #tpu.memory_space<vmem>>
      %dma_start3A_690 = arith.constant 0 : i32
      %dma_start3A_691 = tpu.memref_slice %empty_ref3A[%dma_start3A_690] : memref<16xi32, #tpu.memory_space<vmem>> -> memref<1xi32, #tpu.memory_space<vmem>>
      tpu.enqueue_dma source(%arg3 : memref<1xi32, #tpu.memory_space<hbm>>) target(%dma_start3A_691 : memref<1xi32, #tpu.memory_space<vmem>>) target_semaphore(%run_scoped3A : memref<!tpu.dma_semaphore, #tpu.memory_space<semaphore_mem>>)
      %dma_start3A_692 = arith.constant 0 : i32
      %dma_start3A_693 = tpu.memref_slice %empty_ref3A_0[%dma_start3A_692] : memref<16xi32, #tpu.memory_space<vmem>> -> memref<1xi32, #tpu.memory_space<vmem>>
      %dma_start3A_694 = arith.constant 0 : i32
      %dma_start3A_695 = tpu.memref_slice %empty_ref3A_0[%dma_start3A_694] : memref<16xi32, #tpu.memory_space<vmem>> -> memref<1xi32, #tpu.memory_space<vmem>>
      tpu.enqueue_dma source(%arg4 : memref<1xi32, #tpu.memory_space<hbm>>) target(%dma_start3A_695 : memref<1xi32, #tpu.memory_space<vmem>>) target_semaphore(%run_scoped3A : memref<!tpu.dma_semaphore, #tpu.memory_space<semaphore_mem>>)
      %dma_wait3A = arith.constant 0 : i32
      %dma_wait3A_696 = tpu.memref_slice %empty_ref3A[%dma_wait3A] : memref<16xi32, #tpu.memory_space<vmem>> -> memref<1xi32, #tpu.memory_space<vmem>>
      %dma_wait3A_697 = arith.constant 0 : i32
      %dma_wait3A_698 = tpu.memref_slice %empty_ref3A[%dma_wait3A_697] : memref<16xi32, #tpu.memory_space<vmem>> -> memref<1xi32, #tpu.memory_space<vmem>>
      tpu.wait_dma2 semaphore(%run_scoped3A : memref<!tpu.dma_semaphore, #tpu.memory_space<semaphore_mem>>) src(%arg3 : memref<1xi32, #tpu.memory_space<hbm>>) dst(%dma_wait3A_698 : memref<1xi32, #tpu.memory_space<vmem>>)
      %dma_wait3A_699 = arith.constant 0 : i32
      %dma_wait3A_700 = tpu.memref_slice %empty_ref3A_0[%dma_wait3A_699] : memref<16xi32, #tpu.memory_space<vmem>> -> memref<1xi32, #tpu.memory_space<vmem>>
      %dma_wait3A_701 = arith.constant 0 : i32
      %dma_wait3A_702 = tpu.memref_slice %empty_ref3A_0[%dma_wait3A_701] : memref<16xi32, #tpu.memory_space<vmem>> -> memref<1xi32, #tpu.memory_space<vmem>>
      tpu.wait_dma2 semaphore(%run_scoped3A : memref<!tpu.dma_semaphore, #tpu.memory_space<semaphore_mem>>) src(%arg4 : memref<1xi32, #tpu.memory_space<hbm>>) dst(%dma_wait3A_702 : memref<1xi32, #tpu.memory_space<vmem>>)
      tpu.yield
    }) : () -> ()
    %get3A = arith.constant 0 : index
    %get3A_1 = tpu.vector_load %empty_ref3A[%get3A] {strides = array<i32>} : memref<16xi32, #tpu.memory_space<vmem>>, vector<16xi32>,
    %slice3A = vector.extract_strided_slice %get3A_1 {offsets = [0], sizes = [1], strides = [1]} : vector<16xi32> to vector<1xi32>
    %squeeze3A = vector.extract %slice3A[0] : i32 from vector<1xi32>
    %get3A_2 = arith.constant 0 : index
    %get3A_3 = tpu.vector_load %empty_ref3A_0[%get3A_2] {strides = array<i32>} : memref<16xi32, #tpu.memory_space<vmem>>, vector<16xi32>,
    %slice3A_4 = vector.extract_strided_slice %get3A_3 {offsets = [0], sizes = [1], strides = [1]} : vector<16xi32> to vector<1xi32>
    %squeeze3A_5 = vector.extract %slice3A_4[0] : i32 from vector<1xi32>
    %mul3A = arith.constant 2 : i32
    %mul3A_6 = arith.muli %arg1, %mul3A : i32
    %add3A = arith.addi %mul3A_6, %arg0 : i32
    %mul3A_7 = arith.constant 2 : i32
    %mul3A_8 = arith.muli %add3A, %mul3A_7 : i32
    %add3A_9 = arith.constant 0 : i32
    %add3A_10 = arith.addi %mul3A_8, %add3A_9 : i32
    "tpu.region"() ({
      %run_scoped3A = tpu.sem_alloc : memref<!tpu.dma_semaphore, #tpu.memory_space<semaphore_mem>>
      %dma_start3A = arith.constant 0 : i32
      %dma_start3A_689 = tpu.memref_slice %arg2[%add3A_10, %dma_start3A] : memref<64x8192xf32, #tpu.memory_space<hbm>> -> memref<1x8192xf32, #tpu.memory_space<hbm>>
      %dma_start3A_690 = tpu.memref_squeeze %dma_start3A_689 : memref<1x8192xf32, #tpu.memory_space<hbm>> -> memref<8192xf32, #tpu.memory_space<hbm>>
      %dma_start3A_691 = arith.constant 0 : i32
      %dma_start3A_692 = tpu.memref_slice %arg2[%add3A_10, %dma_start3A_691] : memref<64x8192xf32, #tpu.memory_space<hbm>> -> memref<1x8192xf32, #tpu.memory_space<hbm>>
      %dma_start3A_693 = tpu.memref_squeeze %dma_start3A_692 : memref<1x8192xf32, #tpu.memory_space<hbm>> -> memref<8192xf32, #tpu.memory_space<hbm>>
      tpu.enqueue_dma source(%dma_start3A_693 : memref<8192xf32, #tpu.memory_space<hbm>>) target(%arg6 : memref<8192xf32, #tpu.memory_space<vmem>>) target_semaphore(%run_scoped3A : memref<!tpu.dma_semaphore, #tpu.memory_space<semaphore_mem>>)
      %dma_wait3A = arith.constant 0 : i32
      %dma_wait3A_694 = tpu.memref_slice %arg2[%add3A_10, %dma_wait3A] : memref<64x8192xf32, #tpu.memory_space<hbm>> -> memref<1x8192xf32, #tpu.memory_space<hbm>>
      %dma_wait3A_695 = tpu.memref_squeeze %dma_wait3A_694 : memref<1x8192xf32, #tpu.memory_space<hbm>> -> memref<8192xf32, #tpu.memory_space<hbm>>
      %dma_wait3A_696 = arith.constant 0 : i32
      %dma_wait3A_697 = tpu.memref_slice %arg2[%add3A_10, %dma_wait3A_696] : memref<64x8192xf32, #tpu.memory_space<hbm>> -> memref<1x8192xf32, #tpu.memory_space<hbm>>
      %dma_wait3A_698 = tpu.memref_squeeze %dma_wait3A_697 : memref<1x8192xf32, #tpu.memory_space<hbm>> -> memref<8192xf32, #tpu.memory_space<hbm>>
      tpu.wait_dma2 semaphore(%run_scoped3A : memref<!tpu.dma_semaphore, #tpu.memory_space<semaphore_mem>>) src(%dma_wait3A_698 : memref<8192xf32, #tpu.memory_space<hbm>>) dst(%arg6 : memref<8192xf32, #tpu.memory_space<vmem>>)
      tpu.yield
    }) : () -> ()
    %broadcast_in_dim3A = arith.constant 1 : i32
    %broadcast_in_dim3A_11 = vector.broadcast %broadcast_in_dim3A : i32 to vector<16xi32>
    %broadcast_in_dim3A_12 = arith.constant 0 : i32
    %broadcast_in_dim3A_13 = vector.broadcast %broadcast_in_dim3A_12 : i32 to vector<16xi32>
    %swap3A = arith.constant 0 : index
    %swap3A_14 = tpu.vector_load %arg8[%swap3A] {strides = array<i32>} : memref<256xi32, #tpu.memory_space<vmem>>, vector<16xi32>,
    tpu.vector_store %arg8[%swap3A], %broadcast_in_dim3A_13 {strides = array<i32>} : memref<256xi32, #tpu.memory_space<vmem>>, vector<16xi32>,
    %broadcast_in_dim3A_15 = arith.constant 0 : i32
    %broadcast_in_dim3A_16 = vector.broadcast %broadcast_in_dim3A_15 : i32 to vector<16xi32>
    %swap3A_17 = arith.constant 16 : index
    %swap3A_18 = tpu.vector_load %arg8[%swap3A_17] {strides = array<i32>} : memref<256xi32, #tpu.memory_space<vmem>>, vector<16xi32>,
    tpu.vector_store %arg8[%swap3A_17], %broadcast_in_dim3A_16 {strides = array<i32>} : memref<256xi32, #tpu.memory_space<vmem>>, vector<16xi32>,
    %broadcast_in_dim3A_19 = arith.constant 0 : i32
    %broadcast_in_dim3A_20 = vector.broadcast %broadcast_in_dim3A_19 : i32 to vector<16xi32>
    %swap3A_21 = arith.constant 32 : index
    %swap3A_22 = tpu.vector_load %arg8[%swap3A_21] {strides = array<i32>} : memref<256xi32, #tpu.memory_space<vmem>>, vector<16xi32>,
    tpu.vector_store %arg8[%swap3A_21], %broadcast_in_dim3A_20 {strides = array<i32>} : memref<256xi32, #tpu.memory_space<vmem>>, vector<16xi32>,
    %broadcast_in_dim3A_23 = arith.constant 0 : i32
    %broadcast_in_dim3A_24 = vector.broadcast %broadcast_in_dim3A_23 : i32 to vector<16xi32>
    %swap3A_25 = arith.constant 48 : index
    %swap3A_26 = tpu.vector_load %arg8[%swap3A_25] {strides = array<i32>} : memref<256xi32, #tpu.memory_space<vmem>>, vector<16xi32>,
    tpu.vector_store %arg8[%swap3A_25], %broadcast_in_dim3A_24 {strides = array<i32>} : memref<256xi32, #tpu.memory_space<vmem>>, vector<16xi32>,
    %broadcast_in_dim3A_27 = arith.constant 0 : i32
    %broadcast_in_dim3A_28 = vector.broadcast %broadcast_in_dim3A_27 : i32 to vector<16xi32>
    %swap3A_29 = arith.constant 64 : index
    %swap3A_30 = tpu.vector_load %arg8[%swap3A_29] {strides = array<i32>} : memref<256xi32, #tpu.memory_space<vmem>>, vector<16xi32>,
    tpu.vector_store %arg8[%swap3A_29], %broadcast_in_dim3A_28 {strides = array<i32>} : memref<256xi32, #tpu.memory_space<vmem>>, vector<16xi32>,
    %broadcast_in_dim3A_31 = arith.constant 0 : i32
    %broadcast_in_dim3A_32 = vector.broadcast %broadcast_in_dim3A_31 : i32 to vector<16xi32>
    %swap3A_33 = arith.constant 80 : index
    %swap3A_34 = tpu.vector_load %arg8[%swap3A_33] {strides = array<i32>} : memref<256xi32, #tpu.memory_space<vmem>>, vector<16xi32>,
    tpu.vector_store %arg8[%swap3A_33], %broadcast_in_dim3A_32 {strides = array<i32>} : memref<256xi32, #tpu.memory_space<vmem>>, vector<16xi32>,
    %broadcast_in_dim3A_35 = arith.constant 0 : i32
    %broadcast_in_dim3A_36 = vector.broadcast %broadcast_in_dim3A_35 : i32 to vector<16xi32>
    %swap3A_37 = arith.constant 96 : index
    %swap3A_38 = tpu.vector_load %arg8[%swap3A_37] {strides = array<i32>} : memref<256xi32, #tpu.memory_space<vmem>>, vector<16xi32>,
    tpu.vector_store %arg8[%swap3A_37], %broadcast_in_dim3A_36 {strides = array<i32>} : memref<256xi32, #tpu.memory_space<vmem>>, vector<16xi32>,
    %broadcast_in_dim3A_39 = arith.constant 0 : i32
    %broadcast_in_dim3A_40 = vector.broadcast %broadcast_in_dim3A_39 : i32 to vector<16xi32>
    %swap3A_41 = arith.constant 112 : index
    %swap3A_42 = tpu.vector_load %arg8[%swap3A_41] {strides = array<i32>} : memref<256xi32, #tpu.memory_space<vmem>>, vector<16xi32>,
    tpu.vector_store %arg8[%swap3A_41], %broadcast_in_dim3A_40 {strides = array<i32>} : memref<256xi32, #tpu.memory_space<vmem>>, vector<16xi32>,
    %broadcast_in_dim3A_43 = arith.constant 0 : i32
    %broadcast_in_dim3A_44 = vector.broadcast %broadcast_in_dim3A_43 : i32 to vector<16xi32>
    %swap3A_45 = arith.constant 128 : index
    %swap3A_46 = tpu.vector_load %arg8[%swap3A_45] {strides = array<i32>} : memref<256xi32, #tpu.memory_space<vmem>>, vector<16xi32>,
    tpu.vector_store %arg8[%swap3A_45], %broadcast_in_dim3A_44 {strides = array<i32>} : memref<256xi32, #tpu.memory_space<vmem>>, vector<16xi32>,
    %broadcast_in_dim3A_47 = arith.constant 0 : i32
    %broadcast_in_dim3A_48 = vector.broadcast %broadcast_in_dim3A_47 : i32 to vector<16xi32>
    %swap3A_49 = arith.constant 144 : index
    %swap3A_50 = tpu.vector_load %arg8[%swap3A_49] {strides = array<i32>} : memref<256xi32, #tpu.memory_space<vmem>>, vector<16xi32>,
    tpu.vector_store %arg8[%swap3A_49], %broadcast_in_dim3A_48 {strides = array<i32>} : memref<256xi32, #tpu.memory_space<vmem>>, vector<16xi32>,
    %broadcast_in_dim3A_51 = arith.constant 0 : i32
    %broadcast_in_dim3A_52 = vector.broadcast %broadcast_in_dim3A_51 : i32 to vector<16xi32>
    %swap3A_53 = arith.constant 160 : index
    %swap3A_54 = tpu.vector_load %arg8[%swap3A_53] {strides = array<i32>} : memref<256xi32, #tpu.memory_space<vmem>>, vector<16xi32>,
    tpu.vector_store %arg8[%swap3A_53], %broadcast_in_dim3A_52 {strides = array<i32>} : memref<256xi32, #tpu.memory_space<vmem>>, vector<16xi32>,
    %broadcast_in_dim3A_55 = arith.constant 0 : i32
    %broadcast_in_dim3A_56 = vector.broadcast %broadcast_in_dim3A_55 : i32 to vector<16xi32>
    %swap3A_57 = arith.constant 176 : index
    %swap3A_58 = tpu.vector_load %arg8[%swap3A_57] {strides = array<i32>} : memref<256xi32, #tpu.memory_space<vmem>>, vector<16xi32>,
    tpu.vector_store %arg8[%swap3A_57], %broadcast_in_dim3A_56 {strides = array<i32>} : memref<256xi32, #tpu.memory_space<vmem>>, vector<16xi32>,
    %broadcast_in_dim3A_59 = arith.constant 0 : i32
    %broadcast_in_dim3A_60 = vector.broadcast %broadcast_in_dim3A_59 : i32 to vector<16xi32>
    %swap3A_61 = arith.constant 192 : index
    %swap3A_62 = tpu.vector_load %arg8[%swap3A_61] {strides = array<i32>} : memref<256xi32, #tpu.memory_space<vmem>>, vector<16xi32>,
    tpu.vector_store %arg8[%swap3A_61], %broadcast_in_dim3A_60 {strides = array<i32>} : memref<256xi32, #tpu.memory_space<vmem>>, vector<16xi32>,
    %broadcast_in_dim3A_63 = arith.constant 0 : i32
    %broadcast_in_dim3A_64 = vector.broadcast %broadcast_in_dim3A_63 : i32 to vector<16xi32>
    %swap3A_65 = arith.constant 208 : index
    %swap3A_66 = tpu.vector_load %arg8[%swap3A_65] {strides = array<i32>} : memref<256xi32, #tpu.memory_space<vmem>>, vector<16xi32>,
    tpu.vector_store %arg8[%swap3A_65], %broadcast_in_dim3A_64 {strides = array<i32>} : memref<256xi32, #tpu.memory_space<vmem>>, vector<16xi32>,
    %broadcast_in_dim3A_67 = arith.constant 0 : i32
    %broadcast_in_dim3A_68 = vector.broadcast %broadcast_in_dim3A_67 : i32 to vector<16xi32>
    %swap3A_69 = arith.constant 224 : index
    %swap3A_70 = tpu.vector_load %arg8[%swap3A_69] {strides = array<i32>} : memref<256xi32, #tpu.memory_space<vmem>>, vector<16xi32>,
    tpu.vector_store %arg8[%swap3A_69], %broadcast_in_dim3A_68 {strides = array<i32>} : memref<256xi32, #tpu.memory_space<vmem>>, vector<16xi32>,
    %broadcast_in_dim3A_71 = arith.constant 0 : i32
    %broadcast_in_dim3A_72 = vector.broadcast %broadcast_in_dim3A_71 : i32 to vector<16xi32>
    %swap3A_73 = arith.constant 240 : index
    %swap3A_74 = tpu.vector_load %arg8[%swap3A_73] {strides = array<i32>} : memref<256xi32, #tpu.memory_space<vmem>>, vector<16xi32>,
    tpu.vector_store %arg8[%swap3A_73], %broadcast_in_dim3A_72 {strides = array<i32>} : memref<256xi32, #tpu.memory_space<vmem>>, vector<16xi32>,
    %scan3A = arith.constant 0 : i32
    %scan3A_75 = arith.constant 0 : i32
    %scan3A_76 = arith.constant 512 : i32
    %scan3A_77 = arith.addi %scan3A_75, %scan3A_76 : i32
    %scan3A_78 = arith.constant 1 : i32
    scf.for %scan3A_689 = %scan3A_75 to %scan3A_77 step %scan3A_78  : i32 {
      %mul3A_690 = arith.constant 16 : i32
      %mul3A_691 = arith.muli %scan3A_689, %mul3A_690 : i32
      %get3A_692 = arith.index_cast %mul3A_691 : i32 to index
      %get3A_693 = tpu.vector_load %arg6[%get3A_692] {strides = array<i32>} : memref<8192xf32, #tpu.memory_space<vmem>>, vector<16xf32>,
      %bitcast_convert_type3A = tpu.bitcast %get3A_693 : vector<16xf32> -> vector<16xi32>
      %lt3A = arith.constant 0 : i32
      %lt3A_694 = vector.broadcast %lt3A : i32 to vector<16xi32>
      %lt3A_695 = arith.cmpi slt, %bitcast_convert_type3A, %lt3A_694 : vector<16xi32>
      %and3A = vector.broadcast %squeeze3A : i32 to vector<16xi32>
      %and3A_696 = arith.andi %bitcast_convert_type3A, %and3A : vector<16xi32>
      %sub3A = arith.constant -1 : i32
      %sub3A_697 = vector.broadcast %sub3A : i32 to vector<16xi32>
      %sub3A_698 = arith.subi %sub3A_697, %and3A_696 : vector<16xi32>
      %select_n3A = arith.select %lt3A_695, %sub3A_698, %bitcast_convert_type3A : vector<16xi1>, vector<16xi32>
      %xor3A_699 = vector.broadcast %squeeze3A_5 : i32 to vector<16xi32>
      %xor3A_700 = arith.xori %select_n3A, %xor3A_699 : vector<16xi32>
      %shift_right_logical3A = arith.constant 24 : i32
      %shift_right_logical3A_701 = vector.broadcast %shift_right_logical3A : i32 to vector<16xi32>
      %shift_right_logical3A_702 = arith.shrui %xor3A_700, %shift_right_logical3A_701 : vector<16xi32>
      %and3A_703 = arith.constant 255 : i32
      %and3A_704 = vector.broadcast %and3A_703 : i32 to vector<16xi32>
      %and3A_705 = arith.andi %shift_right_logical3A_702, %and3A_704 : vector<16xi32>
      tpu.vector_store_idx %arg8[%and3A_705], %broadcast_in_dim3A_11 {add = true} : memref<256xi32, #tpu.memory_space<vmem>>[vector<16xi32>], vector<16xi32>,
    }
    %scan3A_79 = arith.constant 512 : i32
    %scan3A_80 = arith.constant 0 : i32
    %scan3A_81 = arith.constant 0 : i32
    %scan3A_82 = arith.constant 0 : i32
    %scan3A_83 = arith.constant 513 : i32
    %scan3A_84 = arith.constant 0 : i32
    %scan3A_85 = arith.constant 16 : i32
    %scan3A_86 = arith.addi %scan3A_84, %scan3A_85 : i32
    %scan3A_87 = arith.constant 1 : i32
    %scan3A_88:4 = scf.for %scan3A_689 = %scan3A_84 to %scan3A_86 step %scan3A_87 iter_args(%scan3A_690 = %scan3A_80, %scan3A_691 = %scan3A_81, %scan3A_692 = %scan3A_82, %scan3A_693 = %scan3A_83) -> (i32, i32, i32, i32)  : i32 {
      %sub3A = arith.constant 15 : i32
      %sub3A_694 = arith.subi %sub3A, %scan3A_689 : i32
      %mul3A_695 = arith.constant 16 : i32
      %mul3A_696 = arith.muli %sub3A_694, %mul3A_695 : i32
      %get3A_697 = arith.index_cast %mul3A_696 : i32 to index
      %get3A_698 = tpu.vector_load %arg8[%get3A_697] {strides = array<i32>} : memref<256xi32, #tpu.memory_space<vmem>>, vector<16xi32>,
      %rev3A = arith.constant 15 : i32
      %rev3A_699 = vector.broadcast %rev3A : i32 to vector<16xi32>
      %rev3A_700 = tpu.iota {dimensions = array<i32: 0>} : vector<16xi32>
      %rev3A_701 = arith.subi %rev3A_699, %rev3A_700 : vector<16xi32>
      %rev3A_702 = tpu.dynamic_gather %get3A_698[%rev3A_701] in [0] : vector<16xi32>, vector<16xi32> -> vector<16xi32>
      %broadcast_in_dim3A_703 = arith.constant true
      %broadcast_in_dim3A_704 = vector.broadcast %broadcast_in_dim3A_703 : i1 to vector<16xi1>
      %masked_cumsum3A = tpu.scan <sum>, %rev3A_702 masked %broadcast_in_dim3A_704 : vector<16xi32>, vector<16xi1> -> vector<16xi32>
      %rev3A_705 = arith.constant 15 : i32
      %rev3A_706 = vector.broadcast %rev3A_705 : i32 to vector<16xi32>
      %rev3A_707 = tpu.iota {dimensions = array<i32: 0>} : vector<16xi32>
      %rev3A_708 = arith.subi %rev3A_706, %rev3A_707 : vector<16xi32>
      %rev3A_709 = tpu.dynamic_gather %masked_cumsum3A[%rev3A_708] in [0] : vector<16xi32>, vector<16xi32> -> vector<16xi32>
      %add3A_710 = vector.broadcast %scan3A_690 : i32 to vector<16xi32>
      %add3A_711 = arith.addi %rev3A_709, %add3A_710 : vector<16xi32>
      %ge3A = vector.broadcast %scan3A_693 : i32 to vector<16xi32>
      %ge3A_712 = arith.cmpi sge, %add3A_711, %ge3A : vector<16xi32>
      %all_reduce_population_count3A = tpu.all_reduce %ge3A_712 {dim = 0 : i64, kind = #tpu.reduction_kind<sum>} : vector<16xi1> -> vector<16xi32>
      %reduce_max3A = arith.constant true
      %reduce_max3A_713 = vector.broadcast %reduce_max3A : i1 to vector<16xi1>
      %reduce_max3A_714 = arith.constant -2147483648 : i32
      %reduce_max3A_715 = vector.broadcast %reduce_max3A_714 : i32 to vector<16xi32>
      %reduce_max3A_716 = arith.xori %all_reduce_population_count3A, %reduce_max3A_715 : vector<16xi32>
      %reduce_max3A_717 = tpu.scan <max>, %reduce_max3A_716 masked %reduce_max3A_713 : vector<16xi32>, vector<16xi1> -> vector<16xi32>
      %reduce_max3A_718 = arith.xori %reduce_max3A_717, %reduce_max3A_715 : vector<16xi32>
      %reduce_max3A_719 = vector.extract %reduce_max3A_718[15] : i32 from vector<16xi32>
      %sub3A_720 = arith.constant 1 : i32
      %sub3A_721 = arith.subi %sub3A_720, %scan3A_691 : i32
      %gt3A = arith.constant 0 : i32
      %gt3A_722 = arith.cmpi sgt, %reduce_max3A_719, %gt3A : i32
      %jit3A = arith.constant 1 : i32
      %jit3A_723 = arith.constant 0 : i32
      %select_n3A = arith.select %gt3A_722, %jit3A, %jit3A_723 : i32
      %mul3A_724 = arith.muli %sub3A_721, %select_n3A : i32
      %sub3A_725 = arith.constant 1 : i32
      %sub3A_726 = arith.subi %reduce_max3A_719, %sub3A_725 : i32
      %max3A = arith.constant 0 : i32
      %max3A_727 = arith.maxsi %sub3A_726, %max3A : i32
      %iota3A = tpu.iota {dimensions = array<i32: 0>} : vector<16xi32>
      %eq3A = vector.broadcast %max3A_727 : i32 to vector<16xi32>
      %eq3A_728 = arith.cmpi eq, %iota3A, %eq3A : vector<16xi32>
      %jit3A_729 = arith.constant -2147483647 : i32
      %broadcast_in_dim3A_730 = vector.broadcast %jit3A_729 : i32 to vector<16xi32>
      %select_n3A_731 = arith.select %eq3A_728, %add3A_711, %broadcast_in_dim3A_730 : vector<16xi1>, vector<16xi32>
      %reduce_max3A_732 = arith.constant true
      %reduce_max3A_733 = vector.broadcast %reduce_max3A_732 : i1 to vector<16xi1>
      %reduce_max3A_734 = arith.constant -2147483648 : i32
      %reduce_max3A_735 = vector.broadcast %reduce_max3A_734 : i32 to vector<16xi32>
      %reduce_max3A_736 = arith.xori %select_n3A_731, %reduce_max3A_735 : vector<16xi32>
      %reduce_max3A_737 = tpu.scan <max>, %reduce_max3A_736 masked %reduce_max3A_733 : vector<16xi32>, vector<16xi1> -> vector<16xi32>
      %reduce_max3A_738 = arith.xori %reduce_max3A_737, %reduce_max3A_735 : vector<16xi32>
      %reduce_max3A_739 = vector.extract %reduce_max3A_738[15] : i32 from vector<16xi32>
      %eq3A_740 = vector.broadcast %max3A_727 : i32 to vector<16xi32>
      %eq3A_741 = arith.cmpi eq, %iota3A, %eq3A_740 : vector<16xi32>
      %jit3A_742 = arith.constant -2147483647 : i32
      %broadcast_in_dim3A_743 = vector.broadcast %jit3A_742 : i32 to vector<16xi32>
      %select_n3A_744 = arith.select %eq3A_741, %get3A_698, %broadcast_in_dim3A_743 : vector<16xi1>, vector<16xi32>
      %reduce_max3A_745 = arith.constant true
      %reduce_max3A_746 = vector.broadcast %reduce_max3A_745 : i1 to vector<16xi1>
      %reduce_max3A_747 = arith.constant -2147483648 : i32
      %reduce_max3A_748 = vector.broadcast %reduce_max3A_747 : i32 to vector<16xi32>
      %reduce_max3A_749 = arith.xori %select_n3A_744, %reduce_max3A_748 : vector<16xi32>
      %reduce_max3A_750 = tpu.scan <max>, %reduce_max3A_749 masked %reduce_max3A_746 : vector<16xi32>, vector<16xi1> -> vector<16xi32>
      %reduce_max3A_751 = arith.xori %reduce_max3A_750, %reduce_max3A_748 : vector<16xi32>
      %reduce_max3A_752 = vector.extract %reduce_max3A_751[15] : i32 from vector<16xi32>
      %eq3A_753 = arith.constant 1 : i32
      %eq3A_754 = arith.cmpi eq, %mul3A_724, %eq3A_753 : i32
      %mul3A_755 = arith.constant 16 : i32
      %mul3A_756 = arith.muli %sub3A_694, %mul3A_755 : i32
      %add3A_757 = arith.addi %mul3A_756, %max3A_727 : i32
      %select_n3A_758 = arith.select %eq3A_754, %add3A_757, %scan3A_692 : i32
      %eq3A_759 = arith.constant 1 : i32
      %eq3A_760 = arith.cmpi eq, %mul3A_724, %eq3A_759 : i32
      %sub3A_761 = arith.subi %reduce_max3A_739, %reduce_max3A_752 : i32
      %sub3A_762 = arith.subi %scan3A_693, %sub3A_761 : i32
      %select_n3A_763 = arith.select %eq3A_760, %sub3A_762, %scan3A_693 : i32
      %or3A_764 = arith.ori %scan3A_691, %mul3A_724 : i32
      %broadcast_in_dim3A_765 = arith.constant true
      %broadcast_in_dim3A_766 = vector.broadcast %broadcast_in_dim3A_765 : i1 to vector<16xi1>
      %masked_cumsum3A_767 = tpu.scan <sum>, %get3A_698 masked %broadcast_in_dim3A_766 : vector<16xi32>, vector<16xi1> -> vector<16xi32>
      %reduce_max3A_768 = arith.constant true
      %reduce_max3A_769 = vector.broadcast %reduce_max3A_768 : i1 to vector<16xi1>
      %reduce_max3A_770 = arith.constant -2147483648 : i32
      %reduce_max3A_771 = vector.broadcast %reduce_max3A_770 : i32 to vector<16xi32>
      %reduce_max3A_772 = arith.xori %masked_cumsum3A_767, %reduce_max3A_771 : vector<16xi32>
      %reduce_max3A_773 = tpu.scan <max>, %reduce_max3A_772 masked %reduce_max3A_769 : vector<16xi32>, vector<16xi1> -> vector<16xi32>
      %reduce_max3A_774 = arith.xori %reduce_max3A_773, %reduce_max3A_771 : vector<16xi32>
      %reduce_max3A_775 = vector.extract %reduce_max3A_774[15] : i32 from vector<16xi32>
      %add3A_776 = arith.addi %scan3A_690, %reduce_max3A_775 : i32
      scf.yield %add3A_776, %or3A_764, %select_n3A_758, %select_n3A_763 : i32, i32, i32, i32
    }
    %scan3A_89 = arith.constant 16 : i32
    %shift_left3A = arith.constant 0 : i32
    %shift_left3A_90 = arith.constant 8 : i32
    %shift_left3A_91 = arith.shli %shift_left3A, %shift_left3A_90 : i32
    %or3A = arith.ori %shift_left3A_91, %scan3A_88#2 : i32
    %broadcast_in_dim3A_92 = arith.constant 0 : i32
    %broadcast_in_dim3A_93 = vector.broadcast %broadcast_in_dim3A_92 : i32 to vector<16xi32>
    %swap3A_94 = arith.constant 0 : index
    %swap3A_95 = tpu.vector_load %arg8[%swap3A_94] {strides = array<i32>} : memref<256xi32, #tpu.memory_space<vmem>>, vector<16xi32>,
    tpu.vector_store %arg8[%swap3A_94], %broadcast_in_dim3A_93 {strides = array<i32>} : memref<256xi32, #tpu.memory_space<vmem>>, vector<16xi32>,
    %broadcast_in_dim3A_96 = arith.constant 0 : i32
    %broadcast_in_dim3A_97 = vector.broadcast %broadcast_in_dim3A_96 : i32 to vector<16xi32>
    %swap3A_98 = arith.constant 16 : index
    %swap3A_99 = tpu.vector_load %arg8[%swap3A_98] {strides = array<i32>} : memref<256xi32, #tpu.memory_space<vmem>>, vector<16xi32>,
    tpu.vector_store %arg8[%swap3A_98], %broadcast_in_dim3A_97 {strides = array<i32>} : memref<256xi32, #tpu.memory_space<vmem>>, vector<16xi32>,
    %broadcast_in_dim3A_100 = arith.constant 0 : i32
    %broadcast_in_dim3A_101 = vector.broadcast %broadcast_in_dim3A_100 : i32 to vector<16xi32>
    %swap3A_102 = arith.constant 32 : index
    %swap3A_103 = tpu.vector_load %arg8[%swap3A_102] {strides = array<i32>} : memref<256xi32, #tpu.memory_space<vmem>>, vector<16xi32>,
    tpu.vector_store %arg8[%swap3A_102], %broadcast_in_dim3A_101 {strides = array<i32>} : memref<256xi32, #tpu.memory_space<vmem>>, vector<16xi32>,
    %broadcast_in_dim3A_104 = arith.constant 0 : i32
    %broadcast_in_dim3A_105 = vector.broadcast %broadcast_in_dim3A_104 : i32 to vector<16xi32>
    %swap3A_106 = arith.constant 48 : index
    %swap3A_107 = tpu.vector_load %arg8[%swap3A_106] {strides = array<i32>} : memref<256xi32, #tpu.memory_space<vmem>>, vector<16xi32>,
    tpu.vector_store %arg8[%swap3A_106], %broadcast_in_dim3A_105 {strides = array<i32>} : memref<256xi32, #tpu.memory_space<vmem>>, vector<16xi32>,
    %broadcast_in_dim3A_108 = arith.constant 0 : i32
    %broadcast_in_dim3A_109 = vector.broadcast %broadcast_in_dim3A_108 : i32 to vector<16xi32>
    %swap3A_110 = arith.constant 64 : index
    %swap3A_111 = tpu.vector_load %arg8[%swap3A_110] {strides = array<i32>} : memref<256xi32, #tpu.memory_space<vmem>>, vector<16xi32>,
    tpu.vector_store %arg8[%swap3A_110], %broadcast_in_dim3A_109 {strides = array<i32>} : memref<256xi32, #tpu.memory_space<vmem>>, vector<16xi32>,
    %broadcast_in_dim3A_112 = arith.constant 0 : i32
    %broadcast_in_dim3A_113 = vector.broadcast %broadcast_in_dim3A_112 : i32 to vector<16xi32>
    %swap3A_114 = arith.constant 80 : index
    %swap3A_115 = tpu.vector_load %arg8[%swap3A_114] {strides = array<i32>} : memref<256xi32, #tpu.memory_space<vmem>>, vector<16xi32>,
    tpu.vector_store %arg8[%swap3A_114], %broadcast_in_dim3A_113 {strides = array<i32>} : memref<256xi32, #tpu.memory_space<vmem>>, vector<16xi32>,
    %broadcast_in_dim3A_116 = arith.constant 0 : i32
    %broadcast_in_dim3A_117 = vector.broadcast %broadcast_in_dim3A_116 : i32 to vector<16xi32>
    %swap3A_118 = arith.constant 96 : index
    %swap3A_119 = tpu.vector_load %arg8[%swap3A_118] {strides = array<i32>} : memref<256xi32, #tpu.memory_space<vmem>>, vector<16xi32>,
    tpu.vector_store %arg8[%swap3A_118], %broadcast_in_dim3A_117 {strides = array<i32>} : memref<256xi32, #tpu.memory_space<vmem>>, vector<16xi32>,
    %broadcast_in_dim3A_120 = arith.constant 0 : i32
    %broadcast_in_dim3A_121 = vector.broadcast %broadcast_in_dim3A_120 : i32 to vector<16xi32>
    %swap3A_122 = arith.constant 112 : index
    %swap3A_123 = tpu.vector_load %arg8[%swap3A_122] {strides = array<i32>} : memref<256xi32, #tpu.memory_space<vmem>>, vector<16xi32>,
    tpu.vector_store %arg8[%swap3A_122], %broadcast_in_dim3A_121 {strides = array<i32>} : memref<256xi32, #tpu.memory_space<vmem>>, vector<16xi32>,
    %broadcast_in_dim3A_124 = arith.constant 0 : i32
    %broadcast_in_dim3A_125 = vector.broadcast %broadcast_in_dim3A_124 : i32 to vector<16xi32>
    %swap3A_126 = arith.constant 128 : index
    %swap3A_127 = tpu.vector_load %arg8[%swap3A_126] {strides = array<i32>} : memref<256xi32, #tpu.memory_space<vmem>>, vector<16xi32>,
    tpu.vector_store %arg8[%swap3A_126], %broadcast_in_dim3A_125 {strides = array<i32>} : memref<256xi32, #tpu.memory_space<vmem>>, vector<16xi32>,
    %broadcast_in_dim3A_128 = arith.constant 0 : i32
    %broadcast_in_dim3A_129 = vector.broadcast %broadcast_in_dim3A_128 : i32 to vector<16xi32>
    %swap3A_130 = arith.constant 144 : index
    %swap3A_131 = tpu.vector_load %arg8[%swap3A_130] {strides = array<i32>} : memref<256xi32, #tpu.memory_space<vmem>>, vector<16xi32>,
    tpu.vector_store %arg8[%swap3A_130], %broadcast_in_dim3A_129 {strides = array<i32>} : memref<256xi32, #tpu.memory_space<vmem>>, vector<16xi32>,
    %broadcast_in_dim3A_132 = arith.constant 0 : i32
    %broadcast_in_dim3A_133 = vector.broadcast %broadcast_in_dim3A_132 : i32 to vector<16xi32>
    %swap3A_134 = arith.constant 160 : index
    %swap3A_135 = tpu.vector_load %arg8[%swap3A_134] {strides = array<i32>} : memref<256xi32, #tpu.memory_space<vmem>>, vector<16xi32>,
    tpu.vector_store %arg8[%swap3A_134], %broadcast_in_dim3A_133 {strides = array<i32>} : memref<256xi32, #tpu.memory_space<vmem>>, vector<16xi32>,
    %broadcast_in_dim3A_136 = arith.constant 0 : i32
    %broadcast_in_dim3A_137 = vector.broadcast %broadcast_in_dim3A_136 : i32 to vector<16xi32>
    %swap3A_138 = arith.constant 176 : index
    %swap3A_139 = tpu.vector_load %arg8[%swap3A_138] {strides = array<i32>} : memref<256xi32, #tpu.memory_space<vmem>>, vector<16xi32>,
    tpu.vector_store %arg8[%swap3A_138], %broadcast_in_dim3A_137 {strides = array<i32>} : memref<256xi32, #tpu.memory_space<vmem>>, vector<16xi32>,
    %broadcast_in_dim3A_140 = arith.constant 0 : i32
    %broadcast_in_dim3A_141 = vector.broadcast %broadcast_in_dim3A_140 : i32 to vector<16xi32>
    %swap3A_142 = arith.constant 192 : index
    %swap3A_143 = tpu.vector_load %arg8[%swap3A_142] {strides = array<i32>} : memref<256xi32, #tpu.memory_space<vmem>>, vector<16xi32>,
    tpu.vector_store %arg8[%swap3A_142], %broadcast_in_dim3A_141 {strides = array<i32>} : memref<256xi32, #tpu.memory_space<vmem>>, vector<16xi32>,
    %broadcast_in_dim3A_144 = arith.constant 0 : i32
    %broadcast_in_dim3A_145 = vector.broadcast %broadcast_in_dim3A_144 : i32 to vector<16xi32>
    %swap3A_146 = arith.constant 208 : index
    %swap3A_147 = tpu.vector_load %arg8[%swap3A_146] {strides = array<i32>} : memref<256xi32, #tpu.memory_space<vmem>>, vector<16xi32>,
    tpu.vector_store %arg8[%swap3A_146], %broadcast_in_dim3A_145 {strides = array<i32>} : memref<256xi32, #tpu.memory_space<vmem>>, vector<16xi32>,
    %broadcast_in_dim3A_148 = arith.constant 0 : i32
    %broadcast_in_dim3A_149 = vector.broadcast %broadcast_in_dim3A_148 : i32 to vector<16xi32>
    %swap3A_150 = arith.constant 224 : index
    %swap3A_151 = tpu.vector_load %arg8[%swap3A_150] {strides = array<i32>} : memref<256xi32, #tpu.memory_space<vmem>>, vector<16xi32>,
    tpu.vector_store %arg8[%swap3A_150], %broadcast_in_dim3A_149 {strides = array<i32>} : memref<256xi32, #tpu.memory_space<vmem>>, vector<16xi32>,
    %broadcast_in_dim3A_152 = arith.constant 0 : i32
    %broadcast_in_dim3A_153 = vector.broadcast %broadcast_in_dim3A_152 : i32 to vector<16xi32>
    %swap3A_154 = arith.constant 240 : index
    %swap3A_155 = tpu.vector_load %arg8[%swap3A_154] {strides = array<i32>} : memref<256xi32, #tpu.memory_space<vmem>>, vector<16xi32>,
    tpu.vector_store %arg8[%swap3A_154], %broadcast_in_dim3A_153 {strides = array<i32>} : memref<256xi32, #tpu.memory_space<vmem>>, vector<16xi32>,
    %scan3A_156 = arith.constant 0 : i32
    %scan3A_157 = arith.constant 0 : i32
    %scan3A_158 = arith.constant 512 : i32
    %scan3A_159 = arith.addi %scan3A_157, %scan3A_158 : i32
    %scan3A_160 = arith.constant 1 : i32
    scf.for %scan3A_689 = %scan3A_157 to %scan3A_159 step %scan3A_160  : i32 {
      %mul3A_690 = arith.constant 16 : i32
      %mul3A_691 = arith.muli %scan3A_689, %mul3A_690 : i32
      %get3A_692 = arith.index_cast %mul3A_691 : i32 to index
      %get3A_693 = tpu.vector_load %arg6[%get3A_692] {strides = array<i32>} : memref<8192xf32, #tpu.memory_space<vmem>>, vector<16xf32>,
      %bitcast_convert_type3A = tpu.bitcast %get3A_693 : vector<16xf32> -> vector<16xi32>
      %lt3A = arith.constant 0 : i32
      %lt3A_694 = vector.broadcast %lt3A : i32 to vector<16xi32>
      %lt3A_695 = arith.cmpi slt, %bitcast_convert_type3A, %lt3A_694 : vector<16xi32>
      %and3A = vector.broadcast %squeeze3A : i32 to vector<16xi32>
      %and3A_696 = arith.andi %bitcast_convert_type3A, %and3A : vector<16xi32>
      %sub3A = arith.constant -1 : i32
      %sub3A_697 = vector.broadcast %sub3A : i32 to vector<16xi32>
      %sub3A_698 = arith.subi %sub3A_697, %and3A_696 : vector<16xi32>
      %select_n3A = arith.select %lt3A_695, %sub3A_698, %bitcast_convert_type3A : vector<16xi1>, vector<16xi32>
      %xor3A_699 = vector.broadcast %squeeze3A_5 : i32 to vector<16xi32>
      %xor3A_700 = arith.xori %select_n3A, %xor3A_699 : vector<16xi32>
      %shift_right_logical3A = arith.constant 16 : i32
      %shift_right_logical3A_701 = vector.broadcast %shift_right_logical3A : i32 to vector<16xi32>
      %shift_right_logical3A_702 = arith.shrui %xor3A_700, %shift_right_logical3A_701 : vector<16xi32>
      %and3A_703 = arith.constant 255 : i32
      %and3A_704 = vector.broadcast %and3A_703 : i32 to vector<16xi32>
      %and3A_705 = arith.andi %shift_right_logical3A_702, %and3A_704 : vector<16xi32>
      %shift_right_logical3A_706 = arith.constant 24 : i32
      %shift_right_logical3A_707 = vector.broadcast %shift_right_logical3A_706 : i32 to vector<16xi32>
      %shift_right_logical3A_708 = arith.shrui %xor3A_700, %shift_right_logical3A_707 : vector<16xi32>
      %eq3A = vector.broadcast %or3A : i32 to vector<16xi32>
      %eq3A_709 = arith.cmpi eq, %shift_right_logical3A_708, %eq3A : vector<16xi32>
      tpu.vector_store_idx %arg8[%and3A_705], %broadcast_in_dim3A_11 masked %eq3A_709 {add = true} : memref<256xi32, #tpu.memory_space<vmem>>[vector<16xi32>], vector<16xi32>, vector<16xi1>
    }
    %scan3A_161 = arith.constant 512 : i32
    %scan3A_162 = arith.constant 0 : i32
    %scan3A_163 = arith.constant 0 : i32
    %scan3A_164 = arith.constant 0 : i32
    %scan3A_165 = arith.constant 0 : i32
    %scan3A_166 = arith.constant 16 : i32
    %scan3A_167 = arith.addi %scan3A_165, %scan3A_166 : i32
    %scan3A_168 = arith.constant 1 : i32
    %scan3A_169:4 = scf.for %scan3A_689 = %scan3A_165 to %scan3A_167 step %scan3A_168 iter_args(%scan3A_690 = %scan3A_162, %scan3A_691 = %scan3A_163, %scan3A_692 = %scan3A_164, %scan3A_693 = %scan3A_88#3) -> (i32, i32, i32, i32)  : i32 {
      %sub3A = arith.constant 15 : i32
      %sub3A_694 = arith.subi %sub3A, %scan3A_689 : i32
      %mul3A_695 = arith.constant 16 : i32
      %mul3A_696 = arith.muli %sub3A_694, %mul3A_695 : i32
      %get3A_697 = arith.index_cast %mul3A_696 : i32 to index
      %get3A_698 = tpu.vector_load %arg8[%get3A_697] {strides = array<i32>} : memref<256xi32, #tpu.memory_space<vmem>>, vector<16xi32>,
      %rev3A = arith.constant 15 : i32
      %rev3A_699 = vector.broadcast %rev3A : i32 to vector<16xi32>
      %rev3A_700 = tpu.iota {dimensions = array<i32: 0>} : vector<16xi32>
      %rev3A_701 = arith.subi %rev3A_699, %rev3A_700 : vector<16xi32>
      %rev3A_702 = tpu.dynamic_gather %get3A_698[%rev3A_701] in [0] : vector<16xi32>, vector<16xi32> -> vector<16xi32>
      %broadcast_in_dim3A_703 = arith.constant true
      %broadcast_in_dim3A_704 = vector.broadcast %broadcast_in_dim3A_703 : i1 to vector<16xi1>
      %masked_cumsum3A = tpu.scan <sum>, %rev3A_702 masked %broadcast_in_dim3A_704 : vector<16xi32>, vector<16xi1> -> vector<16xi32>
      %rev3A_705 = arith.constant 15 : i32
      %rev3A_706 = vector.broadcast %rev3A_705 : i32 to vector<16xi32>
      %rev3A_707 = tpu.iota {dimensions = array<i32: 0>} : vector<16xi32>
      %rev3A_708 = arith.subi %rev3A_706, %rev3A_707 : vector<16xi32>
      %rev3A_709 = tpu.dynamic_gather %masked_cumsum3A[%rev3A_708] in [0] : vector<16xi32>, vector<16xi32> -> vector<16xi32>
      %add3A_710 = vector.broadcast %scan3A_690 : i32 to vector<16xi32>
      %add3A_711 = arith.addi %rev3A_709, %add3A_710 : vector<16xi32>
      %ge3A = vector.broadcast %scan3A_693 : i32 to vector<16xi32>
      %ge3A_712 = arith.cmpi sge, %add3A_711, %ge3A : vector<16xi32>
      %all_reduce_population_count3A = tpu.all_reduce %ge3A_712 {dim = 0 : i64, kind = #tpu.reduction_kind<sum>} : vector<16xi1> -> vector<16xi32>
      %reduce_max3A = arith.constant true
      %reduce_max3A_713 = vector.broadcast %reduce_max3A : i1 to vector<16xi1>
      %reduce_max3A_714 = arith.constant -2147483648 : i32
      %reduce_max3A_715 = vector.broadcast %reduce_max3A_714 : i32 to vector<16xi32>
      %reduce_max3A_716 = arith.xori %all_reduce_population_count3A, %reduce_max3A_715 : vector<16xi32>
      %reduce_max3A_717 = tpu.scan <max>, %reduce_max3A_716 masked %reduce_max3A_713 : vector<16xi32>, vector<16xi1> -> vector<16xi32>
      %reduce_max3A_718 = arith.xori %reduce_max3A_717, %reduce_max3A_715 : vector<16xi32>
      %reduce_max3A_719 = vector.extract %reduce_max3A_718[15] : i32 from vector<16xi32>
      %sub3A_720 = arith.constant 1 : i32
      %sub3A_721 = arith.subi %sub3A_720, %scan3A_691 : i32
      %gt3A = arith.constant 0 : i32
      %gt3A_722 = arith.cmpi sgt, %reduce_max3A_719, %gt3A : i32
      %jit3A = arith.constant 1 : i32
      %jit3A_723 = arith.constant 0 : i32
      %select_n3A = arith.select %gt3A_722, %jit3A, %jit3A_723 : i32
      %mul3A_724 = arith.muli %sub3A_721, %select_n3A : i32
      %sub3A_725 = arith.constant 1 : i32
      %sub3A_726 = arith.subi %reduce_max3A_719, %sub3A_725 : i32
      %max3A = arith.constant 0 : i32
      %max3A_727 = arith.maxsi %sub3A_726, %max3A : i32
      %iota3A = tpu.iota {dimensions = array<i32: 0>} : vector<16xi32>
      %eq3A = vector.broadcast %max3A_727 : i32 to vector<16xi32>
      %eq3A_728 = arith.cmpi eq, %iota3A, %eq3A : vector<16xi32>
      %jit3A_729 = arith.constant -2147483647 : i32
      %broadcast_in_dim3A_730 = vector.broadcast %jit3A_729 : i32 to vector<16xi32>
      %select_n3A_731 = arith.select %eq3A_728, %add3A_711, %broadcast_in_dim3A_730 : vector<16xi1>, vector<16xi32>
      %reduce_max3A_732 = arith.constant true
      %reduce_max3A_733 = vector.broadcast %reduce_max3A_732 : i1 to vector<16xi1>
      %reduce_max3A_734 = arith.constant -2147483648 : i32
      %reduce_max3A_735 = vector.broadcast %reduce_max3A_734 : i32 to vector<16xi32>
      %reduce_max3A_736 = arith.xori %select_n3A_731, %reduce_max3A_735 : vector<16xi32>
      %reduce_max3A_737 = tpu.scan <max>, %reduce_max3A_736 masked %reduce_max3A_733 : vector<16xi32>, vector<16xi1> -> vector<16xi32>
      %reduce_max3A_738 = arith.xori %reduce_max3A_737, %reduce_max3A_735 : vector<16xi32>
      %reduce_max3A_739 = vector.extract %reduce_max3A_738[15] : i32 from vector<16xi32>
      %eq3A_740 = vector.broadcast %max3A_727 : i32 to vector<16xi32>
      %eq3A_741 = arith.cmpi eq, %iota3A, %eq3A_740 : vector<16xi32>
      %jit3A_742 = arith.constant -2147483647 : i32
      %broadcast_in_dim3A_743 = vector.broadcast %jit3A_742 : i32 to vector<16xi32>
      %select_n3A_744 = arith.select %eq3A_741, %get3A_698, %broadcast_in_dim3A_743 : vector<16xi1>, vector<16xi32>
      %reduce_max3A_745 = arith.constant true
      %reduce_max3A_746 = vector.broadcast %reduce_max3A_745 : i1 to vector<16xi1>
      %reduce_max3A_747 = arith.constant -2147483648 : i32
      %reduce_max3A_748 = vector.broadcast %reduce_max3A_747 : i32 to vector<16xi32>
      %reduce_max3A_749 = arith.xori %select_n3A_744, %reduce_max3A_748 : vector<16xi32>
      %reduce_max3A_750 = tpu.scan <max>, %reduce_max3A_749 masked %reduce_max3A_746 : vector<16xi32>, vector<16xi1> -> vector<16xi32>
      %reduce_max3A_751 = arith.xori %reduce_max3A_750, %reduce_max3A_748 : vector<16xi32>
      %reduce_max3A_752 = vector.extract %reduce_max3A_751[15] : i32 from vector<16xi32>
      %eq3A_753 = arith.constant 1 : i32
      %eq3A_754 = arith.cmpi eq, %mul3A_724, %eq3A_753 : i32
      %mul3A_755 = arith.constant 16 : i32
      %mul3A_756 = arith.muli %sub3A_694, %mul3A_755 : i32
      %add3A_757 = arith.addi %mul3A_756, %max3A_727 : i32
      %select_n3A_758 = arith.select %eq3A_754, %add3A_757, %scan3A_692 : i32
      %eq3A_759 = arith.constant 1 : i32
      %eq3A_760 = arith.cmpi eq, %mul3A_724, %eq3A_759 : i32
      %sub3A_761 = arith.subi %reduce_max3A_739, %reduce_max3A_752 : i32
      %sub3A_762 = arith.subi %scan3A_693, %sub3A_761 : i32
      %select_n3A_763 = arith.select %eq3A_760, %sub3A_762, %scan3A_693 : i32
      %or3A_764 = arith.ori %scan3A_691, %mul3A_724 : i32
      %broadcast_in_dim3A_765 = arith.constant true
      %broadcast_in_dim3A_766 = vector.broadcast %broadcast_in_dim3A_765 : i1 to vector<16xi1>
      %masked_cumsum3A_767 = tpu.scan <sum>, %get3A_698 masked %broadcast_in_dim3A_766 : vector<16xi32>, vector<16xi1> -> vector<16xi32>
      %reduce_max3A_768 = arith.constant true
      %reduce_max3A_769 = vector.broadcast %reduce_max3A_768 : i1 to vector<16xi1>
      %reduce_max3A_770 = arith.constant -2147483648 : i32
      %reduce_max3A_771 = vector.broadcast %reduce_max3A_770 : i32 to vector<16xi32>
      %reduce_max3A_772 = arith.xori %masked_cumsum3A_767, %reduce_max3A_771 : vector<16xi32>
      %reduce_max3A_773 = tpu.scan <max>, %reduce_max3A_772 masked %reduce_max3A_769 : vector<16xi32>, vector<16xi1> -> vector<16xi32>
      %reduce_max3A_774 = arith.xori %reduce_max3A_773, %reduce_max3A_771 : vector<16xi32>
      %reduce_max3A_775 = vector.extract %reduce_max3A_774[15] : i32 from vector<16xi32>
      %add3A_776 = arith.addi %scan3A_690, %reduce_max3A_775 : i32
      scf.yield %add3A_776, %or3A_764, %select_n3A_758, %select_n3A_763 : i32, i32, i32, i32
    }
    %scan3A_170 = arith.constant 16 : i32
    %shift_left3A_171 = arith.constant 8 : i32
    %shift_left3A_172 = arith.shli %or3A, %shift_left3A_171 : i32
    %or3A_173 = arith.ori %shift_left3A_172, %scan3A_169#2 : i32
    %broadcast_in_dim3A_174 = arith.constant 0 : i32
    %broadcast_in_dim3A_175 = vector.broadcast %broadcast_in_dim3A_174 : i32 to vector<16xi32>
    %swap3A_176 = arith.constant 0 : index
    %swap3A_177 = tpu.vector_load %arg8[%swap3A_176] {strides = array<i32>} : memref<256xi32, #tpu.memory_space<vmem>>, vector<16xi32>,
    tpu.vector_store %arg8[%swap3A_176], %broadcast_in_dim3A_175 {strides = array<i32>} : memref<256xi32, #tpu.memory_space<vmem>>, vector<16xi32>,
    %broadcast_in_dim3A_178 = arith.constant 0 : i32
    %broadcast_in_dim3A_179 = vector.broadcast %broadcast_in_dim3A_178 : i32 to vector<16xi32>
    %swap3A_180 = arith.constant 16 : index
    %swap3A_181 = tpu.vector_load %arg8[%swap3A_180] {strides = array<i32>} : memref<256xi32, #tpu.memory_space<vmem>>, vector<16xi32>,
    tpu.vector_store %arg8[%swap3A_180], %broadcast_in_dim3A_179 {strides = array<i32>} : memref<256xi32, #tpu.memory_space<vmem>>, vector<16xi32>,
    %broadcast_in_dim3A_182 = arith.constant 0 : i32
    %broadcast_in_dim3A_183 = vector.broadcast %broadcast_in_dim3A_182 : i32 to vector<16xi32>
    %swap3A_184 = arith.constant 32 : index
    %swap3A_185 = tpu.vector_load %arg8[%swap3A_184] {strides = array<i32>} : memref<256xi32, #tpu.memory_space<vmem>>, vector<16xi32>,
    tpu.vector_store %arg8[%swap3A_184], %broadcast_in_dim3A_183 {strides = array<i32>} : memref<256xi32, #tpu.memory_space<vmem>>, vector<16xi32>,
    %broadcast_in_dim3A_186 = arith.constant 0 : i32
    %broadcast_in_dim3A_187 = vector.broadcast %broadcast_in_dim3A_186 : i32 to vector<16xi32>
    %swap3A_188 = arith.constant 48 : index
    %swap3A_189 = tpu.vector_load %arg8[%swap3A_188] {strides = array<i32>} : memref<256xi32, #tpu.memory_space<vmem>>, vector<16xi32>,
    tpu.vector_store %arg8[%swap3A_188], %broadcast_in_dim3A_187 {strides = array<i32>} : memref<256xi32, #tpu.memory_space<vmem>>, vector<16xi32>,
    %broadcast_in_dim3A_190 = arith.constant 0 : i32
    %broadcast_in_dim3A_191 = vector.broadcast %broadcast_in_dim3A_190 : i32 to vector<16xi32>
    %swap3A_192 = arith.constant 64 : index
    %swap3A_193 = tpu.vector_load %arg8[%swap3A_192] {strides = array<i32>} : memref<256xi32, #tpu.memory_space<vmem>>, vector<16xi32>,
    tpu.vector_store %arg8[%swap3A_192], %broadcast_in_dim3A_191 {strides = array<i32>} : memref<256xi32, #tpu.memory_space<vmem>>, vector<16xi32>,
    %broadcast_in_dim3A_194 = arith.constant 0 : i32
    %broadcast_in_dim3A_195 = vector.broadcast %broadcast_in_dim3A_194 : i32 to vector<16xi32>
    %swap3A_196 = arith.constant 80 : index
    %swap3A_197 = tpu.vector_load %arg8[%swap3A_196] {strides = array<i32>} : memref<256xi32, #tpu.memory_space<vmem>>, vector<16xi32>,
    tpu.vector_store %arg8[%swap3A_196], %broadcast_in_dim3A_195 {strides = array<i32>} : memref<256xi32, #tpu.memory_space<vmem>>, vector<16xi32>,
    %broadcast_in_dim3A_198 = arith.constant 0 : i32
    %broadcast_in_dim3A_199 = vector.broadcast %broadcast_in_dim3A_198 : i32 to vector<16xi32>
    %swap3A_200 = arith.constant 96 : index
    %swap3A_201 = tpu.vector_load %arg8[%swap3A_200] {strides = array<i32>} : memref<256xi32, #tpu.memory_space<vmem>>, vector<16xi32>,
    tpu.vector_store %arg8[%swap3A_200], %broadcast_in_dim3A_199 {strides = array<i32>} : memref<256xi32, #tpu.memory_space<vmem>>, vector<16xi32>,
    %broadcast_in_dim3A_202 = arith.constant 0 : i32
    %broadcast_in_dim3A_203 = vector.broadcast %broadcast_in_dim3A_202 : i32 to vector<16xi32>
    %swap3A_204 = arith.constant 112 : index
    %swap3A_205 = tpu.vector_load %arg8[%swap3A_204] {strides = array<i32>} : memref<256xi32, #tpu.memory_space<vmem>>, vector<16xi32>,
    tpu.vector_store %arg8[%swap3A_204], %broadcast_in_dim3A_203 {strides = array<i32>} : memref<256xi32, #tpu.memory_space<vmem>>, vector<16xi32>,
    %broadcast_in_dim3A_206 = arith.constant 0 : i32
    %broadcast_in_dim3A_207 = vector.broadcast %broadcast_in_dim3A_206 : i32 to vector<16xi32>
    %swap3A_208 = arith.constant 128 : index
    %swap3A_209 = tpu.vector_load %arg8[%swap3A_208] {strides = array<i32>} : memref<256xi32, #tpu.memory_space<vmem>>, vector<16xi32>,
    tpu.vector_store %arg8[%swap3A_208], %broadcast_in_dim3A_207 {strides = array<i32>} : memref<256xi32, #tpu.memory_space<vmem>>, vector<16xi32>,
    %broadcast_in_dim3A_210 = arith.constant 0 : i32
    %broadcast_in_dim3A_211 = vector.broadcast %broadcast_in_dim3A_210 : i32 to vector<16xi32>
    %swap3A_212 = arith.constant 144 : index
    %swap3A_213 = tpu.vector_load %arg8[%swap3A_212] {strides = array<i32>} : memref<256xi32, #tpu.memory_space<vmem>>, vector<16xi32>,
    tpu.vector_store %arg8[%swap3A_212], %broadcast_in_dim3A_211 {strides = array<i32>} : memref<256xi32, #tpu.memory_space<vmem>>, vector<16xi32>,
    %broadcast_in_dim3A_214 = arith.constant 0 : i32
    %broadcast_in_dim3A_215 = vector.broadcast %broadcast_in_dim3A_214 : i32 to vector<16xi32>
    %swap3A_216 = arith.constant 160 : index
    %swap3A_217 = tpu.vector_load %arg8[%swap3A_216] {strides = array<i32>} : memref<256xi32, #tpu.memory_space<vmem>>, vector<16xi32>,
    tpu.vector_store %arg8[%swap3A_216], %broadcast_in_dim3A_215 {strides = array<i32>} : memref<256xi32, #tpu.memory_space<vmem>>, vector<16xi32>,
    %broadcast_in_dim3A_218 = arith.constant 0 : i32
    %broadcast_in_dim3A_219 = vector.broadcast %broadcast_in_dim3A_218 : i32 to vector<16xi32>
    %swap3A_220 = arith.constant 176 : index
    %swap3A_221 = tpu.vector_load %arg8[%swap3A_220] {strides = array<i32>} : memref<256xi32, #tpu.memory_space<vmem>>, vector<16xi32>,
    tpu.vector_store %arg8[%swap3A_220], %broadcast_in_dim3A_219 {strides = array<i32>} : memref<256xi32, #tpu.memory_space<vmem>>, vector<16xi32>,
    %broadcast_in_dim3A_222 = arith.constant 0 : i32
    %broadcast_in_dim3A_223 = vector.broadcast %broadcast_in_dim3A_222 : i32 to vector<16xi32>
    %swap3A_224 = arith.constant 192 : index
    %swap3A_225 = tpu.vector_load %arg8[%swap3A_224] {strides = array<i32>} : memref<256xi32, #tpu.memory_space<vmem>>, vector<16xi32>,
    tpu.vector_store %arg8[%swap3A_224], %broadcast_in_dim3A_223 {strides = array<i32>} : memref<256xi32, #tpu.memory_space<vmem>>, vector<16xi32>,
    %broadcast_in_dim3A_226 = arith.constant 0 : i32
    %broadcast_in_dim3A_227 = vector.broadcast %broadcast_in_dim3A_226 : i32 to vector<16xi32>
    %swap3A_228 = arith.constant 208 : index
    %swap3A_229 = tpu.vector_load %arg8[%swap3A_228] {strides = array<i32>} : memref<256xi32, #tpu.memory_space<vmem>>, vector<16xi32>,
    tpu.vector_store %arg8[%swap3A_228], %broadcast_in_dim3A_227 {strides = array<i32>} : memref<256xi32, #tpu.memory_space<vmem>>, vector<16xi32>,
    %broadcast_in_dim3A_230 = arith.constant 0 : i32
    %broadcast_in_dim3A_231 = vector.broadcast %broadcast_in_dim3A_230 : i32 to vector<16xi32>
    %swap3A_232 = arith.constant 224 : index
    %swap3A_233 = tpu.vector_load %arg8[%swap3A_232] {strides = array<i32>} : memref<256xi32, #tpu.memory_space<vmem>>, vector<16xi32>,
    tpu.vector_store %arg8[%swap3A_232], %broadcast_in_dim3A_231 {strides = array<i32>} : memref<256xi32, #tpu.memory_space<vmem>>, vector<16xi32>,
    %broadcast_in_dim3A_234 = arith.constant 0 : i32
    %broadcast_in_dim3A_235 = vector.broadcast %broadcast_in_dim3A_234 : i32 to vector<16xi32>
    %swap3A_236 = arith.constant 240 : index
    %swap3A_237 = tpu.vector_load %arg8[%swap3A_236] {strides = array<i32>} : memref<256xi32, #tpu.memory_space<vmem>>, vector<16xi32>,
    tpu.vector_store %arg8[%swap3A_236], %broadcast_in_dim3A_235 {strides = array<i32>} : memref<256xi32, #tpu.memory_space<vmem>>, vector<16xi32>,
    %scan3A_238 = arith.constant 0 : i32
    %scan3A_239 = arith.constant 0 : i32
    %scan3A_240 = arith.constant 512 : i32
    %scan3A_241 = arith.addi %scan3A_239, %scan3A_240 : i32
    %scan3A_242 = arith.constant 1 : i32
    scf.for %scan3A_689 = %scan3A_239 to %scan3A_241 step %scan3A_242  : i32 {
      %mul3A_690 = arith.constant 16 : i32
      %mul3A_691 = arith.muli %scan3A_689, %mul3A_690 : i32
      %get3A_692 = arith.index_cast %mul3A_691 : i32 to index
      %get3A_693 = tpu.vector_load %arg6[%get3A_692] {strides = array<i32>} : memref<8192xf32, #tpu.memory_space<vmem>>, vector<16xf32>,
      %bitcast_convert_type3A = tpu.bitcast %get3A_693 : vector<16xf32> -> vector<16xi32>
      %lt3A = arith.constant 0 : i32
      %lt3A_694 = vector.broadcast %lt3A : i32 to vector<16xi32>
      %lt3A_695 = arith.cmpi slt, %bitcast_convert_type3A, %lt3A_694 : vector<16xi32>
      %and3A = vector.broadcast %squeeze3A : i32 to vector<16xi32>
      %and3A_696 = arith.andi %bitcast_convert_type3A, %and3A : vector<16xi32>
      %sub3A = arith.constant -1 : i32
      %sub3A_697 = vector.broadcast %sub3A : i32 to vector<16xi32>
      %sub3A_698 = arith.subi %sub3A_697, %and3A_696 : vector<16xi32>
      %select_n3A = arith.select %lt3A_695, %sub3A_698, %bitcast_convert_type3A : vector<16xi1>, vector<16xi32>
      %xor3A_699 = vector.broadcast %squeeze3A_5 : i32 to vector<16xi32>
      %xor3A_700 = arith.xori %select_n3A, %xor3A_699 : vector<16xi32>
      %shift_right_logical3A = arith.constant 8 : i32
      %shift_right_logical3A_701 = vector.broadcast %shift_right_logical3A : i32 to vector<16xi32>
      %shift_right_logical3A_702 = arith.shrui %xor3A_700, %shift_right_logical3A_701 : vector<16xi32>
      %and3A_703 = arith.constant 255 : i32
      %and3A_704 = vector.broadcast %and3A_703 : i32 to vector<16xi32>
      %and3A_705 = arith.andi %shift_right_logical3A_702, %and3A_704 : vector<16xi32>
      %shift_right_logical3A_706 = arith.constant 16 : i32
      %shift_right_logical3A_707 = vector.broadcast %shift_right_logical3A_706 : i32 to vector<16xi32>
      %shift_right_logical3A_708 = arith.shrui %xor3A_700, %shift_right_logical3A_707 : vector<16xi32>
      %eq3A = vector.broadcast %or3A_173 : i32 to vector<16xi32>
      %eq3A_709 = arith.cmpi eq, %shift_right_logical3A_708, %eq3A : vector<16xi32>
      tpu.vector_store_idx %arg8[%and3A_705], %broadcast_in_dim3A_11 masked %eq3A_709 {add = true} : memref<256xi32, #tpu.memory_space<vmem>>[vector<16xi32>], vector<16xi32>, vector<16xi1>
    }
    %scan3A_243 = arith.constant 512 : i32
    %scan3A_244 = arith.constant 0 : i32
    %scan3A_245 = arith.constant 0 : i32
    %scan3A_246 = arith.constant 0 : i32
    %scan3A_247 = arith.constant 0 : i32
    %scan3A_248 = arith.constant 16 : i32
    %scan3A_249 = arith.addi %scan3A_247, %scan3A_248 : i32
    %scan3A_250 = arith.constant 1 : i32
    %scan3A_251:4 = scf.for %scan3A_689 = %scan3A_247 to %scan3A_249 step %scan3A_250 iter_args(%scan3A_690 = %scan3A_244, %scan3A_691 = %scan3A_245, %scan3A_692 = %scan3A_246, %scan3A_693 = %scan3A_169#3) -> (i32, i32, i32, i32)  : i32 {
      %sub3A = arith.constant 15 : i32
      %sub3A_694 = arith.subi %sub3A, %scan3A_689 : i32
      %mul3A_695 = arith.constant 16 : i32
      %mul3A_696 = arith.muli %sub3A_694, %mul3A_695 : i32
      %get3A_697 = arith.index_cast %mul3A_696 : i32 to index
      %get3A_698 = tpu.vector_load %arg8[%get3A_697] {strides = array<i32>} : memref<256xi32, #tpu.memory_space<vmem>>, vector<16xi32>,
      %rev3A = arith.constant 15 : i32
      %rev3A_699 = vector.broadcast %rev3A : i32 to vector<16xi32>
      %rev3A_700 = tpu.iota {dimensions = array<i32: 0>} : vector<16xi32>
      %rev3A_701 = arith.subi %rev3A_699, %rev3A_700 : vector<16xi32>
      %rev3A_702 = tpu.dynamic_gather %get3A_698[%rev3A_701] in [0] : vector<16xi32>, vector<16xi32> -> vector<16xi32>
      %broadcast_in_dim3A_703 = arith.constant true
      %broadcast_in_dim3A_704 = vector.broadcast %broadcast_in_dim3A_703 : i1 to vector<16xi1>
      %masked_cumsum3A = tpu.scan <sum>, %rev3A_702 masked %broadcast_in_dim3A_704 : vector<16xi32>, vector<16xi1> -> vector<16xi32>
      %rev3A_705 = arith.constant 15 : i32
      %rev3A_706 = vector.broadcast %rev3A_705 : i32 to vector<16xi32>
      %rev3A_707 = tpu.iota {dimensions = array<i32: 0>} : vector<16xi32>
      %rev3A_708 = arith.subi %rev3A_706, %rev3A_707 : vector<16xi32>
      %rev3A_709 = tpu.dynamic_gather %masked_cumsum3A[%rev3A_708] in [0] : vector<16xi32>, vector<16xi32> -> vector<16xi32>
      %add3A_710 = vector.broadcast %scan3A_690 : i32 to vector<16xi32>
      %add3A_711 = arith.addi %rev3A_709, %add3A_710 : vector<16xi32>
      %ge3A = vector.broadcast %scan3A_693 : i32 to vector<16xi32>
      %ge3A_712 = arith.cmpi sge, %add3A_711, %ge3A : vector<16xi32>
      %all_reduce_population_count3A = tpu.all_reduce %ge3A_712 {dim = 0 : i64, kind = #tpu.reduction_kind<sum>} : vector<16xi1> -> vector<16xi32>
      %reduce_max3A = arith.constant true
      %reduce_max3A_713 = vector.broadcast %reduce_max3A : i1 to vector<16xi1>
      %reduce_max3A_714 = arith.constant -2147483648 : i32
      %reduce_max3A_715 = vector.broadcast %reduce_max3A_714 : i32 to vector<16xi32>
      %reduce_max3A_716 = arith.xori %all_reduce_population_count3A, %reduce_max3A_715 : vector<16xi32>
      %reduce_max3A_717 = tpu.scan <max>, %reduce_max3A_716 masked %reduce_max3A_713 : vector<16xi32>, vector<16xi1> -> vector<16xi32>
      %reduce_max3A_718 = arith.xori %reduce_max3A_717, %reduce_max3A_715 : vector<16xi32>
      %reduce_max3A_719 = vector.extract %reduce_max3A_718[15] : i32 from vector<16xi32>
      %sub3A_720 = arith.constant 1 : i32
      %sub3A_721 = arith.subi %sub3A_720, %scan3A_691 : i32
      %gt3A = arith.constant 0 : i32
      %gt3A_722 = arith.cmpi sgt, %reduce_max3A_719, %gt3A : i32
      %jit3A = arith.constant 1 : i32
      %jit3A_723 = arith.constant 0 : i32
      %select_n3A = arith.select %gt3A_722, %jit3A, %jit3A_723 : i32
      %mul3A_724 = arith.muli %sub3A_721, %select_n3A : i32
      %sub3A_725 = arith.constant 1 : i32
      %sub3A_726 = arith.subi %reduce_max3A_719, %sub3A_725 : i32
      %max3A = arith.constant 0 : i32
      %max3A_727 = arith.maxsi %sub3A_726, %max3A : i32
      %iota3A = tpu.iota {dimensions = array<i32: 0>} : vector<16xi32>
      %eq3A = vector.broadcast %max3A_727 : i32 to vector<16xi32>
      %eq3A_728 = arith.cmpi eq, %iota3A, %eq3A : vector<16xi32>
      %jit3A_729 = arith.constant -2147483647 : i32
      %broadcast_in_dim3A_730 = vector.broadcast %jit3A_729 : i32 to vector<16xi32>
      %select_n3A_731 = arith.select %eq3A_728, %add3A_711, %broadcast_in_dim3A_730 : vector<16xi1>, vector<16xi32>
      %reduce_max3A_732 = arith.constant true
      %reduce_max3A_733 = vector.broadcast %reduce_max3A_732 : i1 to vector<16xi1>
      %reduce_max3A_734 = arith.constant -2147483648 : i32
      %reduce_max3A_735 = vector.broadcast %reduce_max3A_734 : i32 to vector<16xi32>
      %reduce_max3A_736 = arith.xori %select_n3A_731, %reduce_max3A_735 : vector<16xi32>
      %reduce_max3A_737 = tpu.scan <max>, %reduce_max3A_736 masked %reduce_max3A_733 : vector<16xi32>, vector<16xi1> -> vector<16xi32>
      %reduce_max3A_738 = arith.xori %reduce_max3A_737, %reduce_max3A_735 : vector<16xi32>
      %reduce_max3A_739 = vector.extract %reduce_max3A_738[15] : i32 from vector<16xi32>
      %eq3A_740 = vector.broadcast %max3A_727 : i32 to vector<16xi32>
      %eq3A_741 = arith.cmpi eq, %iota3A, %eq3A_740 : vector<16xi32>
      %jit3A_742 = arith.constant -2147483647 : i32
      %broadcast_in_dim3A_743 = vector.broadcast %jit3A_742 : i32 to vector<16xi32>
      %select_n3A_744 = arith.select %eq3A_741, %get3A_698, %broadcast_in_dim3A_743 : vector<16xi1>, vector<16xi32>
      %reduce_max3A_745 = arith.constant true
      %reduce_max3A_746 = vector.broadcast %reduce_max3A_745 : i1 to vector<16xi1>
      %reduce_max3A_747 = arith.constant -2147483648 : i32
      %reduce_max3A_748 = vector.broadcast %reduce_max3A_747 : i32 to vector<16xi32>
      %reduce_max3A_749 = arith.xori %select_n3A_744, %reduce_max3A_748 : vector<16xi32>
      %reduce_max3A_750 = tpu.scan <max>, %reduce_max3A_749 masked %reduce_max3A_746 : vector<16xi32>, vector<16xi1> -> vector<16xi32>
      %reduce_max3A_751 = arith.xori %reduce_max3A_750, %reduce_max3A_748 : vector<16xi32>
      %reduce_max3A_752 = vector.extract %reduce_max3A_751[15] : i32 from vector<16xi32>
      %eq3A_753 = arith.constant 1 : i32
      %eq3A_754 = arith.cmpi eq, %mul3A_724, %eq3A_753 : i32
      %mul3A_755 = arith.constant 16 : i32
      %mul3A_756 = arith.muli %sub3A_694, %mul3A_755 : i32
      %add3A_757 = arith.addi %mul3A_756, %max3A_727 : i32
      %select_n3A_758 = arith.select %eq3A_754, %add3A_757, %scan3A_692 : i32
      %eq3A_759 = arith.constant 1 : i32
      %eq3A_760 = arith.cmpi eq, %mul3A_724, %eq3A_759 : i32
      %sub3A_761 = arith.subi %reduce_max3A_739, %reduce_max3A_752 : i32
      %sub3A_762 = arith.subi %scan3A_693, %sub3A_761 : i32
      %select_n3A_763 = arith.select %eq3A_760, %sub3A_762, %scan3A_693 : i32
      %or3A_764 = arith.ori %scan3A_691, %mul3A_724 : i32
      %broadcast_in_dim3A_765 = arith.constant true
      %broadcast_in_dim3A_766 = vector.broadcast %broadcast_in_dim3A_765 : i1 to vector<16xi1>
      %masked_cumsum3A_767 = tpu.scan <sum>, %get3A_698 masked %broadcast_in_dim3A_766 : vector<16xi32>, vector<16xi1> -> vector<16xi32>
      %reduce_max3A_768 = arith.constant true
      %reduce_max3A_769 = vector.broadcast %reduce_max3A_768 : i1 to vector<16xi1>
      %reduce_max3A_770 = arith.constant -2147483648 : i32
      %reduce_max3A_771 = vector.broadcast %reduce_max3A_770 : i32 to vector<16xi32>
      %reduce_max3A_772 = arith.xori %masked_cumsum3A_767, %reduce_max3A_771 : vector<16xi32>
      %reduce_max3A_773 = tpu.scan <max>, %reduce_max3A_772 masked %reduce_max3A_769 : vector<16xi32>, vector<16xi1> -> vector<16xi32>
      %reduce_max3A_774 = arith.xori %reduce_max3A_773, %reduce_max3A_771 : vector<16xi32>
      %reduce_max3A_775 = vector.extract %reduce_max3A_774[15] : i32 from vector<16xi32>
      %add3A_776 = arith.addi %scan3A_690, %reduce_max3A_775 : i32
      scf.yield %add3A_776, %or3A_764, %select_n3A_758, %select_n3A_763 : i32, i32, i32, i32
    }
    %scan3A_252 = arith.constant 16 : i32
    %shift_left3A_253 = arith.constant 8 : i32
    %shift_left3A_254 = arith.shli %or3A_173, %shift_left3A_253 : i32
    %or3A_255 = arith.ori %shift_left3A_254, %scan3A_251#2 : i32
    %broadcast_in_dim3A_256 = arith.constant 0 : i32
    %broadcast_in_dim3A_257 = vector.broadcast %broadcast_in_dim3A_256 : i32 to vector<16xi32>
    %swap3A_258 = arith.constant 0 : index
    %swap3A_259 = tpu.vector_load %arg8[%swap3A_258] {strides = array<i32>} : memref<256xi32, #tpu.memory_space<vmem>>, vector<16xi32>,
    tpu.vector_store %arg8[%swap3A_258], %broadcast_in_dim3A_257 {strides = array<i32>} : memref<256xi32, #tpu.memory_space<vmem>>, vector<16xi32>,
    %broadcast_in_dim3A_260 = arith.constant 0 : i32
    %broadcast_in_dim3A_261 = vector.broadcast %broadcast_in_dim3A_260 : i32 to vector<16xi32>
    %swap3A_262 = arith.constant 16 : index
    %swap3A_263 = tpu.vector_load %arg8[%swap3A_262] {strides = array<i32>} : memref<256xi32, #tpu.memory_space<vmem>>, vector<16xi32>,
    tpu.vector_store %arg8[%swap3A_262], %broadcast_in_dim3A_261 {strides = array<i32>} : memref<256xi32, #tpu.memory_space<vmem>>, vector<16xi32>,
    %broadcast_in_dim3A_264 = arith.constant 0 : i32
    %broadcast_in_dim3A_265 = vector.broadcast %broadcast_in_dim3A_264 : i32 to vector<16xi32>
    %swap3A_266 = arith.constant 32 : index
    %swap3A_267 = tpu.vector_load %arg8[%swap3A_266] {strides = array<i32>} : memref<256xi32, #tpu.memory_space<vmem>>, vector<16xi32>,
    tpu.vector_store %arg8[%swap3A_266], %broadcast_in_dim3A_265 {strides = array<i32>} : memref<256xi32, #tpu.memory_space<vmem>>, vector<16xi32>,
    %broadcast_in_dim3A_268 = arith.constant 0 : i32
    %broadcast_in_dim3A_269 = vector.broadcast %broadcast_in_dim3A_268 : i32 to vector<16xi32>
    %swap3A_270 = arith.constant 48 : index
    %swap3A_271 = tpu.vector_load %arg8[%swap3A_270] {strides = array<i32>} : memref<256xi32, #tpu.memory_space<vmem>>, vector<16xi32>,
    tpu.vector_store %arg8[%swap3A_270], %broadcast_in_dim3A_269 {strides = array<i32>} : memref<256xi32, #tpu.memory_space<vmem>>, vector<16xi32>,
    %broadcast_in_dim3A_272 = arith.constant 0 : i32
    %broadcast_in_dim3A_273 = vector.broadcast %broadcast_in_dim3A_272 : i32 to vector<16xi32>
    %swap3A_274 = arith.constant 64 : index
    %swap3A_275 = tpu.vector_load %arg8[%swap3A_274] {strides = array<i32>} : memref<256xi32, #tpu.memory_space<vmem>>, vector<16xi32>,
    tpu.vector_store %arg8[%swap3A_274], %broadcast_in_dim3A_273 {strides = array<i32>} : memref<256xi32, #tpu.memory_space<vmem>>, vector<16xi32>,
    %broadcast_in_dim3A_276 = arith.constant 0 : i32
    %broadcast_in_dim3A_277 = vector.broadcast %broadcast_in_dim3A_276 : i32 to vector<16xi32>
    %swap3A_278 = arith.constant 80 : index
    %swap3A_279 = tpu.vector_load %arg8[%swap3A_278] {strides = array<i32>} : memref<256xi32, #tpu.memory_space<vmem>>, vector<16xi32>,
    tpu.vector_store %arg8[%swap3A_278], %broadcast_in_dim3A_277 {strides = array<i32>} : memref<256xi32, #tpu.memory_space<vmem>>, vector<16xi32>,
    %broadcast_in_dim3A_280 = arith.constant 0 : i32
    %broadcast_in_dim3A_281 = vector.broadcast %broadcast_in_dim3A_280 : i32 to vector<16xi32>
    %swap3A_282 = arith.constant 96 : index
    %swap3A_283 = tpu.vector_load %arg8[%swap3A_282] {strides = array<i32>} : memref<256xi32, #tpu.memory_space<vmem>>, vector<16xi32>,
    tpu.vector_store %arg8[%swap3A_282], %broadcast_in_dim3A_281 {strides = array<i32>} : memref<256xi32, #tpu.memory_space<vmem>>, vector<16xi32>,
    %broadcast_in_dim3A_284 = arith.constant 0 : i32
    %broadcast_in_dim3A_285 = vector.broadcast %broadcast_in_dim3A_284 : i32 to vector<16xi32>
    %swap3A_286 = arith.constant 112 : index
    %swap3A_287 = tpu.vector_load %arg8[%swap3A_286] {strides = array<i32>} : memref<256xi32, #tpu.memory_space<vmem>>, vector<16xi32>,
    tpu.vector_store %arg8[%swap3A_286], %broadcast_in_dim3A_285 {strides = array<i32>} : memref<256xi32, #tpu.memory_space<vmem>>, vector<16xi32>,
    %broadcast_in_dim3A_288 = arith.constant 0 : i32
    %broadcast_in_dim3A_289 = vector.broadcast %broadcast_in_dim3A_288 : i32 to vector<16xi32>
    %swap3A_290 = arith.constant 128 : index
    %swap3A_291 = tpu.vector_load %arg8[%swap3A_290] {strides = array<i32>} : memref<256xi32, #tpu.memory_space<vmem>>, vector<16xi32>,
    tpu.vector_store %arg8[%swap3A_290], %broadcast_in_dim3A_289 {strides = array<i32>} : memref<256xi32, #tpu.memory_space<vmem>>, vector<16xi32>,
    %broadcast_in_dim3A_292 = arith.constant 0 : i32
    %broadcast_in_dim3A_293 = vector.broadcast %broadcast_in_dim3A_292 : i32 to vector<16xi32>
    %swap3A_294 = arith.constant 144 : index
    %swap3A_295 = tpu.vector_load %arg8[%swap3A_294] {strides = array<i32>} : memref<256xi32, #tpu.memory_space<vmem>>, vector<16xi32>,
    tpu.vector_store %arg8[%swap3A_294], %broadcast_in_dim3A_293 {strides = array<i32>} : memref<256xi32, #tpu.memory_space<vmem>>, vector<16xi32>,
    %broadcast_in_dim3A_296 = arith.constant 0 : i32
    %broadcast_in_dim3A_297 = vector.broadcast %broadcast_in_dim3A_296 : i32 to vector<16xi32>
    %swap3A_298 = arith.constant 160 : index
    %swap3A_299 = tpu.vector_load %arg8[%swap3A_298] {strides = array<i32>} : memref<256xi32, #tpu.memory_space<vmem>>, vector<16xi32>,
    tpu.vector_store %arg8[%swap3A_298], %broadcast_in_dim3A_297 {strides = array<i32>} : memref<256xi32, #tpu.memory_space<vmem>>, vector<16xi32>,
    %broadcast_in_dim3A_300 = arith.constant 0 : i32
    %broadcast_in_dim3A_301 = vector.broadcast %broadcast_in_dim3A_300 : i32 to vector<16xi32>
    %swap3A_302 = arith.constant 176 : index
    %swap3A_303 = tpu.vector_load %arg8[%swap3A_302] {strides = array<i32>} : memref<256xi32, #tpu.memory_space<vmem>>, vector<16xi32>,
    tpu.vector_store %arg8[%swap3A_302], %broadcast_in_dim3A_301 {strides = array<i32>} : memref<256xi32, #tpu.memory_space<vmem>>, vector<16xi32>,
    %broadcast_in_dim3A_304 = arith.constant 0 : i32
    %broadcast_in_dim3A_305 = vector.broadcast %broadcast_in_dim3A_304 : i32 to vector<16xi32>
    %swap3A_306 = arith.constant 192 : index
    %swap3A_307 = tpu.vector_load %arg8[%swap3A_306] {strides = array<i32>} : memref<256xi32, #tpu.memory_space<vmem>>, vector<16xi32>,
    tpu.vector_store %arg8[%swap3A_306], %broadcast_in_dim3A_305 {strides = array<i32>} : memref<256xi32, #tpu.memory_space<vmem>>, vector<16xi32>,
    %broadcast_in_dim3A_308 = arith.constant 0 : i32
    %broadcast_in_dim3A_309 = vector.broadcast %broadcast_in_dim3A_308 : i32 to vector<16xi32>
    %swap3A_310 = arith.constant 208 : index
    %swap3A_311 = tpu.vector_load %arg8[%swap3A_310] {strides = array<i32>} : memref<256xi32, #tpu.memory_space<vmem>>, vector<16xi32>,
    tpu.vector_store %arg8[%swap3A_310], %broadcast_in_dim3A_309 {strides = array<i32>} : memref<256xi32, #tpu.memory_space<vmem>>, vector<16xi32>,
    %broadcast_in_dim3A_312 = arith.constant 0 : i32
    %broadcast_in_dim3A_313 = vector.broadcast %broadcast_in_dim3A_312 : i32 to vector<16xi32>
    %swap3A_314 = arith.constant 224 : index
    %swap3A_315 = tpu.vector_load %arg8[%swap3A_314] {strides = array<i32>} : memref<256xi32, #tpu.memory_space<vmem>>, vector<16xi32>,
    tpu.vector_store %arg8[%swap3A_314], %broadcast_in_dim3A_313 {strides = array<i32>} : memref<256xi32, #tpu.memory_space<vmem>>, vector<16xi32>,
    %broadcast_in_dim3A_316 = arith.constant 0 : i32
    %broadcast_in_dim3A_317 = vector.broadcast %broadcast_in_dim3A_316 : i32 to vector<16xi32>
    %swap3A_318 = arith.constant 240 : index
    %swap3A_319 = tpu.vector_load %arg8[%swap3A_318] {strides = array<i32>} : memref<256xi32, #tpu.memory_space<vmem>>, vector<16xi32>,
    tpu.vector_store %arg8[%swap3A_318], %broadcast_in_dim3A_317 {strides = array<i32>} : memref<256xi32, #tpu.memory_space<vmem>>, vector<16xi32>,
    %scan3A_320 = arith.constant 0 : i32
    %scan3A_321 = arith.constant 0 : i32
    %scan3A_322 = arith.constant 512 : i32
    %scan3A_323 = arith.addi %scan3A_321, %scan3A_322 : i32
    %scan3A_324 = arith.constant 1 : i32
    scf.for %scan3A_689 = %scan3A_321 to %scan3A_323 step %scan3A_324  : i32 {
      %mul3A_690 = arith.constant 16 : i32
      %mul3A_691 = arith.muli %scan3A_689, %mul3A_690 : i32
      %get3A_692 = arith.index_cast %mul3A_691 : i32 to index
      %get3A_693 = tpu.vector_load %arg6[%get3A_692] {strides = array<i32>} : memref<8192xf32, #tpu.memory_space<vmem>>, vector<16xf32>,
      %bitcast_convert_type3A = tpu.bitcast %get3A_693 : vector<16xf32> -> vector<16xi32>
      %lt3A = arith.constant 0 : i32
      %lt3A_694 = vector.broadcast %lt3A : i32 to vector<16xi32>
      %lt3A_695 = arith.cmpi slt, %bitcast_convert_type3A, %lt3A_694 : vector<16xi32>
      %and3A = vector.broadcast %squeeze3A : i32 to vector<16xi32>
      %and3A_696 = arith.andi %bitcast_convert_type3A, %and3A : vector<16xi32>
      %sub3A = arith.constant -1 : i32
      %sub3A_697 = vector.broadcast %sub3A : i32 to vector<16xi32>
      %sub3A_698 = arith.subi %sub3A_697, %and3A_696 : vector<16xi32>
      %select_n3A = arith.select %lt3A_695, %sub3A_698, %bitcast_convert_type3A : vector<16xi1>, vector<16xi32>
      %xor3A_699 = vector.broadcast %squeeze3A_5 : i32 to vector<16xi32>
      %xor3A_700 = arith.xori %select_n3A, %xor3A_699 : vector<16xi32>
      %shift_right_logical3A = arith.constant 0 : i32
      %shift_right_logical3A_701 = vector.broadcast %shift_right_logical3A : i32 to vector<16xi32>
      %shift_right_logical3A_702 = arith.shrui %xor3A_700, %shift_right_logical3A_701 : vector<16xi32>
      %and3A_703 = arith.constant 255 : i32
      %and3A_704 = vector.broadcast %and3A_703 : i32 to vector<16xi32>
      %and3A_705 = arith.andi %shift_right_logical3A_702, %and3A_704 : vector<16xi32>
      %shift_right_logical3A_706 = arith.constant 8 : i32
      %shift_right_logical3A_707 = vector.broadcast %shift_right_logical3A_706 : i32 to vector<16xi32>
      %shift_right_logical3A_708 = arith.shrui %xor3A_700, %shift_right_logical3A_707 : vector<16xi32>
      %eq3A = vector.broadcast %or3A_255 : i32 to vector<16xi32>
      %eq3A_709 = arith.cmpi eq, %shift_right_logical3A_708, %eq3A : vector<16xi32>
      tpu.vector_store_idx %arg8[%and3A_705], %broadcast_in_dim3A_11 masked %eq3A_709 {add = true} : memref<256xi32, #tpu.memory_space<vmem>>[vector<16xi32>], vector<16xi32>, vector<16xi1>
    }
    %scan3A_325 = arith.constant 512 : i32
    %scan3A_326 = arith.constant 0 : i32
    %scan3A_327 = arith.constant 0 : i32
    %scan3A_328 = arith.constant 0 : i32
    %scan3A_329 = arith.constant 0 : i32
    %scan3A_330 = arith.constant 16 : i32
    %scan3A_331 = arith.addi %scan3A_329, %scan3A_330 : i32
    %scan3A_332 = arith.constant 1 : i32
    %scan3A_333:4 = scf.for %scan3A_689 = %scan3A_329 to %scan3A_331 step %scan3A_332 iter_args(%scan3A_690 = %scan3A_326, %scan3A_691 = %scan3A_327, %scan3A_692 = %scan3A_328, %scan3A_693 = %scan3A_251#3) -> (i32, i32, i32, i32)  : i32 {
      %sub3A = arith.constant 15 : i32
      %sub3A_694 = arith.subi %sub3A, %scan3A_689 : i32
      %mul3A_695 = arith.constant 16 : i32
      %mul3A_696 = arith.muli %sub3A_694, %mul3A_695 : i32
      %get3A_697 = arith.index_cast %mul3A_696 : i32 to index
      %get3A_698 = tpu.vector_load %arg8[%get3A_697] {strides = array<i32>} : memref<256xi32, #tpu.memory_space<vmem>>, vector<16xi32>,
      %rev3A = arith.constant 15 : i32
      %rev3A_699 = vector.broadcast %rev3A : i32 to vector<16xi32>
      %rev3A_700 = tpu.iota {dimensions = array<i32: 0>} : vector<16xi32>
      %rev3A_701 = arith.subi %rev3A_699, %rev3A_700 : vector<16xi32>
      %rev3A_702 = tpu.dynamic_gather %get3A_698[%rev3A_701] in [0] : vector<16xi32>, vector<16xi32> -> vector<16xi32>
      %broadcast_in_dim3A_703 = arith.constant true
      %broadcast_in_dim3A_704 = vector.broadcast %broadcast_in_dim3A_703 : i1 to vector<16xi1>
      %masked_cumsum3A = tpu.scan <sum>, %rev3A_702 masked %broadcast_in_dim3A_704 : vector<16xi32>, vector<16xi1> -> vector<16xi32>
      %rev3A_705 = arith.constant 15 : i32
      %rev3A_706 = vector.broadcast %rev3A_705 : i32 to vector<16xi32>
      %rev3A_707 = tpu.iota {dimensions = array<i32: 0>} : vector<16xi32>
      %rev3A_708 = arith.subi %rev3A_706, %rev3A_707 : vector<16xi32>
      %rev3A_709 = tpu.dynamic_gather %masked_cumsum3A[%rev3A_708] in [0] : vector<16xi32>, vector<16xi32> -> vector<16xi32>
      %add3A_710 = vector.broadcast %scan3A_690 : i32 to vector<16xi32>
      %add3A_711 = arith.addi %rev3A_709, %add3A_710 : vector<16xi32>
      %ge3A = vector.broadcast %scan3A_693 : i32 to vector<16xi32>
      %ge3A_712 = arith.cmpi sge, %add3A_711, %ge3A : vector<16xi32>
      %all_reduce_population_count3A = tpu.all_reduce %ge3A_712 {dim = 0 : i64, kind = #tpu.reduction_kind<sum>} : vector<16xi1> -> vector<16xi32>
      %reduce_max3A = arith.constant true
      %reduce_max3A_713 = vector.broadcast %reduce_max3A : i1 to vector<16xi1>
      %reduce_max3A_714 = arith.constant -2147483648 : i32
      %reduce_max3A_715 = vector.broadcast %reduce_max3A_714 : i32 to vector<16xi32>
      %reduce_max3A_716 = arith.xori %all_reduce_population_count3A, %reduce_max3A_715 : vector<16xi32>
      %reduce_max3A_717 = tpu.scan <max>, %reduce_max3A_716 masked %reduce_max3A_713 : vector<16xi32>, vector<16xi1> -> vector<16xi32>
      %reduce_max3A_718 = arith.xori %reduce_max3A_717, %reduce_max3A_715 : vector<16xi32>
      %reduce_max3A_719 = vector.extract %reduce_max3A_718[15] : i32 from vector<16xi32>
      %sub3A_720 = arith.constant 1 : i32
      %sub3A_721 = arith.subi %sub3A_720, %scan3A_691 : i32
      %gt3A = arith.constant 0 : i32
      %gt3A_722 = arith.cmpi sgt, %reduce_max3A_719, %gt3A : i32
      %jit3A = arith.constant 1 : i32
      %jit3A_723 = arith.constant 0 : i32
      %select_n3A = arith.select %gt3A_722, %jit3A, %jit3A_723 : i32
      %mul3A_724 = arith.muli %sub3A_721, %select_n3A : i32
      %sub3A_725 = arith.constant 1 : i32
      %sub3A_726 = arith.subi %reduce_max3A_719, %sub3A_725 : i32
      %max3A = arith.constant 0 : i32
      %max3A_727 = arith.maxsi %sub3A_726, %max3A : i32
      %iota3A = tpu.iota {dimensions = array<i32: 0>} : vector<16xi32>
      %eq3A = vector.broadcast %max3A_727 : i32 to vector<16xi32>
      %eq3A_728 = arith.cmpi eq, %iota3A, %eq3A : vector<16xi32>
      %jit3A_729 = arith.constant -2147483647 : i32
      %broadcast_in_dim3A_730 = vector.broadcast %jit3A_729 : i32 to vector<16xi32>
      %select_n3A_731 = arith.select %eq3A_728, %add3A_711, %broadcast_in_dim3A_730 : vector<16xi1>, vector<16xi32>
      %reduce_max3A_732 = arith.constant true
      %reduce_max3A_733 = vector.broadcast %reduce_max3A_732 : i1 to vector<16xi1>
      %reduce_max3A_734 = arith.constant -2147483648 : i32
      %reduce_max3A_735 = vector.broadcast %reduce_max3A_734 : i32 to vector<16xi32>
      %reduce_max3A_736 = arith.xori %select_n3A_731, %reduce_max3A_735 : vector<16xi32>
      %reduce_max3A_737 = tpu.scan <max>, %reduce_max3A_736 masked %reduce_max3A_733 : vector<16xi32>, vector<16xi1> -> vector<16xi32>
      %reduce_max3A_738 = arith.xori %reduce_max3A_737, %reduce_max3A_735 : vector<16xi32>
      %reduce_max3A_739 = vector.extract %reduce_max3A_738[15] : i32 from vector<16xi32>
      %eq3A_740 = vector.broadcast %max3A_727 : i32 to vector<16xi32>
      %eq3A_741 = arith.cmpi eq, %iota3A, %eq3A_740 : vector<16xi32>
      %jit3A_742 = arith.constant -2147483647 : i32
      %broadcast_in_dim3A_743 = vector.broadcast %jit3A_742 : i32 to vector<16xi32>
      %select_n3A_744 = arith.select %eq3A_741, %get3A_698, %broadcast_in_dim3A_743 : vector<16xi1>, vector<16xi32>
      %reduce_max3A_745 = arith.constant true
      %reduce_max3A_746 = vector.broadcast %reduce_max3A_745 : i1 to vector<16xi1>
      %reduce_max3A_747 = arith.constant -2147483648 : i32
      %reduce_max3A_748 = vector.broadcast %reduce_max3A_747 : i32 to vector<16xi32>
      %reduce_max3A_749 = arith.xori %select_n3A_744, %reduce_max3A_748 : vector<16xi32>
      %reduce_max3A_750 = tpu.scan <max>, %reduce_max3A_749 masked %reduce_max3A_746 : vector<16xi32>, vector<16xi1> -> vector<16xi32>
      %reduce_max3A_751 = arith.xori %reduce_max3A_750, %reduce_max3A_748 : vector<16xi32>
      %reduce_max3A_752 = vector.extract %reduce_max3A_751[15] : i32 from vector<16xi32>
      %eq3A_753 = arith.constant 1 : i32
      %eq3A_754 = arith.cmpi eq, %mul3A_724, %eq3A_753 : i32
      %mul3A_755 = arith.constant 16 : i32
      %mul3A_756 = arith.muli %sub3A_694, %mul3A_755 : i32
      %add3A_757 = arith.addi %mul3A_756, %max3A_727 : i32
      %select_n3A_758 = arith.select %eq3A_754, %add3A_757, %scan3A_692 : i32
      %eq3A_759 = arith.constant 1 : i32
      %eq3A_760 = arith.cmpi eq, %mul3A_724, %eq3A_759 : i32
      %sub3A_761 = arith.subi %reduce_max3A_739, %reduce_max3A_752 : i32
      %sub3A_762 = arith.subi %scan3A_693, %sub3A_761 : i32
      %select_n3A_763 = arith.select %eq3A_760, %sub3A_762, %scan3A_693 : i32
      %or3A_764 = arith.ori %scan3A_691, %mul3A_724 : i32
      %broadcast_in_dim3A_765 = arith.constant true
      %broadcast_in_dim3A_766 = vector.broadcast %broadcast_in_dim3A_765 : i1 to vector<16xi1>
      %masked_cumsum3A_767 = tpu.scan <sum>, %get3A_698 masked %broadcast_in_dim3A_766 : vector<16xi32>, vector<16xi1> -> vector<16xi32>
      %reduce_max3A_768 = arith.constant true
      %reduce_max3A_769 = vector.broadcast %reduce_max3A_768 : i1 to vector<16xi1>
      %reduce_max3A_770 = arith.constant -2147483648 : i32
      %reduce_max3A_771 = vector.broadcast %reduce_max3A_770 : i32 to vector<16xi32>
      %reduce_max3A_772 = arith.xori %masked_cumsum3A_767, %reduce_max3A_771 : vector<16xi32>
      %reduce_max3A_773 = tpu.scan <max>, %reduce_max3A_772 masked %reduce_max3A_769 : vector<16xi32>, vector<16xi1> -> vector<16xi32>
      %reduce_max3A_774 = arith.xori %reduce_max3A_773, %reduce_max3A_771 : vector<16xi32>
      %reduce_max3A_775 = vector.extract %reduce_max3A_774[15] : i32 from vector<16xi32>
      %add3A_776 = arith.addi %scan3A_690, %reduce_max3A_775 : i32
      scf.yield %add3A_776, %or3A_764, %select_n3A_758, %select_n3A_763 : i32, i32, i32, i32
    }
    %scan3A_334 = arith.constant 16 : i32
    %shift_left3A_335 = arith.constant 8 : i32
    %shift_left3A_336 = arith.shli %or3A_255, %shift_left3A_335 : i32
    %or3A_337 = arith.ori %shift_left3A_336, %scan3A_333#2 : i32
    %xor3A = arith.xori %or3A_337, %squeeze3A_5 : i32
    %scan3A_338 = arith.constant 0 : i32
    %scan3A_339 = arith.constant 0 : i32
    %scan3A_340 = arith.constant 512 : i32
    %scan3A_341 = arith.addi %scan3A_339, %scan3A_340 : i32
    %scan3A_342 = arith.constant 1 : i32
    %scan3A_343 = scf.for %scan3A_689 = %scan3A_339 to %scan3A_341 step %scan3A_342 iter_args(%scan3A_690 = %scan3A_338) -> (i32)  : i32 {
      %mul3A_691 = arith.constant 16 : i32
      %mul3A_692 = arith.muli %scan3A_689, %mul3A_691 : i32
      %get3A_693 = arith.index_cast %mul3A_692 : i32 to index
      %get3A_694 = tpu.vector_load %arg6[%get3A_693] {strides = array<i32>} : memref<8192xf32, #tpu.memory_space<vmem>>, vector<16xf32>,
      %bitcast_convert_type3A = tpu.bitcast %get3A_694 : vector<16xf32> -> vector<16xi32>
      %lt3A = arith.constant 0 : i32
      %lt3A_695 = vector.broadcast %lt3A : i32 to vector<16xi32>
      %lt3A_696 = arith.cmpi slt, %bitcast_convert_type3A, %lt3A_695 : vector<16xi32>
      %and3A = vector.broadcast %squeeze3A : i32 to vector<16xi32>
      %and3A_697 = arith.andi %bitcast_convert_type3A, %and3A : vector<16xi32>
      %sub3A = arith.constant -1 : i32
      %sub3A_698 = vector.broadcast %sub3A : i32 to vector<16xi32>
      %sub3A_699 = arith.subi %sub3A_698, %and3A_697 : vector<16xi32>
      %select_n3A = arith.select %lt3A_696, %sub3A_699, %bitcast_convert_type3A : vector<16xi1>, vector<16xi32>
      %xor3A_700 = vector.broadcast %squeeze3A_5 : i32 to vector<16xi32>
      %xor3A_701 = arith.xori %select_n3A, %xor3A_700 : vector<16xi32>
      %xor3A_702 = vector.broadcast %squeeze3A_5 : i32 to vector<16xi32>
      %xor3A_703 = arith.xori %xor3A_701, %xor3A_702 : vector<16xi32>
      %gt3A = vector.broadcast %xor3A : i32 to vector<16xi32>
      %gt3A_704 = arith.cmpi sgt, %xor3A_703, %gt3A : vector<16xi32>
      %convert_element_type3A = arith.extui %gt3A_704 : vector<16xi1> to vector<16xi32>
      %eq3A = vector.broadcast %xor3A : i32 to vector<16xi32>
      %eq3A_705 = arith.cmpi eq, %xor3A_703, %eq3A : vector<16xi32>
      %convert_element_type3A_706 = arith.extui %eq3A_705 : vector<16xi1> to vector<16xi32>
      %broadcast_in_dim3A_707 = arith.constant true
      %broadcast_in_dim3A_708 = vector.broadcast %broadcast_in_dim3A_707 : i1 to vector<16xi1>
      %masked_cumsum3A = tpu.scan <sum>, %convert_element_type3A_706 masked %broadcast_in_dim3A_708 : vector<16xi32>, vector<16xi1> -> vector<16xi32>
      %add3A_709 = vector.broadcast %scan3A_690 : i32 to vector<16xi32>
      %add3A_710 = arith.addi %add3A_709, %masked_cumsum3A : vector<16xi32>
      %le3A = vector.broadcast %scan3A_333#3 : i32 to vector<16xi32>
      %le3A_711 = arith.cmpi sle, %add3A_710, %le3A : vector<16xi32>
      %jit3A = arith.constant 1 : i32
      %jit3A_712 = arith.constant 0 : i32
      %broadcast_in_dim3A_713 = vector.broadcast %jit3A : i32 to vector<16xi32>
      %broadcast_in_dim3A_714 = vector.broadcast %jit3A_712 : i32 to vector<16xi32>
      %select_n3A_715 = arith.select %le3A_711, %broadcast_in_dim3A_713, %broadcast_in_dim3A_714 : vector<16xi1>, vector<16xi32>
      %mul3A_716 = arith.muli %convert_element_type3A_706, %select_n3A_715 : vector<16xi32>
      %or3A_717 = arith.ori %convert_element_type3A, %mul3A_716 : vector<16xi32>
      %mul3A_718 = arith.constant 16 : i32
      %mul3A_719 = arith.muli %scan3A_689, %mul3A_718 : i32
      %swap3A_720 = arith.index_cast %mul3A_719 : i32 to index
      %swap3A_721 = tpu.vector_load %arg7[%swap3A_720] {strides = array<i32>} : memref<8192xi32, #tpu.memory_space<vmem>>, vector<16xi32>,
      tpu.vector_store %arg7[%swap3A_720], %or3A_717 {strides = array<i32>} : memref<8192xi32, #tpu.memory_space<vmem>>, vector<16xi32>,
      %reduce_max3A = arith.constant true
      %reduce_max3A_722 = vector.broadcast %reduce_max3A : i1 to vector<16xi1>
      %reduce_max3A_723 = arith.constant -2147483648 : i32
      %reduce_max3A_724 = vector.broadcast %reduce_max3A_723 : i32 to vector<16xi32>
      %reduce_max3A_725 = arith.xori %masked_cumsum3A, %reduce_max3A_724 : vector<16xi32>
      %reduce_max3A_726 = tpu.scan <max>, %reduce_max3A_725 masked %reduce_max3A_722 : vector<16xi32>, vector<16xi1> -> vector<16xi32>
      %reduce_max3A_727 = arith.xori %reduce_max3A_726, %reduce_max3A_724 : vector<16xi32>
      %reduce_max3A_728 = vector.extract %reduce_max3A_727[15] : i32 from vector<16xi32>
      %add3A_729 = arith.addi %scan3A_690, %reduce_max3A_728 : i32
      scf.yield %add3A_729 : i32
    }
    %scan3A_344 = arith.constant 512 : i32
    "tpu.region"() ({
      %run_scoped3A = tpu.sem_alloc : memref<!tpu.dma_semaphore, #tpu.memory_space<semaphore_mem>>
      %dma_start3A = arith.constant 0 : i32
      %dma_start3A_689 = tpu.memref_slice %arg5[%add3A_10, %dma_start3A] : memref<64x8192xi32, #tpu.memory_space<hbm>> -> memref<1x8192xi32, #tpu.memory_space<hbm>>
      %dma_start3A_690 = tpu.memref_squeeze %dma_start3A_689 : memref<1x8192xi32, #tpu.memory_space<hbm>> -> memref<8192xi32, #tpu.memory_space<hbm>>
      %dma_start3A_691 = arith.constant 0 : i32
      %dma_start3A_692 = tpu.memref_slice %arg5[%add3A_10, %dma_start3A_691] : memref<64x8192xi32, #tpu.memory_space<hbm>> -> memref<1x8192xi32, #tpu.memory_space<hbm>>
      %dma_start3A_693 = tpu.memref_squeeze %dma_start3A_692 : memref<1x8192xi32, #tpu.memory_space<hbm>> -> memref<8192xi32, #tpu.memory_space<hbm>>
      tpu.enqueue_dma source(%arg7 : memref<8192xi32, #tpu.memory_space<vmem>>) target(%dma_start3A_693 : memref<8192xi32, #tpu.memory_space<hbm>>) target_semaphore(%run_scoped3A : memref<!tpu.dma_semaphore, #tpu.memory_space<semaphore_mem>>)
      %dma_wait3A = arith.constant 0 : i32
      %dma_wait3A_694 = tpu.memref_slice %arg5[%add3A_10, %dma_wait3A] : memref<64x8192xi32, #tpu.memory_space<hbm>> -> memref<1x8192xi32, #tpu.memory_space<hbm>>
      %dma_wait3A_695 = tpu.memref_squeeze %dma_wait3A_694 : memref<1x8192xi32, #tpu.memory_space<hbm>> -> memref<8192xi32, #tpu.memory_space<hbm>>
      %dma_wait3A_696 = arith.constant 0 : i32
      %dma_wait3A_697 = tpu.memref_slice %arg5[%add3A_10, %dma_wait3A_696] : memref<64x8192xi32, #tpu.memory_space<hbm>> -> memref<1x8192xi32, #tpu.memory_space<hbm>>
      %dma_wait3A_698 = tpu.memref_squeeze %dma_wait3A_697 : memref<1x8192xi32, #tpu.memory_space<hbm>> -> memref<8192xi32, #tpu.memory_space<hbm>>
      tpu.wait_dma2 semaphore(%run_scoped3A : memref<!tpu.dma_semaphore, #tpu.memory_space<semaphore_mem>>) src(%arg7 : memref<8192xi32, #tpu.memory_space<vmem>>) dst(%dma_wait3A_698 : memref<8192xi32, #tpu.memory_space<hbm>>)
      tpu.yield
    }) : () -> ()
    %mul3A_345 = arith.constant 2 : i32
    %mul3A_346 = arith.muli %add3A, %mul3A_345 : i32
    %add3A_347 = arith.constant 1 : i32
    %add3A_348 = arith.addi %mul3A_346, %add3A_347 : i32
    "tpu.region"() ({
      %run_scoped3A = tpu.sem_alloc : memref<!tpu.dma_semaphore, #tpu.memory_space<semaphore_mem>>
      %dma_start3A = arith.constant 0 : i32
      %dma_start3A_689 = tpu.memref_slice %arg2[%add3A_348, %dma_start3A] : memref<64x8192xf32, #tpu.memory_space<hbm>> -> memref<1x8192xf32, #tpu.memory_space<hbm>>
      %dma_start3A_690 = tpu.memref_squeeze %dma_start3A_689 : memref<1x8192xf32, #tpu.memory_space<hbm>> -> memref<8192xf32, #tpu.memory_space<hbm>>
      %dma_start3A_691 = arith.constant 0 : i32
      %dma_start3A_692 = tpu.memref_slice %arg2[%add3A_348, %dma_start3A_691] : memref<64x8192xf32, #tpu.memory_space<hbm>> -> memref<1x8192xf32, #tpu.memory_space<hbm>>
      %dma_start3A_693 = tpu.memref_squeeze %dma_start3A_692 : memref<1x8192xf32, #tpu.memory_space<hbm>> -> memref<8192xf32, #tpu.memory_space<hbm>>
      tpu.enqueue_dma source(%dma_start3A_693 : memref<8192xf32, #tpu.memory_space<hbm>>) target(%arg6 : memref<8192xf32, #tpu.memory_space<vmem>>) target_semaphore(%run_scoped3A : memref<!tpu.dma_semaphore, #tpu.memory_space<semaphore_mem>>)
      %dma_wait3A = arith.constant 0 : i32
      %dma_wait3A_694 = tpu.memref_slice %arg2[%add3A_348, %dma_wait3A] : memref<64x8192xf32, #tpu.memory_space<hbm>> -> memref<1x8192xf32, #tpu.memory_space<hbm>>
      %dma_wait3A_695 = tpu.memref_squeeze %dma_wait3A_694 : memref<1x8192xf32, #tpu.memory_space<hbm>> -> memref<8192xf32, #tpu.memory_space<hbm>>
      %dma_wait3A_696 = arith.constant 0 : i32
      %dma_wait3A_697 = tpu.memref_slice %arg2[%add3A_348, %dma_wait3A_696] : memref<64x8192xf32, #tpu.memory_space<hbm>> -> memref<1x8192xf32, #tpu.memory_space<hbm>>
      %dma_wait3A_698 = tpu.memref_squeeze %dma_wait3A_697 : memref<1x8192xf32, #tpu.memory_space<hbm>> -> memref<8192xf32, #tpu.memory_space<hbm>>
      tpu.wait_dma2 semaphore(%run_scoped3A : memref<!tpu.dma_semaphore, #tpu.memory_space<semaphore_mem>>) src(%dma_wait3A_698 : memref<8192xf32, #tpu.memory_space<hbm>>) dst(%arg6 : memref<8192xf32, #tpu.memory_space<vmem>>)
      tpu.yield
    }) : () -> ()
    %broadcast_in_dim3A_349 = arith.constant 1 : i32
    %broadcast_in_dim3A_350 = vector.broadcast %broadcast_in_dim3A_349 : i32 to vector<16xi32>
    %broadcast_in_dim3A_351 = arith.constant 0 : i32
    %broadcast_in_dim3A_352 = vector.broadcast %broadcast_in_dim3A_351 : i32 to vector<16xi32>
    %swap3A_353 = arith.constant 0 : index
    %swap3A_354 = tpu.vector_load %arg8[%swap3A_353] {strides = array<i32>} : memref<256xi32, #tpu.memory_space<vmem>>, vector<16xi32>,
    tpu.vector_store %arg8[%swap3A_353], %broadcast_in_dim3A_352 {strides = array<i32>} : memref<256xi32, #tpu.memory_space<vmem>>, vector<16xi32>,
    %broadcast_in_dim3A_355 = arith.constant 0 : i32
    %broadcast_in_dim3A_356 = vector.broadcast %broadcast_in_dim3A_355 : i32 to vector<16xi32>
    %swap3A_357 = arith.constant 16 : index
    %swap3A_358 = tpu.vector_load %arg8[%swap3A_357] {strides = array<i32>} : memref<256xi32, #tpu.memory_space<vmem>>, vector<16xi32>,
    tpu.vector_store %arg8[%swap3A_357], %broadcast_in_dim3A_356 {strides = array<i32>} : memref<256xi32, #tpu.memory_space<vmem>>, vector<16xi32>,
    %broadcast_in_dim3A_359 = arith.constant 0 : i32
    %broadcast_in_dim3A_360 = vector.broadcast %broadcast_in_dim3A_359 : i32 to vector<16xi32>
    %swap3A_361 = arith.constant 32 : index
    %swap3A_362 = tpu.vector_load %arg8[%swap3A_361] {strides = array<i32>} : memref<256xi32, #tpu.memory_space<vmem>>, vector<16xi32>,
    tpu.vector_store %arg8[%swap3A_361], %broadcast_in_dim3A_360 {strides = array<i32>} : memref<256xi32, #tpu.memory_space<vmem>>, vector<16xi32>,
    %broadcast_in_dim3A_363 = arith.constant 0 : i32
    %broadcast_in_dim3A_364 = vector.broadcast %broadcast_in_dim3A_363 : i32 to vector<16xi32>
    %swap3A_365 = arith.constant 48 : index
    %swap3A_366 = tpu.vector_load %arg8[%swap3A_365] {strides = array<i32>} : memref<256xi32, #tpu.memory_space<vmem>>, vector<16xi32>,
    tpu.vector_store %arg8[%swap3A_365], %broadcast_in_dim3A_364 {strides = array<i32>} : memref<256xi32, #tpu.memory_space<vmem>>, vector<16xi32>,
    %broadcast_in_dim3A_367 = arith.constant 0 : i32
    %broadcast_in_dim3A_368 = vector.broadcast %broadcast_in_dim3A_367 : i32 to vector<16xi32>
    %swap3A_369 = arith.constant 64 : index
    %swap3A_370 = tpu.vector_load %arg8[%swap3A_369] {strides = array<i32>} : memref<256xi32, #tpu.memory_space<vmem>>, vector<16xi32>,
    tpu.vector_store %arg8[%swap3A_369], %broadcast_in_dim3A_368 {strides = array<i32>} : memref<256xi32, #tpu.memory_space<vmem>>, vector<16xi32>,
    %broadcast_in_dim3A_371 = arith.constant 0 : i32
    %broadcast_in_dim3A_372 = vector.broadcast %broadcast_in_dim3A_371 : i32 to vector<16xi32>
    %swap3A_373 = arith.constant 80 : index
    %swap3A_374 = tpu.vector_load %arg8[%swap3A_373] {strides = array<i32>} : memref<256xi32, #tpu.memory_space<vmem>>, vector<16xi32>,
    tpu.vector_store %arg8[%swap3A_373], %broadcast_in_dim3A_372 {strides = array<i32>} : memref<256xi32, #tpu.memory_space<vmem>>, vector<16xi32>,
    %broadcast_in_dim3A_375 = arith.constant 0 : i32
    %broadcast_in_dim3A_376 = vector.broadcast %broadcast_in_dim3A_375 : i32 to vector<16xi32>
    %swap3A_377 = arith.constant 96 : index
    %swap3A_378 = tpu.vector_load %arg8[%swap3A_377] {strides = array<i32>} : memref<256xi32, #tpu.memory_space<vmem>>, vector<16xi32>,
    tpu.vector_store %arg8[%swap3A_377], %broadcast_in_dim3A_376 {strides = array<i32>} : memref<256xi32, #tpu.memory_space<vmem>>, vector<16xi32>,
    %broadcast_in_dim3A_379 = arith.constant 0 : i32
    %broadcast_in_dim3A_380 = vector.broadcast %broadcast_in_dim3A_379 : i32 to vector<16xi32>
    %swap3A_381 = arith.constant 112 : index
    %swap3A_382 = tpu.vector_load %arg8[%swap3A_381] {strides = array<i32>} : memref<256xi32, #tpu.memory_space<vmem>>, vector<16xi32>,
    tpu.vector_store %arg8[%swap3A_381], %broadcast_in_dim3A_380 {strides = array<i32>} : memref<256xi32, #tpu.memory_space<vmem>>, vector<16xi32>,
    %broadcast_in_dim3A_383 = arith.constant 0 : i32
    %broadcast_in_dim3A_384 = vector.broadcast %broadcast_in_dim3A_383 : i32 to vector<16xi32>
    %swap3A_385 = arith.constant 128 : index
    %swap3A_386 = tpu.vector_load %arg8[%swap3A_385] {strides = array<i32>} : memref<256xi32, #tpu.memory_space<vmem>>, vector<16xi32>,
    tpu.vector_store %arg8[%swap3A_385], %broadcast_in_dim3A_384 {strides = array<i32>} : memref<256xi32, #tpu.memory_space<vmem>>, vector<16xi32>,
    %broadcast_in_dim3A_387 = arith.constant 0 : i32
    %broadcast_in_dim3A_388 = vector.broadcast %broadcast_in_dim3A_387 : i32 to vector<16xi32>
    %swap3A_389 = arith.constant 144 : index
    %swap3A_390 = tpu.vector_load %arg8[%swap3A_389] {strides = array<i32>} : memref<256xi32, #tpu.memory_space<vmem>>, vector<16xi32>,
    tpu.vector_store %arg8[%swap3A_389], %broadcast_in_dim3A_388 {strides = array<i32>} : memref<256xi32, #tpu.memory_space<vmem>>, vector<16xi32>,
    %broadcast_in_dim3A_391 = arith.constant 0 : i32
    %broadcast_in_dim3A_392 = vector.broadcast %broadcast_in_dim3A_391 : i32 to vector<16xi32>
    %swap3A_393 = arith.constant 160 : index
    %swap3A_394 = tpu.vector_load %arg8[%swap3A_393] {strides = array<i32>} : memref<256xi32, #tpu.memory_space<vmem>>, vector<16xi32>,
    tpu.vector_store %arg8[%swap3A_393], %broadcast_in_dim3A_392 {strides = array<i32>} : memref<256xi32, #tpu.memory_space<vmem>>, vector<16xi32>,
    %broadcast_in_dim3A_395 = arith.constant 0 : i32
    %broadcast_in_dim3A_396 = vector.broadcast %broadcast_in_dim3A_395 : i32 to vector<16xi32>
    %swap3A_397 = arith.constant 176 : index
    %swap3A_398 = tpu.vector_load %arg8[%swap3A_397] {strides = array<i32>} : memref<256xi32, #tpu.memory_space<vmem>>, vector<16xi32>,
    tpu.vector_store %arg8[%swap3A_397], %broadcast_in_dim3A_396 {strides = array<i32>} : memref<256xi32, #tpu.memory_space<vmem>>, vector<16xi32>,
    %broadcast_in_dim3A_399 = arith.constant 0 : i32
    %broadcast_in_dim3A_400 = vector.broadcast %broadcast_in_dim3A_399 : i32 to vector<16xi32>
    %swap3A_401 = arith.constant 192 : index
    %swap3A_402 = tpu.vector_load %arg8[%swap3A_401] {strides = array<i32>} : memref<256xi32, #tpu.memory_space<vmem>>, vector<16xi32>,
    tpu.vector_store %arg8[%swap3A_401], %broadcast_in_dim3A_400 {strides = array<i32>} : memref<256xi32, #tpu.memory_space<vmem>>, vector<16xi32>,
    %broadcast_in_dim3A_403 = arith.constant 0 : i32
    %broadcast_in_dim3A_404 = vector.broadcast %broadcast_in_dim3A_403 : i32 to vector<16xi32>
    %swap3A_405 = arith.constant 208 : index
    %swap3A_406 = tpu.vector_load %arg8[%swap3A_405] {strides = array<i32>} : memref<256xi32, #tpu.memory_space<vmem>>, vector<16xi32>,
    tpu.vector_store %arg8[%swap3A_405], %broadcast_in_dim3A_404 {strides = array<i32>} : memref<256xi32, #tpu.memory_space<vmem>>, vector<16xi32>,
    %broadcast_in_dim3A_407 = arith.constant 0 : i32
    %broadcast_in_dim3A_408 = vector.broadcast %broadcast_in_dim3A_407 : i32 to vector<16xi32>
    %swap3A_409 = arith.constant 224 : index
    %swap3A_410 = tpu.vector_load %arg8[%swap3A_409] {strides = array<i32>} : memref<256xi32, #tpu.memory_space<vmem>>, vector<16xi32>,
    tpu.vector_store %arg8[%swap3A_409], %broadcast_in_dim3A_408 {strides = array<i32>} : memref<256xi32, #tpu.memory_space<vmem>>, vector<16xi32>,
    %broadcast_in_dim3A_411 = arith.constant 0 : i32
    %broadcast_in_dim3A_412 = vector.broadcast %broadcast_in_dim3A_411 : i32 to vector<16xi32>
    %swap3A_413 = arith.constant 240 : index
    %swap3A_414 = tpu.vector_load %arg8[%swap3A_413] {strides = array<i32>} : memref<256xi32, #tpu.memory_space<vmem>>, vector<16xi32>,
    tpu.vector_store %arg8[%swap3A_413], %broadcast_in_dim3A_412 {strides = array<i32>} : memref<256xi32, #tpu.memory_space<vmem>>, vector<16xi32>,
    %scan3A_415 = arith.constant 0 : i32
    %scan3A_416 = arith.constant 0 : i32
    %scan3A_417 = arith.constant 512 : i32
    %scan3A_418 = arith.addi %scan3A_416, %scan3A_417 : i32
    %scan3A_419 = arith.constant 1 : i32
    scf.for %scan3A_689 = %scan3A_416 to %scan3A_418 step %scan3A_419  : i32 {
      %mul3A_690 = arith.constant 16 : i32
      %mul3A_691 = arith.muli %scan3A_689, %mul3A_690 : i32
      %get3A_692 = arith.index_cast %mul3A_691 : i32 to index
      %get3A_693 = tpu.vector_load %arg6[%get3A_692] {strides = array<i32>} : memref<8192xf32, #tpu.memory_space<vmem>>, vector<16xf32>,
      %bitcast_convert_type3A = tpu.bitcast %get3A_693 : vector<16xf32> -> vector<16xi32>
      %lt3A = arith.constant 0 : i32
      %lt3A_694 = vector.broadcast %lt3A : i32 to vector<16xi32>
      %lt3A_695 = arith.cmpi slt, %bitcast_convert_type3A, %lt3A_694 : vector<16xi32>
      %and3A = vector.broadcast %squeeze3A : i32 to vector<16xi32>
      %and3A_696 = arith.andi %bitcast_convert_type3A, %and3A : vector<16xi32>
      %sub3A = arith.constant -1 : i32
      %sub3A_697 = vector.broadcast %sub3A : i32 to vector<16xi32>
      %sub3A_698 = arith.subi %sub3A_697, %and3A_696 : vector<16xi32>
      %select_n3A = arith.select %lt3A_695, %sub3A_698, %bitcast_convert_type3A : vector<16xi1>, vector<16xi32>
      %xor3A_699 = vector.broadcast %squeeze3A_5 : i32 to vector<16xi32>
      %xor3A_700 = arith.xori %select_n3A, %xor3A_699 : vector<16xi32>
      %shift_right_logical3A = arith.constant 24 : i32
      %shift_right_logical3A_701 = vector.broadcast %shift_right_logical3A : i32 to vector<16xi32>
      %shift_right_logical3A_702 = arith.shrui %xor3A_700, %shift_right_logical3A_701 : vector<16xi32>
      %and3A_703 = arith.constant 255 : i32
      %and3A_704 = vector.broadcast %and3A_703 : i32 to vector<16xi32>
      %and3A_705 = arith.andi %shift_right_logical3A_702, %and3A_704 : vector<16xi32>
      tpu.vector_store_idx %arg8[%and3A_705], %broadcast_in_dim3A_350 {add = true} : memref<256xi32, #tpu.memory_space<vmem>>[vector<16xi32>], vector<16xi32>,
    }
    %scan3A_420 = arith.constant 512 : i32
    %scan3A_421 = arith.constant 0 : i32
    %scan3A_422 = arith.constant 0 : i32
    %scan3A_423 = arith.constant 0 : i32
    %scan3A_424 = arith.constant 513 : i32
    %scan3A_425 = arith.constant 0 : i32
    %scan3A_426 = arith.constant 16 : i32
    %scan3A_427 = arith.addi %scan3A_425, %scan3A_426 : i32
    %scan3A_428 = arith.constant 1 : i32
    %scan3A_429:4 = scf.for %scan3A_689 = %scan3A_425 to %scan3A_427 step %scan3A_428 iter_args(%scan3A_690 = %scan3A_421, %scan3A_691 = %scan3A_422, %scan3A_692 = %scan3A_423, %scan3A_693 = %scan3A_424) -> (i32, i32, i32, i32)  : i32 {
      %sub3A = arith.constant 15 : i32
      %sub3A_694 = arith.subi %sub3A, %scan3A_689 : i32
      %mul3A_695 = arith.constant 16 : i32
      %mul3A_696 = arith.muli %sub3A_694, %mul3A_695 : i32
      %get3A_697 = arith.index_cast %mul3A_696 : i32 to index
      %get3A_698 = tpu.vector_load %arg8[%get3A_697] {strides = array<i32>} : memref<256xi32, #tpu.memory_space<vmem>>, vector<16xi32>,
      %rev3A = arith.constant 15 : i32
      %rev3A_699 = vector.broadcast %rev3A : i32 to vector<16xi32>
      %rev3A_700 = tpu.iota {dimensions = array<i32: 0>} : vector<16xi32>
      %rev3A_701 = arith.subi %rev3A_699, %rev3A_700 : vector<16xi32>
      %rev3A_702 = tpu.dynamic_gather %get3A_698[%rev3A_701] in [0] : vector<16xi32>, vector<16xi32> -> vector<16xi32>
      %broadcast_in_dim3A_703 = arith.constant true
      %broadcast_in_dim3A_704 = vector.broadcast %broadcast_in_dim3A_703 : i1 to vector<16xi1>
      %masked_cumsum3A = tpu.scan <sum>, %rev3A_702 masked %broadcast_in_dim3A_704 : vector<16xi32>, vector<16xi1> -> vector<16xi32>
      %rev3A_705 = arith.constant 15 : i32
      %rev3A_706 = vector.broadcast %rev3A_705 : i32 to vector<16xi32>
      %rev3A_707 = tpu.iota {dimensions = array<i32: 0>} : vector<16xi32>
      %rev3A_708 = arith.subi %rev3A_706, %rev3A_707 : vector<16xi32>
      %rev3A_709 = tpu.dynamic_gather %masked_cumsum3A[%rev3A_708] in [0] : vector<16xi32>, vector<16xi32> -> vector<16xi32>
      %add3A_710 = vector.broadcast %scan3A_690 : i32 to vector<16xi32>
      %add3A_711 = arith.addi %rev3A_709, %add3A_710 : vector<16xi32>
      %ge3A = vector.broadcast %scan3A_693 : i32 to vector<16xi32>
      %ge3A_712 = arith.cmpi sge, %add3A_711, %ge3A : vector<16xi32>
      %all_reduce_population_count3A = tpu.all_reduce %ge3A_712 {dim = 0 : i64, kind = #tpu.reduction_kind<sum>} : vector<16xi1> -> vector<16xi32>
      %reduce_max3A = arith.constant true
      %reduce_max3A_713 = vector.broadcast %reduce_max3A : i1 to vector<16xi1>
      %reduce_max3A_714 = arith.constant -2147483648 : i32
      %reduce_max3A_715 = vector.broadcast %reduce_max3A_714 : i32 to vector<16xi32>
      %reduce_max3A_716 = arith.xori %all_reduce_population_count3A, %reduce_max3A_715 : vector<16xi32>
      %reduce_max3A_717 = tpu.scan <max>, %reduce_max3A_716 masked %reduce_max3A_713 : vector<16xi32>, vector<16xi1> -> vector<16xi32>
      %reduce_max3A_718 = arith.xori %reduce_max3A_717, %reduce_max3A_715 : vector<16xi32>
      %reduce_max3A_719 = vector.extract %reduce_max3A_718[15] : i32 from vector<16xi32>
      %sub3A_720 = arith.constant 1 : i32
      %sub3A_721 = arith.subi %sub3A_720, %scan3A_691 : i32
      %gt3A = arith.constant 0 : i32
      %gt3A_722 = arith.cmpi sgt, %reduce_max3A_719, %gt3A : i32
      %jit3A = arith.constant 1 : i32
      %jit3A_723 = arith.constant 0 : i32
      %select_n3A = arith.select %gt3A_722, %jit3A, %jit3A_723 : i32
      %mul3A_724 = arith.muli %sub3A_721, %select_n3A : i32
      %sub3A_725 = arith.constant 1 : i32
      %sub3A_726 = arith.subi %reduce_max3A_719, %sub3A_725 : i32
      %max3A = arith.constant 0 : i32
      %max3A_727 = arith.maxsi %sub3A_726, %max3A : i32
      %iota3A = tpu.iota {dimensions = array<i32: 0>} : vector<16xi32>
      %eq3A = vector.broadcast %max3A_727 : i32 to vector<16xi32>
      %eq3A_728 = arith.cmpi eq, %iota3A, %eq3A : vector<16xi32>
      %jit3A_729 = arith.constant -2147483647 : i32
      %broadcast_in_dim3A_730 = vector.broadcast %jit3A_729 : i32 to vector<16xi32>
      %select_n3A_731 = arith.select %eq3A_728, %add3A_711, %broadcast_in_dim3A_730 : vector<16xi1>, vector<16xi32>
      %reduce_max3A_732 = arith.constant true
      %reduce_max3A_733 = vector.broadcast %reduce_max3A_732 : i1 to vector<16xi1>
      %reduce_max3A_734 = arith.constant -2147483648 : i32
      %reduce_max3A_735 = vector.broadcast %reduce_max3A_734 : i32 to vector<16xi32>
      %reduce_max3A_736 = arith.xori %select_n3A_731, %reduce_max3A_735 : vector<16xi32>
      %reduce_max3A_737 = tpu.scan <max>, %reduce_max3A_736 masked %reduce_max3A_733 : vector<16xi32>, vector<16xi1> -> vector<16xi32>
      %reduce_max3A_738 = arith.xori %reduce_max3A_737, %reduce_max3A_735 : vector<16xi32>
      %reduce_max3A_739 = vector.extract %reduce_max3A_738[15] : i32 from vector<16xi32>
      %eq3A_740 = vector.broadcast %max3A_727 : i32 to vector<16xi32>
      %eq3A_741 = arith.cmpi eq, %iota3A, %eq3A_740 : vector<16xi32>
      %jit3A_742 = arith.constant -2147483647 : i32
      %broadcast_in_dim3A_743 = vector.broadcast %jit3A_742 : i32 to vector<16xi32>
      %select_n3A_744 = arith.select %eq3A_741, %get3A_698, %broadcast_in_dim3A_743 : vector<16xi1>, vector<16xi32>
      %reduce_max3A_745 = arith.constant true
      %reduce_max3A_746 = vector.broadcast %reduce_max3A_745 : i1 to vector<16xi1>
      %reduce_max3A_747 = arith.constant -2147483648 : i32
      %reduce_max3A_748 = vector.broadcast %reduce_max3A_747 : i32 to vector<16xi32>
      %reduce_max3A_749 = arith.xori %select_n3A_744, %reduce_max3A_748 : vector<16xi32>
      %reduce_max3A_750 = tpu.scan <max>, %reduce_max3A_749 masked %reduce_max3A_746 : vector<16xi32>, vector<16xi1> -> vector<16xi32>
      %reduce_max3A_751 = arith.xori %reduce_max3A_750, %reduce_max3A_748 : vector<16xi32>
      %reduce_max3A_752 = vector.extract %reduce_max3A_751[15] : i32 from vector<16xi32>
      %eq3A_753 = arith.constant 1 : i32
      %eq3A_754 = arith.cmpi eq, %mul3A_724, %eq3A_753 : i32
      %mul3A_755 = arith.constant 16 : i32
      %mul3A_756 = arith.muli %sub3A_694, %mul3A_755 : i32
      %add3A_757 = arith.addi %mul3A_756, %max3A_727 : i32
      %select_n3A_758 = arith.select %eq3A_754, %add3A_757, %scan3A_692 : i32
      %eq3A_759 = arith.constant 1 : i32
      %eq3A_760 = arith.cmpi eq, %mul3A_724, %eq3A_759 : i32
      %sub3A_761 = arith.subi %reduce_max3A_739, %reduce_max3A_752 : i32
      %sub3A_762 = arith.subi %scan3A_693, %sub3A_761 : i32
      %select_n3A_763 = arith.select %eq3A_760, %sub3A_762, %scan3A_693 : i32
      %or3A_764 = arith.ori %scan3A_691, %mul3A_724 : i32
      %broadcast_in_dim3A_765 = arith.constant true
      %broadcast_in_dim3A_766 = vector.broadcast %broadcast_in_dim3A_765 : i1 to vector<16xi1>
      %masked_cumsum3A_767 = tpu.scan <sum>, %get3A_698 masked %broadcast_in_dim3A_766 : vector<16xi32>, vector<16xi1> -> vector<16xi32>
      %reduce_max3A_768 = arith.constant true
      %reduce_max3A_769 = vector.broadcast %reduce_max3A_768 : i1 to vector<16xi1>
      %reduce_max3A_770 = arith.constant -2147483648 : i32
      %reduce_max3A_771 = vector.broadcast %reduce_max3A_770 : i32 to vector<16xi32>
      %reduce_max3A_772 = arith.xori %masked_cumsum3A_767, %reduce_max3A_771 : vector<16xi32>
      %reduce_max3A_773 = tpu.scan <max>, %reduce_max3A_772 masked %reduce_max3A_769 : vector<16xi32>, vector<16xi1> -> vector<16xi32>
      %reduce_max3A_774 = arith.xori %reduce_max3A_773, %reduce_max3A_771 : vector<16xi32>
      %reduce_max3A_775 = vector.extract %reduce_max3A_774[15] : i32 from vector<16xi32>
      %add3A_776 = arith.addi %scan3A_690, %reduce_max3A_775 : i32
      scf.yield %add3A_776, %or3A_764, %select_n3A_758, %select_n3A_763 : i32, i32, i32, i32
    }
    %scan3A_430 = arith.constant 16 : i32
    %shift_left3A_431 = arith.constant 0 : i32
    %shift_left3A_432 = arith.constant 8 : i32
    %shift_left3A_433 = arith.shli %shift_left3A_431, %shift_left3A_432 : i32
    %or3A_434 = arith.ori %shift_left3A_433, %scan3A_429#2 : i32
    %broadcast_in_dim3A_435 = arith.constant 0 : i32
    %broadcast_in_dim3A_436 = vector.broadcast %broadcast_in_dim3A_435 : i32 to vector<16xi32>
    %swap3A_437 = arith.constant 0 : index
    %swap3A_438 = tpu.vector_load %arg8[%swap3A_437] {strides = array<i32>} : memref<256xi32, #tpu.memory_space<vmem>>, vector<16xi32>,
    tpu.vector_store %arg8[%swap3A_437], %broadcast_in_dim3A_436 {strides = array<i32>} : memref<256xi32, #tpu.memory_space<vmem>>, vector<16xi32>,
    %broadcast_in_dim3A_439 = arith.constant 0 : i32
    %broadcast_in_dim3A_440 = vector.broadcast %broadcast_in_dim3A_439 : i32 to vector<16xi32>
    %swap3A_441 = arith.constant 16 : index
    %swap3A_442 = tpu.vector_load %arg8[%swap3A_441] {strides = array<i32>} : memref<256xi32, #tpu.memory_space<vmem>>, vector<16xi32>,
    tpu.vector_store %arg8[%swap3A_441], %broadcast_in_dim3A_440 {strides = array<i32>} : memref<256xi32, #tpu.memory_space<vmem>>, vector<16xi32>,
    %broadcast_in_dim3A_443 = arith.constant 0 : i32
    %broadcast_in_dim3A_444 = vector.broadcast %broadcast_in_dim3A_443 : i32 to vector<16xi32>
    %swap3A_445 = arith.constant 32 : index
    %swap3A_446 = tpu.vector_load %arg8[%swap3A_445] {strides = array<i32>} : memref<256xi32, #tpu.memory_space<vmem>>, vector<16xi32>,
    tpu.vector_store %arg8[%swap3A_445], %broadcast_in_dim3A_444 {strides = array<i32>} : memref<256xi32, #tpu.memory_space<vmem>>, vector<16xi32>,
    %broadcast_in_dim3A_447 = arith.constant 0 : i32
    %broadcast_in_dim3A_448 = vector.broadcast %broadcast_in_dim3A_447 : i32 to vector<16xi32>
    %swap3A_449 = arith.constant 48 : index
    %swap3A_450 = tpu.vector_load %arg8[%swap3A_449] {strides = array<i32>} : memref<256xi32, #tpu.memory_space<vmem>>, vector<16xi32>,
    tpu.vector_store %arg8[%swap3A_449], %broadcast_in_dim3A_448 {strides = array<i32>} : memref<256xi32, #tpu.memory_space<vmem>>, vector<16xi32>,
    %broadcast_in_dim3A_451 = arith.constant 0 : i32
    %broadcast_in_dim3A_452 = vector.broadcast %broadcast_in_dim3A_451 : i32 to vector<16xi32>
    %swap3A_453 = arith.constant 64 : index
    %swap3A_454 = tpu.vector_load %arg8[%swap3A_453] {strides = array<i32>} : memref<256xi32, #tpu.memory_space<vmem>>, vector<16xi32>,
    tpu.vector_store %arg8[%swap3A_453], %broadcast_in_dim3A_452 {strides = array<i32>} : memref<256xi32, #tpu.memory_space<vmem>>, vector<16xi32>,
    %broadcast_in_dim3A_455 = arith.constant 0 : i32
    %broadcast_in_dim3A_456 = vector.broadcast %broadcast_in_dim3A_455 : i32 to vector<16xi32>
    %swap3A_457 = arith.constant 80 : index
    %swap3A_458 = tpu.vector_load %arg8[%swap3A_457] {strides = array<i32>} : memref<256xi32, #tpu.memory_space<vmem>>, vector<16xi32>,
    tpu.vector_store %arg8[%swap3A_457], %broadcast_in_dim3A_456 {strides = array<i32>} : memref<256xi32, #tpu.memory_space<vmem>>, vector<16xi32>,
    %broadcast_in_dim3A_459 = arith.constant 0 : i32
    %broadcast_in_dim3A_460 = vector.broadcast %broadcast_in_dim3A_459 : i32 to vector<16xi32>
    %swap3A_461 = arith.constant 96 : index
    %swap3A_462 = tpu.vector_load %arg8[%swap3A_461] {strides = array<i32>} : memref<256xi32, #tpu.memory_space<vmem>>, vector<16xi32>,
    tpu.vector_store %arg8[%swap3A_461], %broadcast_in_dim3A_460 {strides = array<i32>} : memref<256xi32, #tpu.memory_space<vmem>>, vector<16xi32>,
    %broadcast_in_dim3A_463 = arith.constant 0 : i32
    %broadcast_in_dim3A_464 = vector.broadcast %broadcast_in_dim3A_463 : i32 to vector<16xi32>
    %swap3A_465 = arith.constant 112 : index
    %swap3A_466 = tpu.vector_load %arg8[%swap3A_465] {strides = array<i32>} : memref<256xi32, #tpu.memory_space<vmem>>, vector<16xi32>,
    tpu.vector_store %arg8[%swap3A_465], %broadcast_in_dim3A_464 {strides = array<i32>} : memref<256xi32, #tpu.memory_space<vmem>>, vector<16xi32>,
    %broadcast_in_dim3A_467 = arith.constant 0 : i32
    %broadcast_in_dim3A_468 = vector.broadcast %broadcast_in_dim3A_467 : i32 to vector<16xi32>
    %swap3A_469 = arith.constant 128 : index
    %swap3A_470 = tpu.vector_load %arg8[%swap3A_469] {strides = array<i32>} : memref<256xi32, #tpu.memory_space<vmem>>, vector<16xi32>,
    tpu.vector_store %arg8[%swap3A_469], %broadcast_in_dim3A_468 {strides = array<i32>} : memref<256xi32, #tpu.memory_space<vmem>>, vector<16xi32>,
    %broadcast_in_dim3A_471 = arith.constant 0 : i32
    %broadcast_in_dim3A_472 = vector.broadcast %broadcast_in_dim3A_471 : i32 to vector<16xi32>
    %swap3A_473 = arith.constant 144 : index
    %swap3A_474 = tpu.vector_load %arg8[%swap3A_473] {strides = array<i32>} : memref<256xi32, #tpu.memory_space<vmem>>, vector<16xi32>,
    tpu.vector_store %arg8[%swap3A_473], %broadcast_in_dim3A_472 {strides = array<i32>} : memref<256xi32, #tpu.memory_space<vmem>>, vector<16xi32>,
    %broadcast_in_dim3A_475 = arith.constant 0 : i32
    %broadcast_in_dim3A_476 = vector.broadcast %broadcast_in_dim3A_475 : i32 to vector<16xi32>
    %swap3A_477 = arith.constant 160 : index
    %swap3A_478 = tpu.vector_load %arg8[%swap3A_477] {strides = array<i32>} : memref<256xi32, #tpu.memory_space<vmem>>, vector<16xi32>,
    tpu.vector_store %arg8[%swap3A_477], %broadcast_in_dim3A_476 {strides = array<i32>} : memref<256xi32, #tpu.memory_space<vmem>>, vector<16xi32>,
    %broadcast_in_dim3A_479 = arith.constant 0 : i32
    %broadcast_in_dim3A_480 = vector.broadcast %broadcast_in_dim3A_479 : i32 to vector<16xi32>
    %swap3A_481 = arith.constant 176 : index
    %swap3A_482 = tpu.vector_load %arg8[%swap3A_481] {strides = array<i32>} : memref<256xi32, #tpu.memory_space<vmem>>, vector<16xi32>,
    tpu.vector_store %arg8[%swap3A_481], %broadcast_in_dim3A_480 {strides = array<i32>} : memref<256xi32, #tpu.memory_space<vmem>>, vector<16xi32>,
    %broadcast_in_dim3A_483 = arith.constant 0 : i32
    %broadcast_in_dim3A_484 = vector.broadcast %broadcast_in_dim3A_483 : i32 to vector<16xi32>
    %swap3A_485 = arith.constant 192 : index
    %swap3A_486 = tpu.vector_load %arg8[%swap3A_485] {strides = array<i32>} : memref<256xi32, #tpu.memory_space<vmem>>, vector<16xi32>,
    tpu.vector_store %arg8[%swap3A_485], %broadcast_in_dim3A_484 {strides = array<i32>} : memref<256xi32, #tpu.memory_space<vmem>>, vector<16xi32>,
    %broadcast_in_dim3A_487 = arith.constant 0 : i32
    %broadcast_in_dim3A_488 = vector.broadcast %broadcast_in_dim3A_487 : i32 to vector<16xi32>
    %swap3A_489 = arith.constant 208 : index
    %swap3A_490 = tpu.vector_load %arg8[%swap3A_489] {strides = array<i32>} : memref<256xi32, #tpu.memory_space<vmem>>, vector<16xi32>,
    tpu.vector_store %arg8[%swap3A_489], %broadcast_in_dim3A_488 {strides = array<i32>} : memref<256xi32, #tpu.memory_space<vmem>>, vector<16xi32>,
    %broadcast_in_dim3A_491 = arith.constant 0 : i32
    %broadcast_in_dim3A_492 = vector.broadcast %broadcast_in_dim3A_491 : i32 to vector<16xi32>
    %swap3A_493 = arith.constant 224 : index
    %swap3A_494 = tpu.vector_load %arg8[%swap3A_493] {strides = array<i32>} : memref<256xi32, #tpu.memory_space<vmem>>, vector<16xi32>,
    tpu.vector_store %arg8[%swap3A_493], %broadcast_in_dim3A_492 {strides = array<i32>} : memref<256xi32, #tpu.memory_space<vmem>>, vector<16xi32>,
    %broadcast_in_dim3A_495 = arith.constant 0 : i32
    %broadcast_in_dim3A_496 = vector.broadcast %broadcast_in_dim3A_495 : i32 to vector<16xi32>
    %swap3A_497 = arith.constant 240 : index
    %swap3A_498 = tpu.vector_load %arg8[%swap3A_497] {strides = array<i32>} : memref<256xi32, #tpu.memory_space<vmem>>, vector<16xi32>,
    tpu.vector_store %arg8[%swap3A_497], %broadcast_in_dim3A_496 {strides = array<i32>} : memref<256xi32, #tpu.memory_space<vmem>>, vector<16xi32>,
    %scan3A_499 = arith.constant 0 : i32
    %scan3A_500 = arith.constant 0 : i32
    %scan3A_501 = arith.constant 512 : i32
    %scan3A_502 = arith.addi %scan3A_500, %scan3A_501 : i32
    %scan3A_503 = arith.constant 1 : i32
    scf.for %scan3A_689 = %scan3A_500 to %scan3A_502 step %scan3A_503  : i32 {
      %mul3A_690 = arith.constant 16 : i32
      %mul3A_691 = arith.muli %scan3A_689, %mul3A_690 : i32
      %get3A_692 = arith.index_cast %mul3A_691 : i32 to index
      %get3A_693 = tpu.vector_load %arg6[%get3A_692] {strides = array<i32>} : memref<8192xf32, #tpu.memory_space<vmem>>, vector<16xf32>,
      %bitcast_convert_type3A = tpu.bitcast %get3A_693 : vector<16xf32> -> vector<16xi32>
      %lt3A = arith.constant 0 : i32
      %lt3A_694 = vector.broadcast %lt3A : i32 to vector<16xi32>
      %lt3A_695 = arith.cmpi slt, %bitcast_convert_type3A, %lt3A_694 : vector<16xi32>
      %and3A = vector.broadcast %squeeze3A : i32 to vector<16xi32>
      %and3A_696 = arith.andi %bitcast_convert_type3A, %and3A : vector<16xi32>
      %sub3A = arith.constant -1 : i32
      %sub3A_697 = vector.broadcast %sub3A : i32 to vector<16xi32>
      %sub3A_698 = arith.subi %sub3A_697, %and3A_696 : vector<16xi32>
      %select_n3A = arith.select %lt3A_695, %sub3A_698, %bitcast_convert_type3A : vector<16xi1>, vector<16xi32>
      %xor3A_699 = vector.broadcast %squeeze3A_5 : i32 to vector<16xi32>
      %xor3A_700 = arith.xori %select_n3A, %xor3A_699 : vector<16xi32>
      %shift_right_logical3A = arith.constant 16 : i32
      %shift_right_logical3A_701 = vector.broadcast %shift_right_logical3A : i32 to vector<16xi32>
      %shift_right_logical3A_702 = arith.shrui %xor3A_700, %shift_right_logical3A_701 : vector<16xi32>
      %and3A_703 = arith.constant 255 : i32
      %and3A_704 = vector.broadcast %and3A_703 : i32 to vector<16xi32>
      %and3A_705 = arith.andi %shift_right_logical3A_702, %and3A_704 : vector<16xi32>
      %shift_right_logical3A_706 = arith.constant 24 : i32
      %shift_right_logical3A_707 = vector.broadcast %shift_right_logical3A_706 : i32 to vector<16xi32>
      %shift_right_logical3A_708 = arith.shrui %xor3A_700, %shift_right_logical3A_707 : vector<16xi32>
      %eq3A = vector.broadcast %or3A_434 : i32 to vector<16xi32>
      %eq3A_709 = arith.cmpi eq, %shift_right_logical3A_708, %eq3A : vector<16xi32>
      tpu.vector_store_idx %arg8[%and3A_705], %broadcast_in_dim3A_350 masked %eq3A_709 {add = true} : memref<256xi32, #tpu.memory_space<vmem>>[vector<16xi32>], vector<16xi32>, vector<16xi1>
    }
    %scan3A_504 = arith.constant 512 : i32
    %scan3A_505 = arith.constant 0 : i32
    %scan3A_506 = arith.constant 0 : i32
    %scan3A_507 = arith.constant 0 : i32
    %scan3A_508 = arith.constant 0 : i32
    %scan3A_509 = arith.constant 16 : i32
    %scan3A_510 = arith.addi %scan3A_508, %scan3A_509 : i32
    %scan3A_511 = arith.constant 1 : i32
    %scan3A_512:4 = scf.for %scan3A_689 = %scan3A_508 to %scan3A_510 step %scan3A_511 iter_args(%scan3A_690 = %scan3A_505, %scan3A_691 = %scan3A_506, %scan3A_692 = %scan3A_507, %scan3A_693 = %scan3A_429#3) -> (i32, i32, i32, i32)  : i32 {
      %sub3A = arith.constant 15 : i32
      %sub3A_694 = arith.subi %sub3A, %scan3A_689 : i32
      %mul3A_695 = arith.constant 16 : i32
      %mul3A_696 = arith.muli %sub3A_694, %mul3A_695 : i32
      %get3A_697 = arith.index_cast %mul3A_696 : i32 to index
      %get3A_698 = tpu.vector_load %arg8[%get3A_697] {strides = array<i32>} : memref<256xi32, #tpu.memory_space<vmem>>, vector<16xi32>,
      %rev3A = arith.constant 15 : i32
      %rev3A_699 = vector.broadcast %rev3A : i32 to vector<16xi32>
      %rev3A_700 = tpu.iota {dimensions = array<i32: 0>} : vector<16xi32>
      %rev3A_701 = arith.subi %rev3A_699, %rev3A_700 : vector<16xi32>
      %rev3A_702 = tpu.dynamic_gather %get3A_698[%rev3A_701] in [0] : vector<16xi32>, vector<16xi32> -> vector<16xi32>
      %broadcast_in_dim3A_703 = arith.constant true
      %broadcast_in_dim3A_704 = vector.broadcast %broadcast_in_dim3A_703 : i1 to vector<16xi1>
      %masked_cumsum3A = tpu.scan <sum>, %rev3A_702 masked %broadcast_in_dim3A_704 : vector<16xi32>, vector<16xi1> -> vector<16xi32>
      %rev3A_705 = arith.constant 15 : i32
      %rev3A_706 = vector.broadcast %rev3A_705 : i32 to vector<16xi32>
      %rev3A_707 = tpu.iota {dimensions = array<i32: 0>} : vector<16xi32>
      %rev3A_708 = arith.subi %rev3A_706, %rev3A_707 : vector<16xi32>
      %rev3A_709 = tpu.dynamic_gather %masked_cumsum3A[%rev3A_708] in [0] : vector<16xi32>, vector<16xi32> -> vector<16xi32>
      %add3A_710 = vector.broadcast %scan3A_690 : i32 to vector<16xi32>
      %add3A_711 = arith.addi %rev3A_709, %add3A_710 : vector<16xi32>
      %ge3A = vector.broadcast %scan3A_693 : i32 to vector<16xi32>
      %ge3A_712 = arith.cmpi sge, %add3A_711, %ge3A : vector<16xi32>
      %all_reduce_population_count3A = tpu.all_reduce %ge3A_712 {dim = 0 : i64, kind = #tpu.reduction_kind<sum>} : vector<16xi1> -> vector<16xi32>
      %reduce_max3A = arith.constant true
      %reduce_max3A_713 = vector.broadcast %reduce_max3A : i1 to vector<16xi1>
      %reduce_max3A_714 = arith.constant -2147483648 : i32
      %reduce_max3A_715 = vector.broadcast %reduce_max3A_714 : i32 to vector<16xi32>
      %reduce_max3A_716 = arith.xori %all_reduce_population_count3A, %reduce_max3A_715 : vector<16xi32>
      %reduce_max3A_717 = tpu.scan <max>, %reduce_max3A_716 masked %reduce_max3A_713 : vector<16xi32>, vector<16xi1> -> vector<16xi32>
      %reduce_max3A_718 = arith.xori %reduce_max3A_717, %reduce_max3A_715 : vector<16xi32>
      %reduce_max3A_719 = vector.extract %reduce_max3A_718[15] : i32 from vector<16xi32>
      %sub3A_720 = arith.constant 1 : i32
      %sub3A_721 = arith.subi %sub3A_720, %scan3A_691 : i32
      %gt3A = arith.constant 0 : i32
      %gt3A_722 = arith.cmpi sgt, %reduce_max3A_719, %gt3A : i32
      %jit3A = arith.constant 1 : i32
      %jit3A_723 = arith.constant 0 : i32
      %select_n3A = arith.select %gt3A_722, %jit3A, %jit3A_723 : i32
      %mul3A_724 = arith.muli %sub3A_721, %select_n3A : i32
      %sub3A_725 = arith.constant 1 : i32
      %sub3A_726 = arith.subi %reduce_max3A_719, %sub3A_725 : i32
      %max3A = arith.constant 0 : i32
      %max3A_727 = arith.maxsi %sub3A_726, %max3A : i32
      %iota3A = tpu.iota {dimensions = array<i32: 0>} : vector<16xi32>
      %eq3A = vector.broadcast %max3A_727 : i32 to vector<16xi32>
      %eq3A_728 = arith.cmpi eq, %iota3A, %eq3A : vector<16xi32>
      %jit3A_729 = arith.constant -2147483647 : i32
      %broadcast_in_dim3A_730 = vector.broadcast %jit3A_729 : i32 to vector<16xi32>
      %select_n3A_731 = arith.select %eq3A_728, %add3A_711, %broadcast_in_dim3A_730 : vector<16xi1>, vector<16xi32>
      %reduce_max3A_732 = arith.constant true
      %reduce_max3A_733 = vector.broadcast %reduce_max3A_732 : i1 to vector<16xi1>
      %reduce_max3A_734 = arith.constant -2147483648 : i32
      %reduce_max3A_735 = vector.broadcast %reduce_max3A_734 : i32 to vector<16xi32>
      %reduce_max3A_736 = arith.xori %select_n3A_731, %reduce_max3A_735 : vector<16xi32>
      %reduce_max3A_737 = tpu.scan <max>, %reduce_max3A_736 masked %reduce_max3A_733 : vector<16xi32>, vector<16xi1> -> vector<16xi32>
      %reduce_max3A_738 = arith.xori %reduce_max3A_737, %reduce_max3A_735 : vector<16xi32>
      %reduce_max3A_739 = vector.extract %reduce_max3A_738[15] : i32 from vector<16xi32>
      %eq3A_740 = vector.broadcast %max3A_727 : i32 to vector<16xi32>
      %eq3A_741 = arith.cmpi eq, %iota3A, %eq3A_740 : vector<16xi32>
      %jit3A_742 = arith.constant -2147483647 : i32
      %broadcast_in_dim3A_743 = vector.broadcast %jit3A_742 : i32 to vector<16xi32>
      %select_n3A_744 = arith.select %eq3A_741, %get3A_698, %broadcast_in_dim3A_743 : vector<16xi1>, vector<16xi32>
      %reduce_max3A_745 = arith.constant true
      %reduce_max3A_746 = vector.broadcast %reduce_max3A_745 : i1 to vector<16xi1>
      %reduce_max3A_747 = arith.constant -2147483648 : i32
      %reduce_max3A_748 = vector.broadcast %reduce_max3A_747 : i32 to vector<16xi32>
      %reduce_max3A_749 = arith.xori %select_n3A_744, %reduce_max3A_748 : vector<16xi32>
      %reduce_max3A_750 = tpu.scan <max>, %reduce_max3A_749 masked %reduce_max3A_746 : vector<16xi32>, vector<16xi1> -> vector<16xi32>
      %reduce_max3A_751 = arith.xori %reduce_max3A_750, %reduce_max3A_748 : vector<16xi32>
      %reduce_max3A_752 = vector.extract %reduce_max3A_751[15] : i32 from vector<16xi32>
      %eq3A_753 = arith.constant 1 : i32
      %eq3A_754 = arith.cmpi eq, %mul3A_724, %eq3A_753 : i32
      %mul3A_755 = arith.constant 16 : i32
      %mul3A_756 = arith.muli %sub3A_694, %mul3A_755 : i32
      %add3A_757 = arith.addi %mul3A_756, %max3A_727 : i32
      %select_n3A_758 = arith.select %eq3A_754, %add3A_757, %scan3A_692 : i32
      %eq3A_759 = arith.constant 1 : i32
      %eq3A_760 = arith.cmpi eq, %mul3A_724, %eq3A_759 : i32
      %sub3A_761 = arith.subi %reduce_max3A_739, %reduce_max3A_752 : i32
      %sub3A_762 = arith.subi %scan3A_693, %sub3A_761 : i32
      %select_n3A_763 = arith.select %eq3A_760, %sub3A_762, %scan3A_693 : i32
      %or3A_764 = arith.ori %scan3A_691, %mul3A_724 : i32
      %broadcast_in_dim3A_765 = arith.constant true
      %broadcast_in_dim3A_766 = vector.broadcast %broadcast_in_dim3A_765 : i1 to vector<16xi1>
      %masked_cumsum3A_767 = tpu.scan <sum>, %get3A_698 masked %broadcast_in_dim3A_766 : vector<16xi32>, vector<16xi1> -> vector<16xi32>
      %reduce_max3A_768 = arith.constant true
      %reduce_max3A_769 = vector.broadcast %reduce_max3A_768 : i1 to vector<16xi1>
      %reduce_max3A_770 = arith.constant -2147483648 : i32
      %reduce_max3A_771 = vector.broadcast %reduce_max3A_770 : i32 to vector<16xi32>
      %reduce_max3A_772 = arith.xori %masked_cumsum3A_767, %reduce_max3A_771 : vector<16xi32>
      %reduce_max3A_773 = tpu.scan <max>, %reduce_max3A_772 masked %reduce_max3A_769 : vector<16xi32>, vector<16xi1> -> vector<16xi32>
      %reduce_max3A_774 = arith.xori %reduce_max3A_773, %reduce_max3A_771 : vector<16xi32>
      %reduce_max3A_775 = vector.extract %reduce_max3A_774[15] : i32 from vector<16xi32>
      %add3A_776 = arith.addi %scan3A_690, %reduce_max3A_775 : i32
      scf.yield %add3A_776, %or3A_764, %select_n3A_758, %select_n3A_763 : i32, i32, i32, i32
    }
    %scan3A_513 = arith.constant 16 : i32
    %shift_left3A_514 = arith.constant 8 : i32
    %shift_left3A_515 = arith.shli %or3A_434, %shift_left3A_514 : i32
    %or3A_516 = arith.ori %shift_left3A_515, %scan3A_512#2 : i32
    %broadcast_in_dim3A_517 = arith.constant 0 : i32
    %broadcast_in_dim3A_518 = vector.broadcast %broadcast_in_dim3A_517 : i32 to vector<16xi32>
    %swap3A_519 = arith.constant 0 : index
    %swap3A_520 = tpu.vector_load %arg8[%swap3A_519] {strides = array<i32>} : memref<256xi32, #tpu.memory_space<vmem>>, vector<16xi32>,
    tpu.vector_store %arg8[%swap3A_519], %broadcast_in_dim3A_518 {strides = array<i32>} : memref<256xi32, #tpu.memory_space<vmem>>, vector<16xi32>,
    %broadcast_in_dim3A_521 = arith.constant 0 : i32
    %broadcast_in_dim3A_522 = vector.broadcast %broadcast_in_dim3A_521 : i32 to vector<16xi32>
    %swap3A_523 = arith.constant 16 : index
    %swap3A_524 = tpu.vector_load %arg8[%swap3A_523] {strides = array<i32>} : memref<256xi32, #tpu.memory_space<vmem>>, vector<16xi32>,
    tpu.vector_store %arg8[%swap3A_523], %broadcast_in_dim3A_522 {strides = array<i32>} : memref<256xi32, #tpu.memory_space<vmem>>, vector<16xi32>,
    %broadcast_in_dim3A_525 = arith.constant 0 : i32
    %broadcast_in_dim3A_526 = vector.broadcast %broadcast_in_dim3A_525 : i32 to vector<16xi32>
    %swap3A_527 = arith.constant 32 : index
    %swap3A_528 = tpu.vector_load %arg8[%swap3A_527] {strides = array<i32>} : memref<256xi32, #tpu.memory_space<vmem>>, vector<16xi32>,
    tpu.vector_store %arg8[%swap3A_527], %broadcast_in_dim3A_526 {strides = array<i32>} : memref<256xi32, #tpu.memory_space<vmem>>, vector<16xi32>,
    %broadcast_in_dim3A_529 = arith.constant 0 : i32
    %broadcast_in_dim3A_530 = vector.broadcast %broadcast_in_dim3A_529 : i32 to vector<16xi32>
    %swap3A_531 = arith.constant 48 : index
    %swap3A_532 = tpu.vector_load %arg8[%swap3A_531] {strides = array<i32>} : memref<256xi32, #tpu.memory_space<vmem>>, vector<16xi32>,
    tpu.vector_store %arg8[%swap3A_531], %broadcast_in_dim3A_530 {strides = array<i32>} : memref<256xi32, #tpu.memory_space<vmem>>, vector<16xi32>,
    %broadcast_in_dim3A_533 = arith.constant 0 : i32
    %broadcast_in_dim3A_534 = vector.broadcast %broadcast_in_dim3A_533 : i32 to vector<16xi32>
    %swap3A_535 = arith.constant 64 : index
    %swap3A_536 = tpu.vector_load %arg8[%swap3A_535] {strides = array<i32>} : memref<256xi32, #tpu.memory_space<vmem>>, vector<16xi32>,
    tpu.vector_store %arg8[%swap3A_535], %broadcast_in_dim3A_534 {strides = array<i32>} : memref<256xi32, #tpu.memory_space<vmem>>, vector<16xi32>,
    %broadcast_in_dim3A_537 = arith.constant 0 : i32
    %broadcast_in_dim3A_538 = vector.broadcast %broadcast_in_dim3A_537 : i32 to vector<16xi32>
    %swap3A_539 = arith.constant 80 : index
    %swap3A_540 = tpu.vector_load %arg8[%swap3A_539] {strides = array<i32>} : memref<256xi32, #tpu.memory_space<vmem>>, vector<16xi32>,
    tpu.vector_store %arg8[%swap3A_539], %broadcast_in_dim3A_538 {strides = array<i32>} : memref<256xi32, #tpu.memory_space<vmem>>, vector<16xi32>,
    %broadcast_in_dim3A_541 = arith.constant 0 : i32
    %broadcast_in_dim3A_542 = vector.broadcast %broadcast_in_dim3A_541 : i32 to vector<16xi32>
    %swap3A_543 = arith.constant 96 : index
    %swap3A_544 = tpu.vector_load %arg8[%swap3A_543] {strides = array<i32>} : memref<256xi32, #tpu.memory_space<vmem>>, vector<16xi32>,
    tpu.vector_store %arg8[%swap3A_543], %broadcast_in_dim3A_542 {strides = array<i32>} : memref<256xi32, #tpu.memory_space<vmem>>, vector<16xi32>,
    %broadcast_in_dim3A_545 = arith.constant 0 : i32
    %broadcast_in_dim3A_546 = vector.broadcast %broadcast_in_dim3A_545 : i32 to vector<16xi32>
    %swap3A_547 = arith.constant 112 : index
    %swap3A_548 = tpu.vector_load %arg8[%swap3A_547] {strides = array<i32>} : memref<256xi32, #tpu.memory_space<vmem>>, vector<16xi32>,
    tpu.vector_store %arg8[%swap3A_547], %broadcast_in_dim3A_546 {strides = array<i32>} : memref<256xi32, #tpu.memory_space<vmem>>, vector<16xi32>,
    %broadcast_in_dim3A_549 = arith.constant 0 : i32
    %broadcast_in_dim3A_550 = vector.broadcast %broadcast_in_dim3A_549 : i32 to vector<16xi32>
    %swap3A_551 = arith.constant 128 : index
    %swap3A_552 = tpu.vector_load %arg8[%swap3A_551] {strides = array<i32>} : memref<256xi32, #tpu.memory_space<vmem>>, vector<16xi32>,
    tpu.vector_store %arg8[%swap3A_551], %broadcast_in_dim3A_550 {strides = array<i32>} : memref<256xi32, #tpu.memory_space<vmem>>, vector<16xi32>,
    %broadcast_in_dim3A_553 = arith.constant 0 : i32
    %broadcast_in_dim3A_554 = vector.broadcast %broadcast_in_dim3A_553 : i32 to vector<16xi32>
    %swap3A_555 = arith.constant 144 : index
    %swap3A_556 = tpu.vector_load %arg8[%swap3A_555] {strides = array<i32>} : memref<256xi32, #tpu.memory_space<vmem>>, vector<16xi32>,
    tpu.vector_store %arg8[%swap3A_555], %broadcast_in_dim3A_554 {strides = array<i32>} : memref<256xi32, #tpu.memory_space<vmem>>, vector<16xi32>,
    %broadcast_in_dim3A_557 = arith.constant 0 : i32
    %broadcast_in_dim3A_558 = vector.broadcast %broadcast_in_dim3A_557 : i32 to vector<16xi32>
    %swap3A_559 = arith.constant 160 : index
    %swap3A_560 = tpu.vector_load %arg8[%swap3A_559] {strides = array<i32>} : memref<256xi32, #tpu.memory_space<vmem>>, vector<16xi32>,
    tpu.vector_store %arg8[%swap3A_559], %broadcast_in_dim3A_558 {strides = array<i32>} : memref<256xi32, #tpu.memory_space<vmem>>, vector<16xi32>,
    %broadcast_in_dim3A_561 = arith.constant 0 : i32
    %broadcast_in_dim3A_562 = vector.broadcast %broadcast_in_dim3A_561 : i32 to vector<16xi32>
    %swap3A_563 = arith.constant 176 : index
    %swap3A_564 = tpu.vector_load %arg8[%swap3A_563] {strides = array<i32>} : memref<256xi32, #tpu.memory_space<vmem>>, vector<16xi32>,
    tpu.vector_store %arg8[%swap3A_563], %broadcast_in_dim3A_562 {strides = array<i32>} : memref<256xi32, #tpu.memory_space<vmem>>, vector<16xi32>,
    %broadcast_in_dim3A_565 = arith.constant 0 : i32
    %broadcast_in_dim3A_566 = vector.broadcast %broadcast_in_dim3A_565 : i32 to vector<16xi32>
    %swap3A_567 = arith.constant 192 : index
    %swap3A_568 = tpu.vector_load %arg8[%swap3A_567] {strides = array<i32>} : memref<256xi32, #tpu.memory_space<vmem>>, vector<16xi32>,
    tpu.vector_store %arg8[%swap3A_567], %broadcast_in_dim3A_566 {strides = array<i32>} : memref<256xi32, #tpu.memory_space<vmem>>, vector<16xi32>,
    %broadcast_in_dim3A_569 = arith.constant 0 : i32
    %broadcast_in_dim3A_570 = vector.broadcast %broadcast_in_dim3A_569 : i32 to vector<16xi32>
    %swap3A_571 = arith.constant 208 : index
    %swap3A_572 = tpu.vector_load %arg8[%swap3A_571] {strides = array<i32>} : memref<256xi32, #tpu.memory_space<vmem>>, vector<16xi32>,
    tpu.vector_store %arg8[%swap3A_571], %broadcast_in_dim3A_570 {strides = array<i32>} : memref<256xi32, #tpu.memory_space<vmem>>, vector<16xi32>,
    %broadcast_in_dim3A_573 = arith.constant 0 : i32
    %broadcast_in_dim3A_574 = vector.broadcast %broadcast_in_dim3A_573 : i32 to vector<16xi32>
    %swap3A_575 = arith.constant 224 : index
    %swap3A_576 = tpu.vector_load %arg8[%swap3A_575] {strides = array<i32>} : memref<256xi32, #tpu.memory_space<vmem>>, vector<16xi32>,
    tpu.vector_store %arg8[%swap3A_575], %broadcast_in_dim3A_574 {strides = array<i32>} : memref<256xi32, #tpu.memory_space<vmem>>, vector<16xi32>,
    %broadcast_in_dim3A_577 = arith.constant 0 : i32
    %broadcast_in_dim3A_578 = vector.broadcast %broadcast_in_dim3A_577 : i32 to vector<16xi32>
    %swap3A_579 = arith.constant 240 : index
    %swap3A_580 = tpu.vector_load %arg8[%swap3A_579] {strides = array<i32>} : memref<256xi32, #tpu.memory_space<vmem>>, vector<16xi32>,
    tpu.vector_store %arg8[%swap3A_579], %broadcast_in_dim3A_578 {strides = array<i32>} : memref<256xi32, #tpu.memory_space<vmem>>, vector<16xi32>,
    %scan3A_581 = arith.constant 0 : i32
    %scan3A_582 = arith.constant 0 : i32
    %scan3A_583 = arith.constant 512 : i32
    %scan3A_584 = arith.addi %scan3A_582, %scan3A_583 : i32
    %scan3A_585 = arith.constant 1 : i32
    scf.for %scan3A_689 = %scan3A_582 to %scan3A_584 step %scan3A_585  : i32 {
      %mul3A_690 = arith.constant 16 : i32
      %mul3A_691 = arith.muli %scan3A_689, %mul3A_690 : i32
      %get3A_692 = arith.index_cast %mul3A_691 : i32 to index
      %get3A_693 = tpu.vector_load %arg6[%get3A_692] {strides = array<i32>} : memref<8192xf32, #tpu.memory_space<vmem>>, vector<16xf32>,
      %bitcast_convert_type3A = tpu.bitcast %get3A_693 : vector<16xf32> -> vector<16xi32>
      %lt3A = arith.constant 0 : i32
      %lt3A_694 = vector.broadcast %lt3A : i32 to vector<16xi32>
      %lt3A_695 = arith.cmpi slt, %bitcast_convert_type3A, %lt3A_694 : vector<16xi32>
      %and3A = vector.broadcast %squeeze3A : i32 to vector<16xi32>
      %and3A_696 = arith.andi %bitcast_convert_type3A, %and3A : vector<16xi32>
      %sub3A = arith.constant -1 : i32
      %sub3A_697 = vector.broadcast %sub3A : i32 to vector<16xi32>
      %sub3A_698 = arith.subi %sub3A_697, %and3A_696 : vector<16xi32>
      %select_n3A = arith.select %lt3A_695, %sub3A_698, %bitcast_convert_type3A : vector<16xi1>, vector<16xi32>
      %xor3A_699 = vector.broadcast %squeeze3A_5 : i32 to vector<16xi32>
      %xor3A_700 = arith.xori %select_n3A, %xor3A_699 : vector<16xi32>
      %shift_right_logical3A = arith.constant 8 : i32
      %shift_right_logical3A_701 = vector.broadcast %shift_right_logical3A : i32 to vector<16xi32>
      %shift_right_logical3A_702 = arith.shrui %xor3A_700, %shift_right_logical3A_701 : vector<16xi32>
      %and3A_703 = arith.constant 255 : i32
      %and3A_704 = vector.broadcast %and3A_703 : i32 to vector<16xi32>
      %and3A_705 = arith.andi %shift_right_logical3A_702, %and3A_704 : vector<16xi32>
      %shift_right_logical3A_706 = arith.constant 16 : i32
      %shift_right_logical3A_707 = vector.broadcast %shift_right_logical3A_706 : i32 to vector<16xi32>
      %shift_right_logical3A_708 = arith.shrui %xor3A_700, %shift_right_logical3A_707 : vector<16xi32>
      %eq3A = vector.broadcast %or3A_516 : i32 to vector<16xi32>
      %eq3A_709 = arith.cmpi eq, %shift_right_logical3A_708, %eq3A : vector<16xi32>
      tpu.vector_store_idx %arg8[%and3A_705], %broadcast_in_dim3A_350 masked %eq3A_709 {add = true} : memref<256xi32, #tpu.memory_space<vmem>>[vector<16xi32>], vector<16xi32>, vector<16xi1>
    }
    %scan3A_586 = arith.constant 512 : i32
    %scan3A_587 = arith.constant 0 : i32
    %scan3A_588 = arith.constant 0 : i32
    %scan3A_589 = arith.constant 0 : i32
    %scan3A_590 = arith.constant 0 : i32
    %scan3A_591 = arith.constant 16 : i32
    %scan3A_592 = arith.addi %scan3A_590, %scan3A_591 : i32
    %scan3A_593 = arith.constant 1 : i32
    %scan3A_594:4 = scf.for %scan3A_689 = %scan3A_590 to %scan3A_592 step %scan3A_593 iter_args(%scan3A_690 = %scan3A_587, %scan3A_691 = %scan3A_588, %scan3A_692 = %scan3A_589, %scan3A_693 = %scan3A_512#3) -> (i32, i32, i32, i32)  : i32 {
      %sub3A = arith.constant 15 : i32
      %sub3A_694 = arith.subi %sub3A, %scan3A_689 : i32
      %mul3A_695 = arith.constant 16 : i32
      %mul3A_696 = arith.muli %sub3A_694, %mul3A_695 : i32
      %get3A_697 = arith.index_cast %mul3A_696 : i32 to index
      %get3A_698 = tpu.vector_load %arg8[%get3A_697] {strides = array<i32>} : memref<256xi32, #tpu.memory_space<vmem>>, vector<16xi32>,
      %rev3A = arith.constant 15 : i32
      %rev3A_699 = vector.broadcast %rev3A : i32 to vector<16xi32>
      %rev3A_700 = tpu.iota {dimensions = array<i32: 0>} : vector<16xi32>
      %rev3A_701 = arith.subi %rev3A_699, %rev3A_700 : vector<16xi32>
      %rev3A_702 = tpu.dynamic_gather %get3A_698[%rev3A_701] in [0] : vector<16xi32>, vector<16xi32> -> vector<16xi32>
      %broadcast_in_dim3A_703 = arith.constant true
      %broadcast_in_dim3A_704 = vector.broadcast %broadcast_in_dim3A_703 : i1 to vector<16xi1>
      %masked_cumsum3A = tpu.scan <sum>, %rev3A_702 masked %broadcast_in_dim3A_704 : vector<16xi32>, vector<16xi1> -> vector<16xi32>
      %rev3A_705 = arith.constant 15 : i32
      %rev3A_706 = vector.broadcast %rev3A_705 : i32 to vector<16xi32>
      %rev3A_707 = tpu.iota {dimensions = array<i32: 0>} : vector<16xi32>
      %rev3A_708 = arith.subi %rev3A_706, %rev3A_707 : vector<16xi32>
      %rev3A_709 = tpu.dynamic_gather %masked_cumsum3A[%rev3A_708] in [0] : vector<16xi32>, vector<16xi32> -> vector<16xi32>
      %add3A_710 = vector.broadcast %scan3A_690 : i32 to vector<16xi32>
      %add3A_711 = arith.addi %rev3A_709, %add3A_710 : vector<16xi32>
      %ge3A = vector.broadcast %scan3A_693 : i32 to vector<16xi32>
      %ge3A_712 = arith.cmpi sge, %add3A_711, %ge3A : vector<16xi32>
      %all_reduce_population_count3A = tpu.all_reduce %ge3A_712 {dim = 0 : i64, kind = #tpu.reduction_kind<sum>} : vector<16xi1> -> vector<16xi32>
      %reduce_max3A = arith.constant true
      %reduce_max3A_713 = vector.broadcast %reduce_max3A : i1 to vector<16xi1>
      %reduce_max3A_714 = arith.constant -2147483648 : i32
      %reduce_max3A_715 = vector.broadcast %reduce_max3A_714 : i32 to vector<16xi32>
      %reduce_max3A_716 = arith.xori %all_reduce_population_count3A, %reduce_max3A_715 : vector<16xi32>
      %reduce_max3A_717 = tpu.scan <max>, %reduce_max3A_716 masked %reduce_max3A_713 : vector<16xi32>, vector<16xi1> -> vector<16xi32>
      %reduce_max3A_718 = arith.xori %reduce_max3A_717, %reduce_max3A_715 : vector<16xi32>
      %reduce_max3A_719 = vector.extract %reduce_max3A_718[15] : i32 from vector<16xi32>
      %sub3A_720 = arith.constant 1 : i32
      %sub3A_721 = arith.subi %sub3A_720, %scan3A_691 : i32
      %gt3A = arith.constant 0 : i32
      %gt3A_722 = arith.cmpi sgt, %reduce_max3A_719, %gt3A : i32
      %jit3A = arith.constant 1 : i32
      %jit3A_723 = arith.constant 0 : i32
      %select_n3A = arith.select %gt3A_722, %jit3A, %jit3A_723 : i32
      %mul3A_724 = arith.muli %sub3A_721, %select_n3A : i32
      %sub3A_725 = arith.constant 1 : i32
      %sub3A_726 = arith.subi %reduce_max3A_719, %sub3A_725 : i32
      %max3A = arith.constant 0 : i32
      %max3A_727 = arith.maxsi %sub3A_726, %max3A : i32
      %iota3A = tpu.iota {dimensions = array<i32: 0>} : vector<16xi32>
      %eq3A = vector.broadcast %max3A_727 : i32 to vector<16xi32>
      %eq3A_728 = arith.cmpi eq, %iota3A, %eq3A : vector<16xi32>
      %jit3A_729 = arith.constant -2147483647 : i32
      %broadcast_in_dim3A_730 = vector.broadcast %jit3A_729 : i32 to vector<16xi32>
      %select_n3A_731 = arith.select %eq3A_728, %add3A_711, %broadcast_in_dim3A_730 : vector<16xi1>, vector<16xi32>
      %reduce_max3A_732 = arith.constant true
      %reduce_max3A_733 = vector.broadcast %reduce_max3A_732 : i1 to vector<16xi1>
      %reduce_max3A_734 = arith.constant -2147483648 : i32
      %reduce_max3A_735 = vector.broadcast %reduce_max3A_734 : i32 to vector<16xi32>
      %reduce_max3A_736 = arith.xori %select_n3A_731, %reduce_max3A_735 : vector<16xi32>
      %reduce_max3A_737 = tpu.scan <max>, %reduce_max3A_736 masked %reduce_max3A_733 : vector<16xi32>, vector<16xi1> -> vector<16xi32>
      %reduce_max3A_738 = arith.xori %reduce_max3A_737, %reduce_max3A_735 : vector<16xi32>
      %reduce_max3A_739 = vector.extract %reduce_max3A_738[15] : i32 from vector<16xi32>
      %eq3A_740 = vector.broadcast %max3A_727 : i32 to vector<16xi32>
      %eq3A_741 = arith.cmpi eq, %iota3A, %eq3A_740 : vector<16xi32>
      %jit3A_742 = arith.constant -2147483647 : i32
      %broadcast_in_dim3A_743 = vector.broadcast %jit3A_742 : i32 to vector<16xi32>
      %select_n3A_744 = arith.select %eq3A_741, %get3A_698, %broadcast_in_dim3A_743 : vector<16xi1>, vector<16xi32>
      %reduce_max3A_745 = arith.constant true
      %reduce_max3A_746 = vector.broadcast %reduce_max3A_745 : i1 to vector<16xi1>
      %reduce_max3A_747 = arith.constant -2147483648 : i32
      %reduce_max3A_748 = vector.broadcast %reduce_max3A_747 : i32 to vector<16xi32>
      %reduce_max3A_749 = arith.xori %select_n3A_744, %reduce_max3A_748 : vector<16xi32>
      %reduce_max3A_750 = tpu.scan <max>, %reduce_max3A_749 masked %reduce_max3A_746 : vector<16xi32>, vector<16xi1> -> vector<16xi32>
      %reduce_max3A_751 = arith.xori %reduce_max3A_750, %reduce_max3A_748 : vector<16xi32>
      %reduce_max3A_752 = vector.extract %reduce_max3A_751[15] : i32 from vector<16xi32>
      %eq3A_753 = arith.constant 1 : i32
      %eq3A_754 = arith.cmpi eq, %mul3A_724, %eq3A_753 : i32
      %mul3A_755 = arith.constant 16 : i32
      %mul3A_756 = arith.muli %sub3A_694, %mul3A_755 : i32
      %add3A_757 = arith.addi %mul3A_756, %max3A_727 : i32
      %select_n3A_758 = arith.select %eq3A_754, %add3A_757, %scan3A_692 : i32
      %eq3A_759 = arith.constant 1 : i32
      %eq3A_760 = arith.cmpi eq, %mul3A_724, %eq3A_759 : i32
      %sub3A_761 = arith.subi %reduce_max3A_739, %reduce_max3A_752 : i32
      %sub3A_762 = arith.subi %scan3A_693, %sub3A_761 : i32
      %select_n3A_763 = arith.select %eq3A_760, %sub3A_762, %scan3A_693 : i32
      %or3A_764 = arith.ori %scan3A_691, %mul3A_724 : i32
      %broadcast_in_dim3A_765 = arith.constant true
      %broadcast_in_dim3A_766 = vector.broadcast %broadcast_in_dim3A_765 : i1 to vector<16xi1>
      %masked_cumsum3A_767 = tpu.scan <sum>, %get3A_698 masked %broadcast_in_dim3A_766 : vector<16xi32>, vector<16xi1> -> vector<16xi32>
      %reduce_max3A_768 = arith.constant true
      %reduce_max3A_769 = vector.broadcast %reduce_max3A_768 : i1 to vector<16xi1>
      %reduce_max3A_770 = arith.constant -2147483648 : i32
      %reduce_max3A_771 = vector.broadcast %reduce_max3A_770 : i32 to vector<16xi32>
      %reduce_max3A_772 = arith.xori %masked_cumsum3A_767, %reduce_max3A_771 : vector<16xi32>
      %reduce_max3A_773 = tpu.scan <max>, %reduce_max3A_772 masked %reduce_max3A_769 : vector<16xi32>, vector<16xi1> -> vector<16xi32>
      %reduce_max3A_774 = arith.xori %reduce_max3A_773, %reduce_max3A_771 : vector<16xi32>
      %reduce_max3A_775 = vector.extract %reduce_max3A_774[15] : i32 from vector<16xi32>
      %add3A_776 = arith.addi %scan3A_690, %reduce_max3A_775 : i32
      scf.yield %add3A_776, %or3A_764, %select_n3A_758, %select_n3A_763 : i32, i32, i32, i32
    }
    %scan3A_595 = arith.constant 16 : i32
    %shift_left3A_596 = arith.constant 8 : i32
    %shift_left3A_597 = arith.shli %or3A_516, %shift_left3A_596 : i32
    %or3A_598 = arith.ori %shift_left3A_597, %scan3A_594#2 : i32
    %broadcast_in_dim3A_599 = arith.constant 0 : i32
    %broadcast_in_dim3A_600 = vector.broadcast %broadcast_in_dim3A_599 : i32 to vector<16xi32>
    %swap3A_601 = arith.constant 0 : index
    %swap3A_602 = tpu.vector_load %arg8[%swap3A_601] {strides = array<i32>} : memref<256xi32, #tpu.memory_space<vmem>>, vector<16xi32>,
    tpu.vector_store %arg8[%swap3A_601], %broadcast_in_dim3A_600 {strides = array<i32>} : memref<256xi32, #tpu.memory_space<vmem>>, vector<16xi32>,
    %broadcast_in_dim3A_603 = arith.constant 0 : i32
    %broadcast_in_dim3A_604 = vector.broadcast %broadcast_in_dim3A_603 : i32 to vector<16xi32>
    %swap3A_605 = arith.constant 16 : index
    %swap3A_606 = tpu.vector_load %arg8[%swap3A_605] {strides = array<i32>} : memref<256xi32, #tpu.memory_space<vmem>>, vector<16xi32>,
    tpu.vector_store %arg8[%swap3A_605], %broadcast_in_dim3A_604 {strides = array<i32>} : memref<256xi32, #tpu.memory_space<vmem>>, vector<16xi32>,
    %broadcast_in_dim3A_607 = arith.constant 0 : i32
    %broadcast_in_dim3A_608 = vector.broadcast %broadcast_in_dim3A_607 : i32 to vector<16xi32>
    %swap3A_609 = arith.constant 32 : index
    %swap3A_610 = tpu.vector_load %arg8[%swap3A_609] {strides = array<i32>} : memref<256xi32, #tpu.memory_space<vmem>>, vector<16xi32>,
    tpu.vector_store %arg8[%swap3A_609], %broadcast_in_dim3A_608 {strides = array<i32>} : memref<256xi32, #tpu.memory_space<vmem>>, vector<16xi32>,
    %broadcast_in_dim3A_611 = arith.constant 0 : i32
    %broadcast_in_dim3A_612 = vector.broadcast %broadcast_in_dim3A_611 : i32 to vector<16xi32>
    %swap3A_613 = arith.constant 48 : index
    %swap3A_614 = tpu.vector_load %arg8[%swap3A_613] {strides = array<i32>} : memref<256xi32, #tpu.memory_space<vmem>>, vector<16xi32>,
    tpu.vector_store %arg8[%swap3A_613], %broadcast_in_dim3A_612 {strides = array<i32>} : memref<256xi32, #tpu.memory_space<vmem>>, vector<16xi32>,
    %broadcast_in_dim3A_615 = arith.constant 0 : i32
    %broadcast_in_dim3A_616 = vector.broadcast %broadcast_in_dim3A_615 : i32 to vector<16xi32>
    %swap3A_617 = arith.constant 64 : index
    %swap3A_618 = tpu.vector_load %arg8[%swap3A_617] {strides = array<i32>} : memref<256xi32, #tpu.memory_space<vmem>>, vector<16xi32>,
    tpu.vector_store %arg8[%swap3A_617], %broadcast_in_dim3A_616 {strides = array<i32>} : memref<256xi32, #tpu.memory_space<vmem>>, vector<16xi32>,
    %broadcast_in_dim3A_619 = arith.constant 0 : i32
    %broadcast_in_dim3A_620 = vector.broadcast %broadcast_in_dim3A_619 : i32 to vector<16xi32>
    %swap3A_621 = arith.constant 80 : index
    %swap3A_622 = tpu.vector_load %arg8[%swap3A_621] {strides = array<i32>} : memref<256xi32, #tpu.memory_space<vmem>>, vector<16xi32>,
    tpu.vector_store %arg8[%swap3A_621], %broadcast_in_dim3A_620 {strides = array<i32>} : memref<256xi32, #tpu.memory_space<vmem>>, vector<16xi32>,
    %broadcast_in_dim3A_623 = arith.constant 0 : i32
    %broadcast_in_dim3A_624 = vector.broadcast %broadcast_in_dim3A_623 : i32 to vector<16xi32>
    %swap3A_625 = arith.constant 96 : index
    %swap3A_626 = tpu.vector_load %arg8[%swap3A_625] {strides = array<i32>} : memref<256xi32, #tpu.memory_space<vmem>>, vector<16xi32>,
    tpu.vector_store %arg8[%swap3A_625], %broadcast_in_dim3A_624 {strides = array<i32>} : memref<256xi32, #tpu.memory_space<vmem>>, vector<16xi32>,
    %broadcast_in_dim3A_627 = arith.constant 0 : i32
    %broadcast_in_dim3A_628 = vector.broadcast %broadcast_in_dim3A_627 : i32 to vector<16xi32>
    %swap3A_629 = arith.constant 112 : index
    %swap3A_630 = tpu.vector_load %arg8[%swap3A_629] {strides = array<i32>} : memref<256xi32, #tpu.memory_space<vmem>>, vector<16xi32>,
    tpu.vector_store %arg8[%swap3A_629], %broadcast_in_dim3A_628 {strides = array<i32>} : memref<256xi32, #tpu.memory_space<vmem>>, vector<16xi32>,
    %broadcast_in_dim3A_631 = arith.constant 0 : i32
    %broadcast_in_dim3A_632 = vector.broadcast %broadcast_in_dim3A_631 : i32 to vector<16xi32>
    %swap3A_633 = arith.constant 128 : index
    %swap3A_634 = tpu.vector_load %arg8[%swap3A_633] {strides = array<i32>} : memref<256xi32, #tpu.memory_space<vmem>>, vector<16xi32>,
    tpu.vector_store %arg8[%swap3A_633], %broadcast_in_dim3A_632 {strides = array<i32>} : memref<256xi32, #tpu.memory_space<vmem>>, vector<16xi32>,
    %broadcast_in_dim3A_635 = arith.constant 0 : i32
    %broadcast_in_dim3A_636 = vector.broadcast %broadcast_in_dim3A_635 : i32 to vector<16xi32>
    %swap3A_637 = arith.constant 144 : index
    %swap3A_638 = tpu.vector_load %arg8[%swap3A_637] {strides = array<i32>} : memref<256xi32, #tpu.memory_space<vmem>>, vector<16xi32>,
    tpu.vector_store %arg8[%swap3A_637], %broadcast_in_dim3A_636 {strides = array<i32>} : memref<256xi32, #tpu.memory_space<vmem>>, vector<16xi32>,
    %broadcast_in_dim3A_639 = arith.constant 0 : i32
    %broadcast_in_dim3A_640 = vector.broadcast %broadcast_in_dim3A_639 : i32 to vector<16xi32>
    %swap3A_641 = arith.constant 160 : index
    %swap3A_642 = tpu.vector_load %arg8[%swap3A_641] {strides = array<i32>} : memref<256xi32, #tpu.memory_space<vmem>>, vector<16xi32>,
    tpu.vector_store %arg8[%swap3A_641], %broadcast_in_dim3A_640 {strides = array<i32>} : memref<256xi32, #tpu.memory_space<vmem>>, vector<16xi32>,
    %broadcast_in_dim3A_643 = arith.constant 0 : i32
    %broadcast_in_dim3A_644 = vector.broadcast %broadcast_in_dim3A_643 : i32 to vector<16xi32>
    %swap3A_645 = arith.constant 176 : index
    %swap3A_646 = tpu.vector_load %arg8[%swap3A_645] {strides = array<i32>} : memref<256xi32, #tpu.memory_space<vmem>>, vector<16xi32>,
    tpu.vector_store %arg8[%swap3A_645], %broadcast_in_dim3A_644 {strides = array<i32>} : memref<256xi32, #tpu.memory_space<vmem>>, vector<16xi32>,
    %broadcast_in_dim3A_647 = arith.constant 0 : i32
    %broadcast_in_dim3A_648 = vector.broadcast %broadcast_in_dim3A_647 : i32 to vector<16xi32>
    %swap3A_649 = arith.constant 192 : index
    %swap3A_650 = tpu.vector_load %arg8[%swap3A_649] {strides = array<i32>} : memref<256xi32, #tpu.memory_space<vmem>>, vector<16xi32>,
    tpu.vector_store %arg8[%swap3A_649], %broadcast_in_dim3A_648 {strides = array<i32>} : memref<256xi32, #tpu.memory_space<vmem>>, vector<16xi32>,
    %broadcast_in_dim3A_651 = arith.constant 0 : i32
    %broadcast_in_dim3A_652 = vector.broadcast %broadcast_in_dim3A_651 : i32 to vector<16xi32>
    %swap3A_653 = arith.constant 208 : index
    %swap3A_654 = tpu.vector_load %arg8[%swap3A_653] {strides = array<i32>} : memref<256xi32, #tpu.memory_space<vmem>>, vector<16xi32>,
    tpu.vector_store %arg8[%swap3A_653], %broadcast_in_dim3A_652 {strides = array<i32>} : memref<256xi32, #tpu.memory_space<vmem>>, vector<16xi32>,
    %broadcast_in_dim3A_655 = arith.constant 0 : i32
    %broadcast_in_dim3A_656 = vector.broadcast %broadcast_in_dim3A_655 : i32 to vector<16xi32>
    %swap3A_657 = arith.constant 224 : index
    %swap3A_658 = tpu.vector_load %arg8[%swap3A_657] {strides = array<i32>} : memref<256xi32, #tpu.memory_space<vmem>>, vector<16xi32>,
    tpu.vector_store %arg8[%swap3A_657], %broadcast_in_dim3A_656 {strides = array<i32>} : memref<256xi32, #tpu.memory_space<vmem>>, vector<16xi32>,
    %broadcast_in_dim3A_659 = arith.constant 0 : i32
    %broadcast_in_dim3A_660 = vector.broadcast %broadcast_in_dim3A_659 : i32 to vector<16xi32>
    %swap3A_661 = arith.constant 240 : index
    %swap3A_662 = tpu.vector_load %arg8[%swap3A_661] {strides = array<i32>} : memref<256xi32, #tpu.memory_space<vmem>>, vector<16xi32>,
    tpu.vector_store %arg8[%swap3A_661], %broadcast_in_dim3A_660 {strides = array<i32>} : memref<256xi32, #tpu.memory_space<vmem>>, vector<16xi32>,
    %scan3A_663 = arith.constant 0 : i32
    %scan3A_664 = arith.constant 0 : i32
    %scan3A_665 = arith.constant 512 : i32
    %scan3A_666 = arith.addi %scan3A_664, %scan3A_665 : i32
    %scan3A_667 = arith.constant 1 : i32
    scf.for %scan3A_689 = %scan3A_664 to %scan3A_666 step %scan3A_667  : i32 {
      %mul3A_690 = arith.constant 16 : i32
      %mul3A_691 = arith.muli %scan3A_689, %mul3A_690 : i32
      %get3A_692 = arith.index_cast %mul3A_691 : i32 to index
      %get3A_693 = tpu.vector_load %arg6[%get3A_692] {strides = array<i32>} : memref<8192xf32, #tpu.memory_space<vmem>>, vector<16xf32>,
      %bitcast_convert_type3A = tpu.bitcast %get3A_693 : vector<16xf32> -> vector<16xi32>
      %lt3A = arith.constant 0 : i32
      %lt3A_694 = vector.broadcast %lt3A : i32 to vector<16xi32>
      %lt3A_695 = arith.cmpi slt, %bitcast_convert_type3A, %lt3A_694 : vector<16xi32>
      %and3A = vector.broadcast %squeeze3A : i32 to vector<16xi32>
      %and3A_696 = arith.andi %bitcast_convert_type3A, %and3A : vector<16xi32>
      %sub3A = arith.constant -1 : i32
      %sub3A_697 = vector.broadcast %sub3A : i32 to vector<16xi32>
      %sub3A_698 = arith.subi %sub3A_697, %and3A_696 : vector<16xi32>
      %select_n3A = arith.select %lt3A_695, %sub3A_698, %bitcast_convert_type3A : vector<16xi1>, vector<16xi32>
      %xor3A_699 = vector.broadcast %squeeze3A_5 : i32 to vector<16xi32>
      %xor3A_700 = arith.xori %select_n3A, %xor3A_699 : vector<16xi32>
      %shift_right_logical3A = arith.constant 0 : i32
      %shift_right_logical3A_701 = vector.broadcast %shift_right_logical3A : i32 to vector<16xi32>
      %shift_right_logical3A_702 = arith.shrui %xor3A_700, %shift_right_logical3A_701 : vector<16xi32>
      %and3A_703 = arith.constant 255 : i32
      %and3A_704 = vector.broadcast %and3A_703 : i32 to vector<16xi32>
      %and3A_705 = arith.andi %shift_right_logical3A_702, %and3A_704 : vector<16xi32>
      %shift_right_logical3A_706 = arith.constant 8 : i32
      %shift_right_logical3A_707 = vector.broadcast %shift_right_logical3A_706 : i32 to vector<16xi32>
      %shift_right_logical3A_708 = arith.shrui %xor3A_700, %shift_right_logical3A_707 : vector<16xi32>
      %eq3A = vector.broadcast %or3A_598 : i32 to vector<16xi32>
      %eq3A_709 = arith.cmpi eq, %shift_right_logical3A_708, %eq3A : vector<16xi32>
      tpu.vector_store_idx %arg8[%and3A_705], %broadcast_in_dim3A_350 masked %eq3A_709 {add = true} : memref<256xi32, #tpu.memory_space<vmem>>[vector<16xi32>], vector<16xi32>, vector<16xi1>
    }
    %scan3A_668 = arith.constant 512 : i32
    %scan3A_669 = arith.constant 0 : i32
    %scan3A_670 = arith.constant 0 : i32
    %scan3A_671 = arith.constant 0 : i32
    %scan3A_672 = arith.constant 0 : i32
    %scan3A_673 = arith.constant 16 : i32
    %scan3A_674 = arith.addi %scan3A_672, %scan3A_673 : i32
    %scan3A_675 = arith.constant 1 : i32
    %scan3A_676:4 = scf.for %scan3A_689 = %scan3A_672 to %scan3A_674 step %scan3A_675 iter_args(%scan3A_690 = %scan3A_669, %scan3A_691 = %scan3A_670, %scan3A_692 = %scan3A_671, %scan3A_693 = %scan3A_594#3) -> (i32, i32, i32, i32)  : i32 {
      %sub3A = arith.constant 15 : i32
      %sub3A_694 = arith.subi %sub3A, %scan3A_689 : i32
      %mul3A_695 = arith.constant 16 : i32
      %mul3A_696 = arith.muli %sub3A_694, %mul3A_695 : i32
      %get3A_697 = arith.index_cast %mul3A_696 : i32 to index
      %get3A_698 = tpu.vector_load %arg8[%get3A_697] {strides = array<i32>} : memref<256xi32, #tpu.memory_space<vmem>>, vector<16xi32>,
      %rev3A = arith.constant 15 : i32
      %rev3A_699 = vector.broadcast %rev3A : i32 to vector<16xi32>
      %rev3A_700 = tpu.iota {dimensions = array<i32: 0>} : vector<16xi32>
      %rev3A_701 = arith.subi %rev3A_699, %rev3A_700 : vector<16xi32>
      %rev3A_702 = tpu.dynamic_gather %get3A_698[%rev3A_701] in [0] : vector<16xi32>, vector<16xi32> -> vector<16xi32>
      %broadcast_in_dim3A_703 = arith.constant true
      %broadcast_in_dim3A_704 = vector.broadcast %broadcast_in_dim3A_703 : i1 to vector<16xi1>
      %masked_cumsum3A = tpu.scan <sum>, %rev3A_702 masked %broadcast_in_dim3A_704 : vector<16xi32>, vector<16xi1> -> vector<16xi32>
      %rev3A_705 = arith.constant 15 : i32
      %rev3A_706 = vector.broadcast %rev3A_705 : i32 to vector<16xi32>
      %rev3A_707 = tpu.iota {dimensions = array<i32: 0>} : vector<16xi32>
      %rev3A_708 = arith.subi %rev3A_706, %rev3A_707 : vector<16xi32>
      %rev3A_709 = tpu.dynamic_gather %masked_cumsum3A[%rev3A_708] in [0] : vector<16xi32>, vector<16xi32> -> vector<16xi32>
      %add3A_710 = vector.broadcast %scan3A_690 : i32 to vector<16xi32>
      %add3A_711 = arith.addi %rev3A_709, %add3A_710 : vector<16xi32>
      %ge3A = vector.broadcast %scan3A_693 : i32 to vector<16xi32>
      %ge3A_712 = arith.cmpi sge, %add3A_711, %ge3A : vector<16xi32>
      %all_reduce_population_count3A = tpu.all_reduce %ge3A_712 {dim = 0 : i64, kind = #tpu.reduction_kind<sum>} : vector<16xi1> -> vector<16xi32>
      %reduce_max3A = arith.constant true
      %reduce_max3A_713 = vector.broadcast %reduce_max3A : i1 to vector<16xi1>
      %reduce_max3A_714 = arith.constant -2147483648 : i32
      %reduce_max3A_715 = vector.broadcast %reduce_max3A_714 : i32 to vector<16xi32>
      %reduce_max3A_716 = arith.xori %all_reduce_population_count3A, %reduce_max3A_715 : vector<16xi32>
      %reduce_max3A_717 = tpu.scan <max>, %reduce_max3A_716 masked %reduce_max3A_713 : vector<16xi32>, vector<16xi1> -> vector<16xi32>
      %reduce_max3A_718 = arith.xori %reduce_max3A_717, %reduce_max3A_715 : vector<16xi32>
      %reduce_max3A_719 = vector.extract %reduce_max3A_718[15] : i32 from vector<16xi32>
      %sub3A_720 = arith.constant 1 : i32
      %sub3A_721 = arith.subi %sub3A_720, %scan3A_691 : i32
      %gt3A = arith.constant 0 : i32
      %gt3A_722 = arith.cmpi sgt, %reduce_max3A_719, %gt3A : i32
      %jit3A = arith.constant 1 : i32
      %jit3A_723 = arith.constant 0 : i32
      %select_n3A = arith.select %gt3A_722, %jit3A, %jit3A_723 : i32
      %mul3A_724 = arith.muli %sub3A_721, %select_n3A : i32
      %sub3A_725 = arith.constant 1 : i32
      %sub3A_726 = arith.subi %reduce_max3A_719, %sub3A_725 : i32
      %max3A = arith.constant 0 : i32
      %max3A_727 = arith.maxsi %sub3A_726, %max3A : i32
      %iota3A = tpu.iota {dimensions = array<i32: 0>} : vector<16xi32>
      %eq3A = vector.broadcast %max3A_727 : i32 to vector<16xi32>
      %eq3A_728 = arith.cmpi eq, %iota3A, %eq3A : vector<16xi32>
      %jit3A_729 = arith.constant -2147483647 : i32
      %broadcast_in_dim3A_730 = vector.broadcast %jit3A_729 : i32 to vector<16xi32>
      %select_n3A_731 = arith.select %eq3A_728, %add3A_711, %broadcast_in_dim3A_730 : vector<16xi1>, vector<16xi32>
      %reduce_max3A_732 = arith.constant true
      %reduce_max3A_733 = vector.broadcast %reduce_max3A_732 : i1 to vector<16xi1>
      %reduce_max3A_734 = arith.constant -2147483648 : i32
      %reduce_max3A_735 = vector.broadcast %reduce_max3A_734 : i32 to vector<16xi32>
      %reduce_max3A_736 = arith.xori %select_n3A_731, %reduce_max3A_735 : vector<16xi32>
      %reduce_max3A_737 = tpu.scan <max>, %reduce_max3A_736 masked %reduce_max3A_733 : vector<16xi32>, vector<16xi1> -> vector<16xi32>
      %reduce_max3A_738 = arith.xori %reduce_max3A_737, %reduce_max3A_735 : vector<16xi32>
      %reduce_max3A_739 = vector.extract %reduce_max3A_738[15] : i32 from vector<16xi32>
      %eq3A_740 = vector.broadcast %max3A_727 : i32 to vector<16xi32>
      %eq3A_741 = arith.cmpi eq, %iota3A, %eq3A_740 : vector<16xi32>
      %jit3A_742 = arith.constant -2147483647 : i32
      %broadcast_in_dim3A_743 = vector.broadcast %jit3A_742 : i32 to vector<16xi32>
      %select_n3A_744 = arith.select %eq3A_741, %get3A_698, %broadcast_in_dim3A_743 : vector<16xi1>, vector<16xi32>
      %reduce_max3A_745 = arith.constant true
      %reduce_max3A_746 = vector.broadcast %reduce_max3A_745 : i1 to vector<16xi1>
      %reduce_max3A_747 = arith.constant -2147483648 : i32
      %reduce_max3A_748 = vector.broadcast %reduce_max3A_747 : i32 to vector<16xi32>
      %reduce_max3A_749 = arith.xori %select_n3A_744, %reduce_max3A_748 : vector<16xi32>
      %reduce_max3A_750 = tpu.scan <max>, %reduce_max3A_749 masked %reduce_max3A_746 : vector<16xi32>, vector<16xi1> -> vector<16xi32>
      %reduce_max3A_751 = arith.xori %reduce_max3A_750, %reduce_max3A_748 : vector<16xi32>
      %reduce_max3A_752 = vector.extract %reduce_max3A_751[15] : i32 from vector<16xi32>
      %eq3A_753 = arith.constant 1 : i32
      %eq3A_754 = arith.cmpi eq, %mul3A_724, %eq3A_753 : i32
      %mul3A_755 = arith.constant 16 : i32
      %mul3A_756 = arith.muli %sub3A_694, %mul3A_755 : i32
      %add3A_757 = arith.addi %mul3A_756, %max3A_727 : i32
      %select_n3A_758 = arith.select %eq3A_754, %add3A_757, %scan3A_692 : i32
      %eq3A_759 = arith.constant 1 : i32
      %eq3A_760 = arith.cmpi eq, %mul3A_724, %eq3A_759 : i32
      %sub3A_761 = arith.subi %reduce_max3A_739, %reduce_max3A_752 : i32
      %sub3A_762 = arith.subi %scan3A_693, %sub3A_761 : i32
      %select_n3A_763 = arith.select %eq3A_760, %sub3A_762, %scan3A_693 : i32
      %or3A_764 = arith.ori %scan3A_691, %mul3A_724 : i32
      %broadcast_in_dim3A_765 = arith.constant true
      %broadcast_in_dim3A_766 = vector.broadcast %broadcast_in_dim3A_765 : i1 to vector<16xi1>
      %masked_cumsum3A_767 = tpu.scan <sum>, %get3A_698 masked %broadcast_in_dim3A_766 : vector<16xi32>, vector<16xi1> -> vector<16xi32>
      %reduce_max3A_768 = arith.constant true
      %reduce_max3A_769 = vector.broadcast %reduce_max3A_768 : i1 to vector<16xi1>
      %reduce_max3A_770 = arith.constant -2147483648 : i32
      %reduce_max3A_771 = vector.broadcast %reduce_max3A_770 : i32 to vector<16xi32>
      %reduce_max3A_772 = arith.xori %masked_cumsum3A_767, %reduce_max3A_771 : vector<16xi32>
      %reduce_max3A_773 = tpu.scan <max>, %reduce_max3A_772 masked %reduce_max3A_769 : vector<16xi32>, vector<16xi1> -> vector<16xi32>
      %reduce_max3A_774 = arith.xori %reduce_max3A_773, %reduce_max3A_771 : vector<16xi32>
      %reduce_max3A_775 = vector.extract %reduce_max3A_774[15] : i32 from vector<16xi32>
      %add3A_776 = arith.addi %scan3A_690, %reduce_max3A_775 : i32
      scf.yield %add3A_776, %or3A_764, %select_n3A_758, %select_n3A_763 : i32, i32, i32, i32
    }
    %scan3A_677 = arith.constant 16 : i32
    %shift_left3A_678 = arith.constant 8 : i32
    %shift_left3A_679 = arith.shli %or3A_598, %shift_left3A_678 : i32
    %or3A_680 = arith.ori %shift_left3A_679, %scan3A_676#2 : i32
    %xor3A_681 = arith.xori %or3A_680, %squeeze3A_5 : i32
    %scan3A_682 = arith.constant 0 : i32
    %scan3A_683 = arith.constant 0 : i32
    %scan3A_684 = arith.constant 512 : i32
    %scan3A_685 = arith.addi %scan3A_683, %scan3A_684 : i32
    %scan3A_686 = arith.constant 1 : i32
    %scan3A_687 = scf.for %scan3A_689 = %scan3A_683 to %scan3A_685 step %scan3A_686 iter_args(%scan3A_690 = %scan3A_682) -> (i32)  : i32 {
      %mul3A_691 = arith.constant 16 : i32
      %mul3A_692 = arith.muli %scan3A_689, %mul3A_691 : i32
      %get3A_693 = arith.index_cast %mul3A_692 : i32 to index
      %get3A_694 = tpu.vector_load %arg6[%get3A_693] {strides = array<i32>} : memref<8192xf32, #tpu.memory_space<vmem>>, vector<16xf32>,
      %bitcast_convert_type3A = tpu.bitcast %get3A_694 : vector<16xf32> -> vector<16xi32>
      %lt3A = arith.constant 0 : i32
      %lt3A_695 = vector.broadcast %lt3A : i32 to vector<16xi32>
      %lt3A_696 = arith.cmpi slt, %bitcast_convert_type3A, %lt3A_695 : vector<16xi32>
      %and3A = vector.broadcast %squeeze3A : i32 to vector<16xi32>
      %and3A_697 = arith.andi %bitcast_convert_type3A, %and3A : vector<16xi32>
      %sub3A = arith.constant -1 : i32
      %sub3A_698 = vector.broadcast %sub3A : i32 to vector<16xi32>
      %sub3A_699 = arith.subi %sub3A_698, %and3A_697 : vector<16xi32>
      %select_n3A = arith.select %lt3A_696, %sub3A_699, %bitcast_convert_type3A : vector<16xi1>, vector<16xi32>
      %xor3A_700 = vector.broadcast %squeeze3A_5 : i32 to vector<16xi32>
      %xor3A_701 = arith.xori %select_n3A, %xor3A_700 : vector<16xi32>
      %xor3A_702 = vector.broadcast %squeeze3A_5 : i32 to vector<16xi32>
      %xor3A_703 = arith.xori %xor3A_701, %xor3A_702 : vector<16xi32>
      %gt3A = vector.broadcast %xor3A_681 : i32 to vector<16xi32>
      %gt3A_704 = arith.cmpi sgt, %xor3A_703, %gt3A : vector<16xi32>
      %convert_element_type3A = arith.extui %gt3A_704 : vector<16xi1> to vector<16xi32>
      %eq3A = vector.broadcast %xor3A_681 : i32 to vector<16xi32>
      %eq3A_705 = arith.cmpi eq, %xor3A_703, %eq3A : vector<16xi32>
      %convert_element_type3A_706 = arith.extui %eq3A_705 : vector<16xi1> to vector<16xi32>
      %broadcast_in_dim3A_707 = arith.constant true
      %broadcast_in_dim3A_708 = vector.broadcast %broadcast_in_dim3A_707 : i1 to vector<16xi1>
      %masked_cumsum3A = tpu.scan <sum>, %convert_element_type3A_706 masked %broadcast_in_dim3A_708 : vector<16xi32>, vector<16xi1> -> vector<16xi32>
      %add3A_709 = vector.broadcast %scan3A_690 : i32 to vector<16xi32>
      %add3A_710 = arith.addi %add3A_709, %masked_cumsum3A : vector<16xi32>
      %le3A = vector.broadcast %scan3A_676#3 : i32 to vector<16xi32>
      %le3A_711 = arith.cmpi sle, %add3A_710, %le3A : vector<16xi32>
      %jit3A = arith.constant 1 : i32
      %jit3A_712 = arith.constant 0 : i32
      %broadcast_in_dim3A_713 = vector.broadcast %jit3A : i32 to vector<16xi32>
      %broadcast_in_dim3A_714 = vector.broadcast %jit3A_712 : i32 to vector<16xi32>
      %select_n3A_715 = arith.select %le3A_711, %broadcast_in_dim3A_713, %broadcast_in_dim3A_714 : vector<16xi1>, vector<16xi32>
      %mul3A_716 = arith.muli %convert_element_type3A_706, %select_n3A_715 : vector<16xi32>
      %or3A_717 = arith.ori %convert_element_type3A, %mul3A_716 : vector<16xi32>
      %mul3A_718 = arith.constant 16 : i32
      %mul3A_719 = arith.muli %scan3A_689, %mul3A_718 : i32
      %swap3A_720 = arith.index_cast %mul3A_719 : i32 to index
      %swap3A_721 = tpu.vector_load %arg7[%swap3A_720] {strides = array<i32>} : memref<8192xi32, #tpu.memory_space<vmem>>, vector<16xi32>,
      tpu.vector_store %arg7[%swap3A_720], %or3A_717 {strides = array<i32>} : memref<8192xi32, #tpu.memory_space<vmem>>, vector<16xi32>,
      %reduce_max3A = arith.constant true
      %reduce_max3A_722 = vector.broadcast %reduce_max3A : i1 to vector<16xi1>
      %reduce_max3A_723 = arith.constant -2147483648 : i32
      %reduce_max3A_724 = vector.broadcast %reduce_max3A_723 : i32 to vector<16xi32>
      %reduce_max3A_725 = arith.xori %masked_cumsum3A, %reduce_max3A_724 : vector<16xi32>
      %reduce_max3A_726 = tpu.scan <max>, %reduce_max3A_725 masked %reduce_max3A_722 : vector<16xi32>, vector<16xi1> -> vector<16xi32>
      %reduce_max3A_727 = arith.xori %reduce_max3A_726, %reduce_max3A_724 : vector<16xi32>
      %reduce_max3A_728 = vector.extract %reduce_max3A_727[15] : i32 from vector<16xi32>
      %add3A_729 = arith.addi %scan3A_690, %reduce_max3A_728 : i32
      scf.yield %add3A_729 : i32
    }
    %scan3A_688 = arith.constant 512 : i32
    "tpu.region"() ({
      %run_scoped3A = tpu.sem_alloc : memref<!tpu.dma_semaphore, #tpu.memory_space<semaphore_mem>>
      %dma_start3A = arith.constant 0 : i32
      %dma_start3A_689 = tpu.memref_slice %arg5[%add3A_348, %dma_start3A] : memref<64x8192xi32, #tpu.memory_space<hbm>> -> memref<1x8192xi32, #tpu.memory_space<hbm>>
      %dma_start3A_690 = tpu.memref_squeeze %dma_start3A_689 : memref<1x8192xi32, #tpu.memory_space<hbm>> -> memref<8192xi32, #tpu.memory_space<hbm>>
      %dma_start3A_691 = arith.constant 0 : i32
      %dma_start3A_692 = tpu.memref_slice %arg5[%add3A_348, %dma_start3A_691] : memref<64x8192xi32, #tpu.memory_space<hbm>> -> memref<1x8192xi32, #tpu.memory_space<hbm>>
      %dma_start3A_693 = tpu.memref_squeeze %dma_start3A_692 : memref<1x8192xi32, #tpu.memory_space<hbm>> -> memref<8192xi32, #tpu.memory_space<hbm>>
      tpu.enqueue_dma source(%arg7 : memref<8192xi32, #tpu.memory_space<vmem>>) target(%dma_start3A_693 : memref<8192xi32, #tpu.memory_space<hbm>>) target_semaphore(%run_scoped3A : memref<!tpu.dma_semaphore, #tpu.memory_space<semaphore_mem>>)
      %dma_wait3A = arith.constant 0 : i32
      %dma_wait3A_694 = tpu.memref_slice %arg5[%add3A_348, %dma_wait3A] : memref<64x8192xi32, #tpu.memory_space<hbm>> -> memref<1x8192xi32, #tpu.memory_space<hbm>>
      %dma_wait3A_695 = tpu.memref_squeeze %dma_wait3A_694 : memref<1x8192xi32, #tpu.memory_space<hbm>> -> memref<8192xi32, #tpu.memory_space<hbm>>
      %dma_wait3A_696 = arith.constant 0 : i32
      %dma_wait3A_697 = tpu.memref_slice %arg5[%add3A_348, %dma_wait3A_696] : memref<64x8192xi32, #tpu.memory_space<hbm>> -> memref<1x8192xi32, #tpu.memory_space<hbm>>
      %dma_wait3A_698 = tpu.memref_squeeze %dma_wait3A_697 : memref<1x8192xi32, #tpu.memory_space<hbm>> -> memref<8192xi32, #tpu.memory_space<hbm>>
      tpu.wait_dma2 semaphore(%run_scoped3A : memref<!tpu.dma_semaphore, #tpu.memory_space<semaphore_mem>>) src(%arg7 : memref<8192xi32, #tpu.memory_space<vmem>>) dst(%dma_wait3A_698 : memref<8192xi32, #tpu.memory_space<hbm>>)
      tpu.yield
    }) : () -> ()
    return
  }
}

module attributes {stable_mosaic.version = 14 : i64} {
  func.func @_z_kernel(%arg0: i32, %arg1: memref<1x1x64xf32, #tpu.memory_space<vmem>>, %arg2: memref<1x64x8192xf32, #tpu.memory_space<vmem>>, %arg3: memref<1x1x8192xf32, #tpu.memory_space<vmem>>, %arg4: memref<1x1x8192xf32, #tpu.memory_space<vmem>>) attributes {dimension_semantics = [#tpu.dimension_semantics<arbitrary>], iteration_bounds = array<i64: 64>, scalar_prefetch = 0 : i64, scratch_operands = 0 : i64, tpu.core_type = #tpu.core_type<tc>, window_params = [{transform_indices = @transform_0, window_bounds = array<i64: 1, 1, 64>}, {transform_indices = @transform_1, window_bounds = array<i64: 1, 64, 8192>}, {transform_indices = @transform_2, window_bounds = array<i64: 1, 1, 8192>}, {transform_indices = @transform_3, window_bounds = array<i64: 1, 1, 8192>}]} {
    %get3A = arith.constant 0 : index
    %get3A_0 = arith.constant 0 : index
    %get3A_1 = arith.constant 0 : index
    %get3A_2 = vector.load %arg2[%get3A, %get3A_0, %get3A_1] : memref<1x64x8192xf32, #tpu.memory_space<vmem>>, vector<1x64x8192xf32>
    %get3A_3 = vector.shape_cast %get3A_2 : vector<1x64x8192xf32> to vector<64x8192xf32>
    %get3A_4 = arith.constant 0 : index
    %get3A_5 = arith.constant 0 : index
    %get3A_6 = arith.constant 0 : index
    %get3A_7 = vector.load %arg1[%get3A_4, %get3A_5, %get3A_6] : memref<1x1x64xf32, #tpu.memory_space<vmem>>, vector<1x1x64xf32>
    %get3A_8 = vector.shape_cast %get3A_7 : vector<1x1x64xf32> to vector<1x64xf32>
    %dot_general3A = arith.constant dense<0.000000e+00> : vector<1x8192xf32>
    %dot_general3A_9 = tpu.matmul %get3A_8, %get3A_3, %dot_general3A {dimension_numbers = #tpu.dot_dimension_numbers<[1], [0], [0], [1], [0, 0, 1, 1], [], []>, transpose_lhs_hint = false} : vector<1x64xf32>, vector<64x8192xf32>, vector<1x8192xf32> -> vector<1x8192xf32>
    %div3A = arith.constant 8.000000e+00 : f32
    %div3A_10 = vector.broadcast %div3A : f32 to vector<1x8192xf32>
    %div3A_11 = arith.divf %dot_general3A_9, %div3A_10 : vector<1x8192xf32>
    %iota3A = tpu.iota {dimensions = array<i32: 1>} : vector<1x8192xi32>
    %eq3A = arith.constant 0 : i32
    %eq3A_12 = vector.broadcast %eq3A : i32 to vector<1x8192xi32>
    %eq3A_13 = arith.cmpi eq, %iota3A, %eq3A_12 : vector<1x8192xi32>
    %jit3A = arith.constant 0xFF800000 : f32
    %broadcast_in_dim3A = vector.broadcast %jit3A : f32 to vector<1x8192xf32>
    %select_n3A = arith.select %eq3A_13, %broadcast_in_dim3A, %div3A_11 : vector<1x8192xi1>, vector<1x8192xf32>
    %reduce_max3A = vector.shape_cast %select_n3A : vector<1x8192xf32> to vector<1x1x8192xf32>
    %reduce_max3A_14 = arith.constant dense<0xFF800000> : vector<1xf32>
    %reduce_max3A_15 = vector.multi_reduction <maximumf>, %reduce_max3A, %reduce_max3A_14 [1, 2] : vector<1x1x8192xf32> to vector<1xf32>
    %reduce_max3A_16 = vector.shape_cast %reduce_max3A_15 : vector<1xf32> to vector<1x1x1xf32>
    %reduce_max3A_17 = vector.extract %reduce_max3A_16[0, 0, 0] : f32 from vector<1x1x1xf32>
    %sub3A = vector.broadcast %reduce_max3A_17 : f32 to vector<1x8192xf32>
    %sub3A_18 = arith.subf %select_n3A, %sub3A : vector<1x8192xf32>
    %exp3A = math.exp %sub3A_18 : vector<1x8192xf32>
    %jit3A_19 = arith.constant 0.000000e+00 : f32
    %broadcast_in_dim3A_20 = vector.broadcast %jit3A_19 : f32 to vector<1x8192xf32>
    %select_n3A_21 = arith.select %eq3A_13, %broadcast_in_dim3A_20, %exp3A : vector<1x8192xi1>, vector<1x8192xf32>
    %reduce_sum3A = vector.shape_cast %select_n3A_21 : vector<1x8192xf32> to vector<1x1x8192xf32>
    %reduce_sum3A_22 = arith.constant dense<0.000000e+00> : vector<1xf32>
    %reduce_sum3A_23 = vector.multi_reduction <add>, %reduce_sum3A, %reduce_sum3A_22 [1, 2] : vector<1x1x8192xf32> to vector<1xf32>
    %reduce_sum3A_24 = vector.shape_cast %reduce_sum3A_23 : vector<1xf32> to vector<1x1x1xf32>
    %reduce_sum3A_25 = vector.extract %reduce_sum3A_24[0, 0, 0] : f32 from vector<1x1x1xf32>
    %div3A_26 = vector.broadcast %reduce_sum3A_25 : f32 to vector<1x8192xf32>
    %div3A_27 = arith.divf %select_n3A_21, %div3A_26 : vector<1x8192xf32>
    %get3A_28 = arith.constant 0 : index
    %get3A_29 = arith.constant 0 : index
    %get3A_30 = arith.constant 0 : index
    %get3A_31 = vector.load %arg3[%get3A_28, %get3A_29, %get3A_30] : memref<1x1x8192xf32, #tpu.memory_space<vmem>>, vector<1x1x8192xf32>
    %get3A_32 = vector.shape_cast %get3A_31 : vector<1x1x8192xf32> to vector<1x8192xf32>
    %log3A = math.log %get3A_32 : vector<1x8192xf32>
    %neg3A = arith.constant 0.000000e+00 : f32
    %neg3A_33 = vector.broadcast %neg3A : f32 to vector<1x8192xf32>
    %neg3A_34 = arith.subf %neg3A_33, %log3A : vector<1x8192xf32>
    %log3A_35 = math.log %neg3A_34 : vector<1x8192xf32>
    %neg3A_36 = arith.constant 0.000000e+00 : f32
    %neg3A_37 = vector.broadcast %neg3A_36 : f32 to vector<1x8192xf32>
    %neg3A_38 = arith.subf %neg3A_37, %log3A_35 : vector<1x8192xf32>
    %add3A = arith.constant 9.99999968E-21 : f32
    %add3A_39 = vector.broadcast %add3A : f32 to vector<1x8192xf32>
    %add3A_40 = arith.addf %div3A_27, %add3A_39 : vector<1x8192xf32>
    %log3A_41 = math.log %add3A_40 : vector<1x8192xf32>
    %add3A_42 = arith.addf %log3A_41, %neg3A_38 : vector<1x8192xf32>
    %jit3A_43 = arith.constant 5.000000e+01 : f32
    %broadcast_in_dim3A_44 = vector.broadcast %jit3A_43 : f32 to vector<1x8192xf32>
    %select_n3A_45 = arith.select %eq3A_13, %broadcast_in_dim3A_44, %add3A_42 : vector<1x8192xi1>, vector<1x8192xf32>
    %swap3A = arith.constant 0 : index
    %swap3A_46 = arith.constant 0 : index
    %swap3A_47 = arith.constant 0 : index
    %swap3A_48 = vector.load %arg4[%swap3A, %swap3A_46, %swap3A_47] : memref<1x1x8192xf32, #tpu.memory_space<vmem>>, vector<1x1x8192xf32>
    %swap3A_49 = vector.shape_cast %swap3A_48 : vector<1x1x8192xf32> to vector<1x8192xf32>
    %swap3A_50 = vector.shape_cast %select_n3A_45 : vector<1x8192xf32> to vector<1x1x8192xf32>
    tpu.vector_store %arg4[%swap3A, %swap3A_46, %swap3A_47], %swap3A_50 {strides = array<i32>} : memref<1x1x8192xf32, #tpu.memory_space<vmem>>, vector<1x1x8192xf32>,
    return
  }
  func.func @transform_0(%arg0: i32) -> (i32, i32, i32) {
    %c0_i32 = arith.constant 0 : i32
    %c0_i32_0 = arith.constant 0 : i32
    %c0_i32_1 = arith.constant 0 : i32
    return %arg0, %c0_i32, %c0_i32_0 : i32, i32, i32
  }
  func.func @transform_1(%arg0: i32) -> (i32, i32, i32) {
    %c0_i32 = arith.constant 0 : i32
    %c0_i32_0 = arith.constant 0 : i32
    %c0_i32_1 = arith.constant 0 : i32
    return %arg0, %c0_i32, %c0_i32_0 : i32, i32, i32
  }
  func.func @transform_2(%arg0: i32) -> (i32, i32, i32) {
    %c0_i32 = arith.constant 0 : i32
    %c0_i32_0 = arith.constant 0 : i32
    %c0_i32_1 = arith.constant 0 : i32
    return %arg0, %c0_i32, %c0_i32_0 : i32, i32, i32
  }
  func.func @transform_3(%arg0: i32) -> (i32, i32, i32) {
    %c0_i32 = arith.constant 0 : i32
    %c0_i32_0 = arith.constant 0 : i32
    %c0_i32_1 = arith.constant 0 : i32
    return %arg0, %c0_i32, %c0_i32_0 : i32, i32, i32
  }
}

</mosaic_0001>

<sc_bundles>
// kernel: kernel.4.cloned.1.call-start
scs
__scs_entry_jumppad:
0x0: {  	(pc) =	sbr.rel $0x88, $3  }
0x1: {  	(tag) =	ssettag $0x0;
	lr =	simm.s32 $0x1  }
0x2: {  	[smem:$0x3F9F] =	sst lr;
	_ =	strace $0xD0000000  }
0x3: {  	_ = 	snop  }
0x4: {  	_ = 	snop  }
0x5: {  	_ = 	snop  }
0x6: {  	_ = 	snop  }
0x7: {  	_ = 	snop  }
__scs_overlays_trampoline_lowered:
0x8: {  	[smem:$0x3FAE] =	sst s0  }
0x9: {  	[smem:$0x3FAF] =	sst s1  }
0xa: {  	[smem:$0x3FB0] =	sst s2  }
0xb: {  	[smem:$0x3FB1] =	sst s3  }
0xc: {  	[smem:$0x3FB2] =	sst s4  }
0xd: {  	[smem:$0x3FB3] =	sst s5  }
0xe: {  	[smem:$0x3FB4] =	sst s6  }
0xf: {  	[smem:$0x3FB5] =	sst s7  }
0x10: {  	[smem:$0x3FB6] =	sst s8  }
0x11: {  	[smem:$0x3FB7] =	sst s9;
	s0 =	simm.s32 @!p0 $0x0  }
0x12: {  	s1 =	sld [smem:$0x3F9D];
	s0 =	simm.s32 @p0 $0x1  }
0x13: {  	[smem:$0x3FB8] =	sst s0;
	s0 =	simm.s32 @!p1 $0x0  }
0x14: {  	s2 =	sld [smem:$0x3F9C];
	s0 =	simm.s32 @p1 $0x1  }
0x15: {  	[smem:$0x3FB9] =	sst s0;
	s0 =	simm.s32 @!p2 $0x0  }
0x16: {  	s3 =	sld [smem:$0x3FDB];
	s0 =	simm.s32 @p2 $0x1  }
0x17: {  	s4 =	simm.s32 $0x1BF5;
	[smem:$0x3FBB] =	sst s0  }
0x18: {  	s0 =	sld [smem:$0x3F9E];
	_ =	swait.ge [sflag:s4], $0x0  }
0x19: {  	s7 =	sld [smem:$0x3F9F]  }
0x1a: {  	s8 =	sadd.s32 $0xFFFFE003, lr  }
0x1b: {  	s9 =	sadd.s32 $0xFFFFFEF7, lr;
	s5 =	simm.s32 $0xFFFFFFFF;
	p2 =	slt.u32 s8, $0xFFFFF086  }
0x1c: {  	p1 =	slt.u32 s9, $0xF7A;
	s5 =	simm.s32 @!p2 $0x0  }
0x1d: {  	s5 =	simm.s32 @p1 $0x1;
	p0 =	seq.s32 s7, s2  }
0x1e: {  	s7 =	smul.u32 @!p0 $0xF7A, s2;
	p2 =	seq.s32 @!p0 s5, $0x0  }
0x1f: {  	s9 =	smul.u32 $0xF7A, s1;
	s8 =	simm.s32 @!p0 $0x1BF5;
	p2 =	por !p2, p0  }
0x20: {  	[sflag:s8] =	ssyncset.s32 @!p0 $0xFFFFF086;
	s6 =	sadd.s32 @!p0 s3, s7;
	s7 =	simm.s32 @!p0 $0x108  }
0x21: {  	s3 =	sadd.s32 s3, s9;
	s6 =	sadd.s32 @!p0 $0x88, s6;
	s7 =	simm.s32 @p2 $0x1082  }
0x22: {  	[simem:s7], [sflag:s8] =	dma.local @!p0 [hbm:s6], $0xF7A  }
0x23: {  	s9 =	sor.u32 $0xD0000000, s2;
	s6 =	simm.s32 $0x108;
	_ =	swait.ge @!p0 [sflag:s8], $0x0  }
0x24: {  	s3 =	sadd.s32 $0x88, s3;
	s6 =	simm.s32 @!p1 $0x1082;
	[sflag:s4] =	ssyncset.s32 $0xFFFFF086  }
0x25: {  	[simem:s6], [sflag:s4] =	dma.local [hbm:s3], $0xF7A  }
0x26: {  	[smem:$0x3F9F] =	sst s1;
	(tag) =	ssettag s2;
	_ =	strace s9  }
0x27: {  	s1 =	sld [smem:$0x3FAF]  }
0x28: {  	s2 =	sld [smem:$0x3FB0]  }
0x29: {  	s4 =	sld [smem:$0x3FB2]  }
0x2a: {  	p0 =	seq.s32 s5, $0x0;
	s5 =	sld [smem:$0x3FB3]  }
0x2b: {  	s6 =	sld [smem:$0x3FB4]  }
0x2c: {  	s7 =	sld [smem:$0x3FB5]  }
0x2d: {  	s3 =	simm.s32 $0x108;
	s8 =	sld [smem:$0x3FB6]  }
0x2e: {  	s3 =	simm.s32 @!p0 $0x1082;
	s9 =	sld [smem:$0x3FB7]  }
0x2f: {  	lr =	sadd.s32 s0, s3;
	s0 =	sld [smem:$0x3FAE]  }
0x30: {  	s3 =	sld [smem:$0x3FB1]  }
0x31: {  	[smem:$0x3FBA] =	sst s10  }
0x32: {  	s10 =	sld [smem:$0x3FB8];
	_ =	sdelay $0x3  }
0x33: {  	p0 =	seq.s32 s10, $0x1;
	s10 =	sld [smem:$0x3FBA];
	_ =	sdelay $0x3  }
0x34: {  	[smem:$0x3FBA] =	sst s10  }
0x35: {  	s10 =	sld [smem:$0x3FB9];
	_ =	sdelay $0x3  }
0x36: {  	p1 =	seq.s32 s10, $0x1;
	s10 =	sld [smem:$0x3FBA];
	_ =	sdelay $0x3  }
0x37: {  	[smem:$0x3FBA] =	sst s10  }
0x38: {  	s10 =	sld [smem:$0x3FBB]  }
0x39: {  	_ = 	snop;
	(pc) =	sbr.ind lr, $3  }
0x3a: {  	_ = 	snop  }
0x3b: {  	_ = 	snop  }
0x3c: {  	p2 =	seq.s32 s10, $0x1;
	s10 =	sld [smem:$0x3FBA]  }
0x3d: {  	_ =	shalt  }
0x3e: {  	_ =	shalt  }
0x3f: {  	_ =	shalt  }
0x40: {  	_ =	shalt  }
0x41: {  	_ =	shalt  }
0x42: {  	_ =	shalt  }
0x43: {  	_ =	shalt  }
0x44: {  	_ =	shalt  }
0x45: {  	_ =	shalt  }
0x46: {  	_ =	shalt  }
0x47: {  	_ =	shalt  }
0x48: {  	_ =	shalt  }
0x49: {  	_ =	shalt  }
0x4a: {  	_ =	shalt  }
0x4b: {  	_ =	shalt  }
0x4c: {  	_ =	shalt  }
0x4d: {  	_ =	shalt  }
0x4e: {  	_ =	shalt  }
0x4f: {  	_ =	shalt  }
0x50: {  	_ =	shalt  }
0x51: {  	_ =	shalt  }
0x52: {  	_ =	shalt  }
0x53: {  	_ =	shalt  }
0x54: {  	_ =	shalt  }
0x55: {  	_ =	shalt  }
0x56: {  	_ =	shalt  }
0x57: {  	_ =	shalt  }
0x58: {  	_ =	shalt  }
0x59: {  	_ =	shalt  }
0x5a: {  	_ =	shalt  }
0x5b: {  	_ =	shalt  }
0x5c: {  	_ =	shalt  }
0x5d: {  	_ =	shalt  }
0x5e: {  	_ =	shalt  }
0x5f: {  	_ =	shalt  }
0x60: {  	_ =	shalt  }
0x61: {  	_ =	shalt  }
0x62: {  	_ =	shalt  }
0x63: {  	_ =	shalt  }
0x64: {  	_ =	shalt  }
0x65: {  	_ =	shalt  }
0x66: {  	_ =	shalt  }
0x67: {  	_ =	shalt  }
0x68: {  	_ =	shalt  }
0x69: {  	_ =	shalt  }
0x6a: {  	_ =	shalt  }
0x6b: {  	_ =	shalt  }
0x6c: {  	_ =	shalt  }
0x6d: {  	_ =	shalt  }
0x6e: {  	_ =	shalt  }
0x6f: {  	_ =	shalt  }
0x70: {  	_ =	shalt  }
0x71: {  	_ =	shalt  }
0x72: {  	_ =	shalt  }
0x73: {  	_ =	shalt  }
0x74: {  	_ =	shalt  }
0x75: {  	_ =	shalt  }
0x76: {  	_ =	shalt  }
0x77: {  	_ =	shalt  }
0x78: {  	_ =	shalt  }
0x79: {  	_ =	shalt  }
0x7a: {  	_ =	shalt  }
0x7b: {  	_ =	shalt  }
0x7c: {  	_ =	shalt  }
0x7d: {  	_ =	shalt  }
0x7e: {  	_ =	shalt  }
0x7f: {  	_ =	shalt  }
0x80: {  	_ =	shalt  }
0x81: {  	_ =	shalt  }
0x82: {  	_ =	shalt  }
0x83: {  	_ =	shalt  }
0x84: {  	_ =	shalt  }
0x85: {  	_ =	shalt  }
0x86: {  	_ =	shalt  }
0x87: {  	_ =	shalt  }
.Lfunc_end0:
.L_simem_size_0:
called_computation_lowered:
.L_overlay_start_0:
0x88: {  	s2 =	sld [smem:$0x3FD9]  }
0x89: {  	s3 =	sld [smem:$0x3FFE];
	_ =	sdelay $0x1  }
0x8a: {  	s1 =	srdreg.scid  }
0x8b: {  	s0 =	sand.u32 $0x1, s1  }
0x8c: {  	s17 =	sshll.u32 s0, $0xA;
	s2 =	sadd.s32 s3, s2  }
0x8d: {  	s2 =	sadd.s32 s2, s17  }
0x8e: {  	[smem:$0x3FC6] =	sst s2  }
0x8f: {  	_ = 	snop  }
0x90: {  	s2 =	sld [smem:$0x3FD0];
	(tm) =	ssettm $0x1  }
0x91: {  	s18 =	sld [smem:$0x3FFB];
	_ =	sdelay $0x3  }
0x92: {  	_ =	strace s18  }
0x93: {  	s3 =	sld [smem:$0x3FFC];
	_ =	sdelay $0x3  }
0x94: {  	_ =	strace s3  }
0x95: {  	s3 =	sld [smem:$0x3FFD];
	_ =	sdelay $0x3  }
0x96: {  	_ =	strace s3  }
0x97: {  	_ =	strace $0x8FFFFFFF  }
0x98: {  	s19 =	sld [smem:$0x3FDB];
	_ =	sdelay $0x1  }
0x99: {  	s4 =	simm.s32 $_scs_section_size  }
0x9a: {  	s5 =	simm.s32 $_size__tile_overlayer_lowered;
	s6 =	simm.s32 $_tile_overlayer_lowered  }
0x9b: {  	s22 =	simm.s32 $0x1BFF;
	s21 =	sshll.u32 s6, $0x1;
	s3 =	sadd.s32 s4, s19  }
0x9c: {  	s7 =	simm.s32 $0x0;
	s20 =	sshll.u32 s5, $0x1;
	s5 =	sadd.s32 s21, s3  }
0x9d: {  	[timem:s7], [sflag:s22] =	dma.local [hbm:s5], s20  }
0x9e: {  	_ =	swait.ge [sflag:s22], s20  }
0x9f: {  	s4 =	ssub.s32 $0x0, s20;
	[sflag:s22] =	ssyncset.done $0x0  }
0xa0: {  	[sflag:s22] =	ssyncadd.s32 s4;
	_ =	sdelay $0x1  }
0xa1: {  	s23 =	simm.s32 $0x1B8B  }
0xa2: {  	_ =	swait.ge [sflag:s23], $0x1  }
0xa3: {  	[sflag:s23] =	ssyncset.done $0x0  }
0xa4: {  	s25 =	simm.s32 $0x1B8E;
	s24 =	sld [smem:$0x3FFE];
	[sflag:s23] =	ssyncadd.s32 $0xFFFFFFFF  }
0xa5: {  	s26 =	simm.s32 $execute0_lowered;
	[smem:$0x3FD2] =	sst s25  }
0xa6: {  	s5 =	sshll.u32 s26, $0x1;
	_ =	strace $0x80000046;
	[dreg:$0x1] =	wrdreg $0xFFFFFFFF  }
0xa7: {  	s28 =	simm.s32 $_size_execute0_lowered;
	s3 =	sadd.s32 s3, s5;
	[dreg:$0x0] =	wrdreg $0x0  }
0xa8: {  	s5 =	sshll.u32 s28, $0x1;
	[dreg:$0x2] =	wrdreg s3  }
0xa9: {  	[dreg:$0x3] =	wrdreg s5  }
0xaa: {  	[dreg:$0x4] =	wrdreg $0xC0  }
0xab: {  	_ =	task [dreg:s7], $0x5FFFF  }
0xac: {  	[dreg:$0x1] =	wrdreg $0xFFFFFFFF  }
0xad: {  	[dreg:$0x0] =	wrdreg $0x60  }
0xae: {  	[dreg:$0x2] =	wrdreg s24  }
0xaf: {  	[dreg:$0x3] =	wrdreg s2  }
0xb0: {  	[dreg:$0x4] =	wrdreg $0x9  }
0xb1: {  	_ =	task.clear_ibuf [dreg:s7], $0x5FFFF;
	_ =	strace $0x90000046  }
0xb2: {  	s29 =	simm.s32 $0x9;
	_ =	strace $0x80000048  }
0xb3: {  	_ =	swait.ge [sflag:s29], $0x1  }
0xb4: {  	[sflag:s29] =	ssyncadd.s32 $0xFFFFFFFF  }
0xb5: {  	_ =	strace $0x90000048  }
0xb6: {  	_ =	sfence  }
0xb7: {  	s30 =	sld [smem:$0x0];
	_ =	sdelay $0x2  }
0xb8: {  	s31 =	sshll.u32 s1, $0xD;
	s1 =	sshrl.u32 s1, $0x2  }
0xb9: {  	s3 =	sand.u32 $0x4000, s31;
	s1 =	sadd.s32 s1, s30  }
0xba: {  	s0 =	sor.u32 s3, s0;
	s1 =	sshll.u32 s1, $0x11  }
0xbb: {  	s0 =	sor.u32 s1, s0  }
0xbc: {  	s0 =	sadd.s32 $0x8F2B, s0  }
0xbd: {  	[sflag:s0] =	ssyncadd.remote.s32 $0x1  }
0xbe: {  	_ =	sfence.sel $0xFFFF  }
0xbf: {  	[dreg:$0x0] =	wrdreg $0xFFFFFFFF;
	(pc) =	sbr.abs _section_cstart, $3  }
0xc0: {  	[dreg:$0x1] =	wrdreg $0xFFFFFFFF  }
0xc1: {  	_ =	task.clear_ibuf [dreg:s7], $0x2FFFF;
	_ =	strace $0x9FFFFFFF  }
0xc2: {  	(tm) =	ssettm $0x7FFFFFFF  }
0xc3: {  	_ =	shalt  }
tec
execute0_lowered:
.L_overlay_start_1:
0x0: {  	(tag) =	ssettag $0x1  }
0x1: {  	s5 =	rddreg [dreg:$0x0]  }
0x2: {  	s1 =	rddreg [dreg:$0x1]  }
0x3: {  	s2 =	simm.s32 $0x0;
	s6 =	srdreg.scid;
	s3 =	stileid.u32  }
0x4: {  	s12 =	simm.s32 $0x1;
	s13 =	simm.s32 $0x80;
	s14 =	simm.s32 $0x400  }
0x5: {  	s15 =	simm.s32 $0x4000;
	s16 =	simm.s32 $0x2000;
	s17 =	simm.s32 $0x0  }
0x6: {  	[smem:$0x7FF] =	sst s2;
	s7 =	sadd.s32 $0xA00, s5;
	s4 =	sadd.s32 $0x10A00, s5  }
0x7: {  	s6 =	sand.u32 $0x1, s6;
	s8 =	sshll.u32 s3, $0x6;
	s10 =	sshll.u32 s3, $0xC  }
0x8: {  	s29 =	sadd.s32 $0x10C00, s5;
	s9 =	sshll.u32 s6, $0x5;
	s8 =	sand.u32 $0x40, s8  }
0x9: {  	s6 =	ssub.s32 $0x2, s6;
	s10 =	sand.u32 $0xE000, s10;
	s8 =	sor.u32 s9, s8  }
0xa: {  	v0 =	vlaneseq.u32;
	_ =	strace $0x80000047;
	s30 =	sshrl.u32 s6, $0x1;
	s8 =	sor.u32 s10, s8  }
0xb: {  	v3 =	vmul.u32 $0xFFFFFFFF, v0;
	s31 =	ssub.s32 s6, s30;
	s10 =	simm.s32 $0x4100;
	s5 =	sadd.s32 s7, s8  }
0xc: {  	s11 =	sor.u32 $0x10, s8;
	s6 =	sadd.s32 s29, s8;
	s9 =	smax.u32 s31, $0x1  }
0xd: {  	v1 =	vimm.s32 $0x0;
	v2 =	vimm.s32 $0x1;
	v3 =	vadd.s32 $0xF, v3;
	s7 =	sadd.s32 s7, s11;
	s8 =	sadd.s32 s29, s11;
	s11 =	simm.s32 $0x4180  }
.LBB2_1:
0xe: {  	[tilespmem:s10], [sflag:$0x1] =	stream.linear.gather [hbm4b:s1+s2], $0x1, $0x38;
	[tilespmem:$0x4200] =	vst v63  }
0xf: {  	_ = 	snop  }
0x10: {  	[tilespmem:s11], [sflag:$0x1] =	stream.linear.gather [hbm4b:s4+s2], $0x1, $0x38;
	[tilespmem:$0x4200] =	vst v63  }
0x11: {  	_ =	swait.ge [sflag:s12], $0x1  }
0x12: {  	[sflag:s12] =	ssyncset.done $0x0  }
0x13: {  	[sflag:s12] =	ssyncadd.s32 $0xFFFFFFFF  }
0x14: {  	_ =	swait.ge [sflag:s12], $0x1  }
0x15: {  	[sflag:s12] =	ssyncset.done $0x0  }
0x16: {  	[sflag:s12] =	ssyncadd.s32 $0xFFFFFFFF  }
0x17: {  	v6 =	vld [tilespmem:$0x4180]  }
0x18: {  	v4 =	vld.msk [tilespmem:$0x4100 ss:$0x0], $0xffff;
	[tilespmem:s2], [sflag:$0x1] =	stream.strided.gather [hbm4b:s5+s13], $0x2000, s14, s13, $0x38  }
0x19: {  	_ =	swait.ge [sflag:s12], $0x2000  }
0x1a: {  	[sflag:s12] =	ssyncset.done $0x0  }
0x1b: {  	[sflag:s12] =	ssyncadd.s32 $0xFFFFE000  }
0x1c: {  	[tilespmem:$0x4000] =	vst v1  }
0x1d: {  	[tilespmem:$0x4010] =	vst v1  }
0x1e: {  	[tilespmem:$0x4020] =	vst v1  }
0x1f: {  	[tilespmem:$0x4030] =	vst v1  }
0x20: {  	[tilespmem:$0x4040] =	vst v1  }
0x21: {  	[tilespmem:$0x4050] =	vst v1  }
0x22: {  	[tilespmem:$0x4060] =	vst v1  }
0x23: {  	[tilespmem:$0x4070] =	vst v1  }
0x24: {  	[tilespmem:$0x4080] =	vst v1  }
0x25: {  	[tilespmem:$0x4090] =	vst v1  }
0x26: {  	[tilespmem:$0x40A0] =	vst v1  }
0x27: {  	[tilespmem:$0x40B0] =	vst v1  }
0x28: {  	[tilespmem:$0x40C0] =	vst v1  }
0x29: {  	[tilespmem:$0x40D0] =	vst v1  }
0x2a: {  	[tilespmem:$0x40E0] =	vst v1  }
0x2b: {  	s18 =	simm.s32 $0x0;
	[tilespmem:$0x40F0] =	vst v1;
	v5 =	vbroadcast v6, $0x0  }
.LBB2_2:
0x2c: {  	s19 =	sshra.s32 s18, $0x2  }
0x2d: {  	v7 =	vld [tilespmem:s19+$0x0];
	_ =	sdelay $0x4  }
0x2e: {  	v8 =	vand.u32 v4, v7  }
0x2f: {  	vm0 =	vlt.s32 v7, $0x0;
	v8 =	vxor.u32 $0xFFFFFFFF, v8  }
0x30: {  	v7 =	vsel vm0, v8, v7  }
0x31: {  	v7 =	vxor.u32 v5, v7  }
0x32: {  	p0 =	sne.s32 s18, $0x7FC0;
	v7 =	vshrl.u32 v7, $0x18  }
.Ltmp0:
0x33: {  	_ = 	snop;
	(pc) =	sbr.rel @p0 .LBB2_2-.Ltmp0, $2  }
0x34: {  	_ =	sdelay $0x2  }
0x35: {  	s18 =	sadd.s32 $0x40, s18;
	[tilespmem:v7+s15+$0x0] =	vst.idx.add.s32.msk $0xffff, v2  }
0x36: {  	s18 =	simm.s32 $0x40F0  }
0x37: {  	v7 =	vld [tilespmem:s18+$0x0];
	_ =	sdelay $0x4  }
0x38: {  	v8 =	vperm.xlane v7, v3  }
0x39: {  	(xrf0) =	vadd.scan.msk.s32 $0xffff, v7  }
0x3a: {  	(xrf0) =	vadd.scan.msk.s32 $0xffff, v8;
	_ =	sdelay $0x4  }
0x3b: {  	v8, _, _ =	vpop (xrf0)  }
0x3c: {  	v9, _, _ =	vpop (xrf0)  }
0x3d: {  	v9 =	vperm.xlane v9, v3  }
0x3e: {  	s24 =	simm.s32 $0x0  }
0x3f: {  	s19 =	simm.s32 $0x201;
	v9 =	vadd.s32 s24, v9  }
0x40: {  	vm0 =	vge.s32 v9, s19  }
0x41: {  	v10 =	vmpcnt.ones.xlane vm0  }
0x42: {  	v8 =	vxor.u32 $0x80000000, v8  }
0x43: {  	(xrf0) =	vmax.scan.msk.u32 $0xffff, v8;
	v8 =	vxor.u32 $0x80000000, v10  }
0x44: {  	(xrf0) =	vmax.scan.msk.u32 $0xffff, v8;
	_ =	sdelay $0x4  }
0x45: {  	v8, _, _ =	vpop (xrf0)  }
0x46: {  	(v2sf) =	vpush v8, $0xF;
	v8, _, _ =	vpop (xrf0)  }
0x47: {  	(v2sf) =	vpush v8, $0xF;
	_ =	sdelay $0xd  }
0x48: {  	s29 =	spop (v2sf)  }
0x49: {  	s20 =	spop (v2sf)  }
0x4a: {  	s25 =	sadd.s32 $0x7FFFFFFF, s20  }
0x4b: {  	p0 =	sgt.s32 s25, $0x0  }
0x4c: {  	s25 =	simm.s32 @!p0 $0x0  }
0x4d: {  	v8 =	vmov s25  }
0x4e: {  	vm15 =	veq.s32 v8, v0;
	v8 =	vxor.u32 $0x80000000, v9  }
0x4f: {  	v7 =	vxor.u32 $0x80000000, v7;
	v8 =	vnsel vm15, $0x1, v8  }
0x50: {  	v7 =	vnsel vm15, $0x1, v7;
	(xrf0) =	vmax.scan.msk.u32 $0xffff, v8  }
0x51: {  	(xrf0) =	vmax.scan.msk.u32 $0xffff, v7;
	_ =	sdelay $0x4  }
0x52: {  	v7, _, _ =	vpop (xrf0)  }
0x53: {  	(v2sf) =	vpush v7, $0xF;
	v7, _, _ =	vpop (xrf0)  }
0x54: {  	(v2sf) =	vpush v7, $0xF;
	_ =	sdelay $0x1  }
0x55: {  	s21 =	simm.s32 $0x40E0  }
0x56: {  	v7 =	vld [tilespmem:s21+$0x0];
	_ =	sdelay $0x4  }
0x57: {  	v8 =	vperm.xlane v7, v3  }
0x58: {  	(xrf0) =	vadd.scan.msk.s32 $0xffff, v7  }
0x59: {  	(xrf0) =	vadd.scan.msk.s32 $0xffff, v8;
	_ =	sdelay $0x1  }
0x5a: {  	s22 =	simm.s32 $0xD0  }
0x5b: {  	s18 =	simm.s32 $0xE0;
	s28 =	sxor.u32 $0x1, s24;
	s23 =	sadd.s32 $0x0, s29  }
0x5c: {  	s23 =	sadd.s32 $0x80000000, s23;
	p0 =	sgt.u32 s20, $0x80000000;
	s30 =	spop (v2sf)  }
0x5d: {  	s28 =	simm.s32 @!p0 $0x0;
	s26 =	sadd.s32 $0xF0, s25;
	v8, _, _ =	vpop (xrf0);
	s31 =	spop (v2sf)  }
0x5e: {  	p1 =	seq.s32 s28, $0x0;
	v8 =	vxor.u32 $0x80000000, v8;
	v9, _, _ =	vpop (xrf0);
	s29 =	sxor.u32 $0x80000000, s30;
	s30 =	sxor.u32 $0x80000000, s31  }
0x5f: {  	s20 =	sor.u32 s24, s28;
	s26 =	smov.u32 @p1 s24;
	(xrf0) =	vmax.scan.msk.u32 $0xffff, v8;
	v8 =	vperm.xlane v9, v3;
	s28 =	ssub.s32 s30, s29  }
.LBB2_4:
0x60: {  	s24 =	smov.u32 s26;
	p0 =	sne.s32 s22, $0x0  }
0x61: {  	s28 =	simm.s32 @p1 $0x0;
	s25 =	smov.u32 s22;
	s22 =	sadd.s32 $0xFFFFFFF0, s22  }
0x62: {  	v8 =	vadd.s32 s23, v8;
	s19 =	sadd.s32 s19, s28  }
0x63: {  	vm0 =	vge.s32 v8, s19  }
0x64: {  	v9 =	vmpcnt.ones.xlane vm0  }
0x65: {  	v10, _, _ =	vpop (xrf0)  }
0x66: {  	v9 =	vxor.u32 $0x80000000, v9;
	(v2sf) =	vpush v10, $0xF  }
0x67: {  	(xrf0) =	vmax.scan.msk.u32 $0xffff, v9;
	_ =	sdelay $0x5  }
0x68: {  	v9, _, _ =	vpop (xrf0)  }
0x69: {  	(v2sf) =	vpush v9, $0xF;
	_ =	sdelay $0x6  }
0x6a: {  	s26 =	spop (v2sf)  }
0x6b: {  	s23 =	sadd.s32 s26, s23  }
0x6c: {  	s23 =	sadd.s32 $0x80000000, s23;
	_ =	sdelay $0x5  }
0x6d: {  	s26 =	spop (v2sf)  }
0x6e: {  	s28 =	sxor.u32 $0x1, s20;
	p1 =	sgt.u32 s26, $0x80000000;
	s26 =	sadd.s32 $0x7FFFFFFF, s26  }
0x6f: {  	s28 =	simm.s32 @!p1 $0x0;
	p1 =	sgt.s32 s26, $0x0  }
0x70: {  	s26 =	simm.s32 @!p1 $0x0;
	s20 =	sor.u32 s20, s28  }
0x71: {  	v9 =	vmov s26  }
0x72: {  	v7 =	vxor.u32 $0x80000000, v7;
	v8 =	vxor.u32 $0x80000000, v8;
	vm0 =	veq.s32 v9, v0  }
0x73: {  	v8 =	vnsel vm0, $0x1, v8;
	v7 =	vnsel vm0, $0x1, v7  }
0x74: {  	(xrf0) =	vmax.scan.msk.u32 $0xffff, v8  }
0x75: {  	(xrf0) =	vmax.scan.msk.u32 $0xffff, v7;
	_ =	sdelay $0x4  }
0x76: {  	v7, _, _ =	vpop (xrf0)  }
0x77: {  	(v2sf) =	vpush v7, $0xF;
	v7, _, _ =	vpop (xrf0)  }
0x78: {  	(v2sf) =	vpush v7, $0xF;
	_ =	sdelay $0x1  }
0x79: {  	s21 =	sadd.s32 $0xFFFFFFF0, s21  }
0x7a: {  	v7 =	vld [tilespmem:s21+$0x0];
	_ =	sdelay $0x4  }
0x7b: {  	v8 =	vperm.xlane v7, v3;
	(xrf0) =	vadd.scan.msk.s32 $0xffff, v7;
	_ =	sdelay $0x1  }
0x7c: {  	(xrf0) =	vadd.scan.msk.s32 $0xffff, v8;
	_ =	sdelay $0x2  }
.Ltmp1:
0x7d: {  	(pc) =	sbr.rel @p0 .LBB2_4-.Ltmp1, $4  }
0x7e: {  	v8, _, _ =	vpop (xrf0);
	s29 =	spop (v2sf)  }
0x7f: {  	v8 =	vxor.u32 $0x80000000, v8;
	s29 =	sxor.u32 $0x80000000, s29;
	s30 =	spop (v2sf)  }
0x80: {  	p1 =	seq.s32 s28, $0x0;
	s26 =	sadd.s32 s18, s26;
	v9, _, _ =	vpop (xrf0);
	(xrf0) =	vmax.scan.msk.u32 $0xffff, v8;
	s30 =	sxor.u32 $0x80000000, s30  }
0x81: {  	s18 =	smov.u32 s25;
	s26 =	smov.u32 @p1 s24;
	v8 =	vperm.xlane v9, v3;
	s28 =	ssub.s32 s30, s29  }
0x82: {  	s28 =	simm.s32 @p1 $0x0  }
0x83: {  	v8 =	vadd.s32 s23, v8;
	s19 =	sadd.s32 s19, s28  }
0x84: {  	vm0 =	vge.s32 v8, s19  }
0x85: {  	v9 =	vmpcnt.ones.xlane vm0;
	_ =	sdelay $0x1  }
0x86: {  	v9 =	vxor.u32 $0x80000000, v9  }
0x87: {  	(xrf0) =	vmax.scan.msk.u32 $0xffff, v9;
	_ =	sdelay $0x4  }
0x88: {  	v61, _, _ =	vpop (xrf0)  }
0x89: {  	(v2sf) =	vpush v61, $0xF;
	v62, _, _ =	vpop (xrf0)  }
0x8a: {  	(v2sf) =	vpush v62, $0xF;
	_ =	sdelay $0xd  }
0x8b: {  	s21 =	spop (v2sf)  }
0x8c: {  	s21 =	spop (v2sf)  }
0x8d: {  	s22 =	sadd.s32 $0x7FFFFFFF, s21  }
0x8e: {  	p0 =	sgt.s32 s22, $0x0  }
0x8f: {  	s22 =	simm.s32 @!p0 $0x0  }
0x90: {  	v63 =	vmov s22  }
0x91: {  	v8 =	vxor.u32 $0x80000000, v8;
	vm15 =	veq.s32 v63, v0  }
0x92: {  	v7 =	vxor.u32 $0x80000000, v7;
	v8 =	vnsel vm15, $0x1, v8  }
0x93: {  	v7 =	vnsel vm15, $0x1, v7;
	(xrf0) =	vmax.scan.msk.u32 $0xffff, v8  }
0x94: {  	(xrf0) =	vmax.scan.msk.u32 $0xffff, v7;
	_ =	sdelay $0x4  }
0x95: {  	v7, _, _ =	vpop (xrf0)  }
0x96: {  	(v2sf) =	vpush v7, $0xF;
	v7, _, _ =	vpop (xrf0)  }
0x97: {  	(v2sf) =	vpush v7, $0xF;
	_ =	sdelay $0x3  }
0x98: {  	[tilespmem:$0x4000] =	vst v1  }
0x99: {  	[tilespmem:$0x4010] =	vst v1  }
0x9a: {  	[tilespmem:$0x4020] =	vst v1  }
0x9b: {  	[tilespmem:$0x4030] =	vst v1  }
0x9c: {  	[tilespmem:$0x4040] =	vst v1  }
0x9d: {  	[tilespmem:$0x4050] =	vst v1  }
0x9e: {  	[tilespmem:$0x4060] =	vst v1  }
0x9f: {  	[tilespmem:$0x4070] =	vst v1  }
0xa0: {  	[tilespmem:$0x4080] =	vst v1  }
0xa1: {  	[tilespmem:$0x4090] =	vst v1  }
0xa2: {  	[tilespmem:$0x40A0] =	vst v1;
	s30 =	spop (v2sf)  }
0xa3: {  	s20 =	sxor.u32 $0x1, s20;
	[tilespmem:$0x40B0] =	vst v1;
	p0 =	sgt.u32 s21, $0x80000000;
	s31 =	spop (v2sf)  }
0xa4: {  	[tilespmem:$0x40C0] =	vst v1;
	s20 =	simm.s32 @!p0 $0x0;
	s23 =	sxor.u32 $0x80000000, s30;
	s21 =	sxor.u32 $0x80000000, s31  }
0xa5: {  	[tilespmem:$0x40D0] =	vst v1;
	s18 =	sadd.s32 s18, s22;
	p0 =	seq.s32 s20, $0x0;
	s20 =	ssub.s32 s21, s23  }
0xa6: {  	[tilespmem:$0x40E0] =	vst v1;
	s18 =	smov.u32 @p0 s26;
	s20 =	simm.s32 @p0 $0x0  }
0xa7: {  	[tilespmem:$0x40F0] =	vst v1;
	s25 =	simm.s32 $0x0;
	v7 =	vmov s18;
	s19 =	sadd.s32 s19, s20;
	s20 =	simm.s32 $0x0  }
.LBB2_6:
0xa8: {  	s21 =	sshra.s32 s20, $0x2  }
0xa9: {  	v8 =	vld [tilespmem:s21+$0x0];
	_ =	sdelay $0x4  }
0xaa: {  	v9 =	vand.u32 v4, v8  }
0xab: {  	vm0 =	vlt.s32 v8, $0x0;
	v9 =	vxor.u32 $0xFFFFFFFF, v9  }
0xac: {  	v8 =	vsel vm0, v9, v8  }
0xad: {  	v8 =	vxor.u32 v5, v8  }
0xae: {  	v63 =	vshrl.u32 v8, $0x18  }
0xaf: {  	v8 =	vshrl.u32 v8, $0x10;
	vm15 =	veq.s32 v63, v7  }
0xb0: {  	p0 =	sne.s32 s20, $0x7FC0;
	v8 =	vand.u32 $0xFF, v8  }
.Ltmp2:
0xb1: {  	_ = 	snop;
	(pc) =	sbr.rel @p0 .LBB2_6-.Ltmp2, $2  }
0xb2: {  	_ =	sdelay $0x2  }
0xb3: {  	s20 =	sadd.s32 $0x40, s20;
	[tilespmem:v8+s15+$0x0] =	vst.idx.add.s32.msk vm15, v2  }
0xb4: {  	s20 =	simm.s32 $0x40F0  }
0xb5: {  	v7 =	vld [tilespmem:s20+$0x0];
	_ =	sdelay $0x4  }
0xb6: {  	v8 =	vperm.xlane v7, v3  }
0xb7: {  	(xrf0) =	vadd.scan.msk.s32 $0xffff, v7  }
0xb8: {  	(xrf0) =	vadd.scan.msk.s32 $0xffff, v8;
	_ =	sdelay $0x4  }
0xb9: {  	v8, _, _ =	vpop (xrf0)  }
0xba: {  	v9, _, _ =	vpop (xrf0)  }
0xbb: {  	v9 =	vperm.xlane v9, v3;
	_ =	sdelay $0x1  }
0xbc: {  	v9 =	vadd.s32 s25, v9  }
0xbd: {  	vm0 =	vge.s32 v9, s19  }
0xbe: {  	v10 =	vmpcnt.ones.xlane vm0  }
0xbf: {  	v8 =	vxor.u32 $0x80000000, v8  }
0xc0: {  	(xrf0) =	vmax.scan.msk.u32 $0xffff, v8;
	v8 =	vxor.u32 $0x80000000, v10  }
0xc1: {  	(xrf0) =	vmax.scan.msk.u32 $0xffff, v8;
	_ =	sdelay $0x4  }
0xc2: {  	v8, _, _ =	vpop (xrf0)  }
0xc3: {  	(v2sf) =	vpush v8, $0xF;
	v8, _, _ =	vpop (xrf0)  }
0xc4: {  	(v2sf) =	vpush v8, $0xF;
	_ =	sdelay $0xd  }
0xc5: {  	s24 =	spop (v2sf)  }
0xc6: {  	s21 =	spop (v2sf)  }
0xc7: {  	s26 =	sadd.s32 $0x7FFFFFFF, s21  }
0xc8: {  	p0 =	sgt.s32 s26, $0x0  }
0xc9: {  	s26 =	simm.s32 @!p0 $0x0  }
0xca: {  	v8 =	vmov s26  }
0xcb: {  	vm15 =	veq.s32 v8, v0;
	v8 =	vxor.u32 $0x80000000, v9  }
0xcc: {  	v7 =	vxor.u32 $0x80000000, v7;
	v8 =	vnsel vm15, $0x1, v8  }
0xcd: {  	v7 =	vnsel vm15, $0x1, v7;
	(xrf0) =	vmax.scan.msk.u32 $0xffff, v8  }
0xce: {  	(xrf0) =	vmax.scan.msk.u32 $0xffff, v7;
	_ =	sdelay $0x4  }
0xcf: {  	v7, _, _ =	vpop (xrf0)  }
0xd0: {  	(v2sf) =	vpush v7, $0xF;
	v7, _, _ =	vpop (xrf0)  }
0xd1: {  	(v2sf) =	vpush v7, $0xF;
	_ =	sdelay $0x1  }
0xd2: {  	s22 =	simm.s32 $0x40E0  }
0xd3: {  	v7 =	vld [tilespmem:s22+$0x0];
	_ =	sdelay $0x4  }
0xd4: {  	v8 =	vperm.xlane v7, v3  }
0xd5: {  	(xrf0) =	vadd.scan.msk.s32 $0xffff, v7  }
0xd6: {  	(xrf0) =	vadd.scan.msk.s32 $0xffff, v8;
	_ =	sdelay $0x1  }
0xd7: {  	s23 =	simm.s32 $0xD0  }
0xd8: {  	s29 =	sxor.u32 $0x1, s25;
	s20 =	simm.s32 $0xE0;
	s24 =	sadd.s32 $0x0, s24  }
0xd9: {  	s24 =	sadd.s32 $0x80000000, s24;
	p0 =	sgt.u32 s21, $0x80000000;
	s30 =	spop (v2sf)  }
0xda: {  	s29 =	simm.s32 @!p0 $0x0;
	s28 =	sadd.s32 $0xF0, s26;
	v8, _, _ =	vpop (xrf0);
	s31 =	spop (v2sf)  }
0xdb: {  	p1 =	seq.s32 s29, $0x0;
	v8 =	vxor.u32 $0x80000000, v8;
	v9, _, _ =	vpop (xrf0);
	s30 =	sxor.u32 $0x80000000, s30;
	s31 =	sxor.u32 $0x80000000, s31  }
0xdc: {  	s21 =	sor.u32 s25, s29;
	s28 =	smov.u32 @p1 s25;
	(xrf0) =	vmax.scan.msk.u32 $0xffff, v8;
	v8 =	vperm.xlane v9, v3;
	s29 =	ssub.s32 s31, s30  }
.LBB2_8:
0xdd: {  	s25 =	smov.u32 s28;
	p0 =	sne.s32 s23, $0x0  }
0xde: {  	s29 =	simm.s32 @p1 $0x0;
	s26 =	smov.u32 s23;
	s23 =	sadd.s32 $0xFFFFFFF0, s23  }
0xdf: {  	v8 =	vadd.s32 s24, v8;
	s19 =	sadd.s32 s19, s29  }
0xe0: {  	vm0 =	vge.s32 v8, s19  }
0xe1: {  	v9 =	vmpcnt.ones.xlane vm0  }
0xe2: {  	v10, _, _ =	vpop (xrf0)  }
0xe3: {  	v9 =	vxor.u32 $0x80000000, v9;
	(v2sf) =	vpush v10, $0xF  }
0xe4: {  	(xrf0) =	vmax.scan.msk.u32 $0xffff, v9;
	_ =	sdelay $0x5  }
0xe5: {  	v9, _, _ =	vpop (xrf0)  }
0xe6: {  	(v2sf) =	vpush v9, $0xF;
	_ =	sdelay $0x6  }
0xe7: {  	s28 =	spop (v2sf)  }
0xe8: {  	s24 =	sadd.s32 s28, s24  }
0xe9: {  	s24 =	sadd.s32 $0x80000000, s24;
	_ =	sdelay $0x5  }
0xea: {  	s28 =	spop (v2sf)  }
0xeb: {  	s29 =	sxor.u32 $0x1, s21;
	p1 =	sgt.u32 s28, $0x80000000;
	s28 =	sadd.s32 $0x7FFFFFFF, s28  }
0xec: {  	s29 =	simm.s32 @!p1 $0x0;
	p1 =	sgt.s32 s28, $0x0  }
0xed: {  	s28 =	simm.s32 @!p1 $0x0;
	s21 =	sor.u32 s21, s29  }
0xee: {  	v9 =	vmov s28  }
0xef: {  	v7 =	vxor.u32 $0x80000000, v7;
	v8 =	vxor.u32 $0x80000000, v8;
	vm0 =	veq.s32 v9, v0  }
0xf0: {  	v8 =	vnsel vm0, $0x1, v8;
	v7 =	vnsel vm0, $0x1, v7  }
0xf1: {  	(xrf0) =	vmax.scan.msk.u32 $0xffff, v8  }
0xf2: {  	(xrf0) =	vmax.scan.msk.u32 $0xffff, v7;
	_ =	sdelay $0x4  }
0xf3: {  	v7, _, _ =	vpop (xrf0)  }
0xf4: {  	(v2sf) =	vpush v7, $0xF;
	v7, _, _ =	vpop (xrf0)  }
0xf5: {  	(v2sf) =	vpush v7, $0xF;
	_ =	sdelay $0x1  }
0xf6: {  	s22 =	sadd.s32 $0xFFFFFFF0, s22  }
0xf7: {  	v7 =	vld [tilespmem:s22+$0x0];
	_ =	sdelay $0x4  }
0xf8: {  	v8 =	vperm.xlane v7, v3;
	(xrf0) =	vadd.scan.msk.s32 $0xffff, v7;
	_ =	sdelay $0x1  }
0xf9: {  	(xrf0) =	vadd.scan.msk.s32 $0xffff, v8;
	_ =	sdelay $0x2  }
.Ltmp3:
0xfa: {  	(pc) =	sbr.rel @p0 .LBB2_8-.Ltmp3, $4  }
0xfb: {  	v8, _, _ =	vpop (xrf0);
	s30 =	spop (v2sf)  }
0xfc: {  	v8 =	vxor.u32 $0x80000000, v8;
	s30 =	sxor.u32 $0x80000000, s30;
	s31 =	spop (v2sf)  }
0xfd: {  	p1 =	seq.s32 s29, $0x0;
	s28 =	sadd.s32 s20, s28;
	v9, _, _ =	vpop (xrf0);
	(xrf0) =	vmax.scan.msk.u32 $0xffff, v8;
	s31 =	sxor.u32 $0x80000000, s31  }
0xfe: {  	s20 =	smov.u32 s26;
	s28 =	smov.u32 @p1 s25;
	v8 =	vperm.xlane v9, v3;
	s29 =	ssub.s32 s31, s30  }
0xff: {  	s29 =	simm.s32 @p1 $0x0  }
0x100: {  	v8 =	vadd.s32 s24, v8;
	s19 =	sadd.s32 s19, s29  }
0x101: {  	vm0 =	vge.s32 v8, s19  }
0x102: {  	v9 =	vmpcnt.ones.xlane vm0;
	_ =	sdelay $0x1  }
0x103: {  	v9 =	vxor.u32 $0x80000000, v9  }
0x104: {  	(xrf0) =	vmax.scan.msk.u32 $0xffff, v9;
	_ =	sdelay $0x4  }
0x105: {  	v61, _, _ =	vpop (xrf0)  }
0x106: {  	(v2sf) =	vpush v61, $0xF;
	v62, _, _ =	vpop (xrf0)  }
0x107: {  	(v2sf) =	vpush v62, $0xF;
	_ =	sdelay $0xd  }
0x108: {  	s22 =	spop (v2sf)  }
0x109: {  	s22 =	spop (v2sf)  }
0x10a: {  	s23 =	sadd.s32 $0x7FFFFFFF, s22  }
0x10b: {  	p0 =	sgt.s32 s23, $0x0  }
0x10c: {  	s23 =	simm.s32 @!p0 $0x0  }
0x10d: {  	v63 =	vmov s23  }
0x10e: {  	v8 =	vxor.u32 $0x80000000, v8;
	vm15 =	veq.s32 v63, v0  }
0x10f: {  	v7 =	vxor.u32 $0x80000000, v7;
	v8 =	vnsel vm15, $0x1, v8  }
0x110: {  	v7 =	vnsel vm15, $0x1, v7;
	(xrf0) =	vmax.scan.msk.u32 $0xffff, v8  }
0x111: {  	(xrf0) =	vmax.scan.msk.u32 $0xffff, v7;
	_ =	sdelay $0x4  }
0x112: {  	v7, _, _ =	vpop (xrf0)  }
0x113: {  	(v2sf) =	vpush v7, $0xF;
	v7, _, _ =	vpop (xrf0)  }
0x114: {  	(v2sf) =	vpush v7, $0xF;
	_ =	sdelay $0x3  }
0x115: {  	[tilespmem:$0x4000] =	vst v1  }
0x116: {  	[tilespmem:$0x4010] =	vst v1  }
0x117: {  	[tilespmem:$0x4020] =	vst v1  }
0x118: {  	[tilespmem:$0x4030] =	vst v1  }
0x119: {  	[tilespmem:$0x4040] =	vst v1  }
0x11a: {  	[tilespmem:$0x4050] =	vst v1  }
0x11b: {  	[tilespmem:$0x4060] =	vst v1  }
0x11c: {  	[tilespmem:$0x4070] =	vst v1  }
0x11d: {  	[tilespmem:$0x4080] =	vst v1  }
0x11e: {  	[tilespmem:$0x4090] =	vst v1  }
0x11f: {  	s21 =	sxor.u32 $0x1, s21;
	[tilespmem:$0x40A0] =	vst v1;
	p0 =	sgt.u32 s22, $0x80000000;
	s30 =	spop (v2sf)  }
0x120: {  	[tilespmem:$0x40B0] =	vst v1;
	s21 =	simm.s32 @!p0 $0x0;
	s20 =	sadd.s32 s20, s23;
	s31 =	spop (v2sf)  }
0x121: {  	[tilespmem:$0x40C0] =	vst v1;
	p0 =	seq.s32 s21, $0x0;
	s22 =	sxor.u32 $0x80000000, s30;
	s24 =	sxor.u32 $0x80000000, s31  }
0x122: {  	s18 =	sshll.u32 s18, $0x8;
	[tilespmem:$0x40D0] =	vst v1;
	s20 =	smov.u32 @p0 s28;
	s21 =	ssub.s32 s24, s22  }
0x123: {  	[tilespmem:$0x40E0] =	vst v1;
	s18 =	sor.u32 s18, s20;
	s21 =	simm.s32 @p0 $0x0  }
0x124: {  	[tilespmem:$0x40F0] =	vst v1;
	s25 =	simm.s32 $0x0;
	s20 =	simm.s32 $0x0;
	v7 =	vmov s18;
	s19 =	sadd.s32 s19, s21  }
.LBB2_10:
0x125: {  	s21 =	sshra.s32 s20, $0x2  }
0x126: {  	v8 =	vld [tilespmem:s21+$0x0];
	_ =	sdelay $0x4  }
0x127: {  	v9 =	vand.u32 v4, v8  }
0x128: {  	vm0 =	vlt.s32 v8, $0x0;
	v9 =	vxor.u32 $0xFFFFFFFF, v9  }
0x129: {  	v8 =	vsel vm0, v9, v8  }
0x12a: {  	v8 =	vxor.u32 v5, v8  }
0x12b: {  	v63 =	vshrl.u32 v8, $0x10  }
0x12c: {  	v8 =	vshrl.u32 v8, $0x8;
	vm15 =	veq.s32 v63, v7  }
0x12d: {  	p0 =	sne.s32 s20, $0x7FC0;
	v8 =	vand.u32 $0xFF, v8  }
.Ltmp4:
0x12e: {  	_ = 	snop;
	(pc) =	sbr.rel @p0 .LBB2_10-.Ltmp4, $2  }
0x12f: {  	_ =	sdelay $0x2  }
0x130: {  	s20 =	sadd.s32 $0x40, s20;
	[tilespmem:v8+s15+$0x0] =	vst.idx.add.s32.msk vm15, v2  }
0x131: {  	s20 =	simm.s32 $0x40F0  }
0x132: {  	v7 =	vld [tilespmem:s20+$0x0];
	_ =	sdelay $0x4  }
0x133: {  	v8 =	vperm.xlane v7, v3  }
0x134: {  	(xrf0) =	vadd.scan.msk.s32 $0xffff, v7  }
0x135: {  	(xrf0) =	vadd.scan.msk.s32 $0xffff, v8;
	_ =	sdelay $0x4  }
0x136: {  	v8, _, _ =	vpop (xrf0)  }
0x137: {  	v9, _, _ =	vpop (xrf0)  }
0x138: {  	v9 =	vperm.xlane v9, v3;
	_ =	sdelay $0x1  }
0x139: {  	v9 =	vadd.s32 s25, v9  }
0x13a: {  	vm0 =	vge.s32 v9, s19  }
0x13b: {  	v10 =	vmpcnt.ones.xlane vm0  }
0x13c: {  	v8 =	vxor.u32 $0x80000000, v8  }
0x13d: {  	(xrf0) =	vmax.scan.msk.u32 $0xffff, v8;
	v8 =	vxor.u32 $0x80000000, v10  }
0x13e: {  	(xrf0) =	vmax.scan.msk.u32 $0xffff, v8;
	_ =	sdelay $0x4  }
0x13f: {  	v8, _, _ =	vpop (xrf0)  }
0x140: {  	(v2sf) =	vpush v8, $0xF;
	v8, _, _ =	vpop (xrf0)  }
0x141: {  	(v2sf) =	vpush v8, $0xF;
	_ =	sdelay $0xd  }
0x142: {  	s24 =	spop (v2sf)  }
0x143: {  	s21 =	spop (v2sf)  }
0x144: {  	s26 =	sadd.s32 $0x7FFFFFFF, s21  }
0x145: {  	p0 =	sgt.s32 s26, $0x0  }
0x146: {  	s26 =	simm.s32 @!p0 $0x0  }
0x147: {  	v8 =	vmov s26  }
0x148: {  	vm15 =	veq.s32 v8, v0;
	v8 =	vxor.u32 $0x80000000, v9  }
0x149: {  	v7 =	vxor.u32 $0x80000000, v7;
	v8 =	vnsel vm15, $0x1, v8  }
0x14a: {  	v7 =	vnsel vm15, $0x1, v7;
	(xrf0) =	vmax.scan.msk.u32 $0xffff, v8  }
0x14b: {  	(xrf0) =	vmax.scan.msk.u32 $0xffff, v7;
	_ =	sdelay $0x4  }
0x14c: {  	v7, _, _ =	vpop (xrf0)  }
0x14d: {  	(v2sf) =	vpush v7, $0xF;
	v7, _, _ =	vpop (xrf0)  }
0x14e: {  	(v2sf) =	vpush v7, $0xF;
	_ =	sdelay $0x1  }
0x14f: {  	s22 =	simm.s32 $0x40E0  }
0x150: {  	v7 =	vld [tilespmem:s22+$0x0];
	_ =	sdelay $0x4  }
0x151: {  	v8 =	vperm.xlane v7, v3  }
0x152: {  	(xrf0) =	vadd.scan.msk.s32 $0xffff, v7  }
0x153: {  	(xrf0) =	vadd.scan.msk.s32 $0xffff, v8;
	_ =	sdelay $0x1  }
0x154: {  	s23 =	simm.s32 $0xD0  }
0x155: {  	s29 =	sxor.u32 $0x1, s25;
	s20 =	simm.s32 $0xE0;
	s24 =	sadd.s32 $0x0, s24  }
0x156: {  	s24 =	sadd.s32 $0x80000000, s24;
	p0 =	sgt.u32 s21, $0x80000000;
	s30 =	spop (v2sf)  }
0x157: {  	s29 =	simm.s32 @!p0 $0x0;
	s28 =	sadd.s32 $0xF0, s26;
	v8, _, _ =	vpop (xrf0);
	s31 =	spop (v2sf)  }
0x158: {  	p1 =	seq.s32 s29, $0x0;
	v8 =	vxor.u32 $0x80000000, v8;
	v9, _, _ =	vpop (xrf0);
	s30 =	sxor.u32 $0x80000000, s30;
	s31 =	sxor.u32 $0x80000000, s31  }
0x159: {  	s21 =	sor.u32 s25, s29;
	s28 =	smov.u32 @p1 s25;
	(xrf0) =	vmax.scan.msk.u32 $0xffff, v8;
	v8 =	vperm.xlane v9, v3;
	s29 =	ssub.s32 s31, s30  }
.LBB2_12:
0x15a: {  	s25 =	smov.u32 s28;
	p0 =	sne.s32 s23, $0x0  }
0x15b: {  	s29 =	simm.s32 @p1 $0x0;
	s26 =	smov.u32 s23;
	s23 =	sadd.s32 $0xFFFFFFF0, s23  }
0x15c: {  	v8 =	vadd.s32 s24, v8;
	s19 =	sadd.s32 s19, s29  }
0x15d: {  	vm0 =	vge.s32 v8, s19  }
0x15e: {  	v9 =	vmpcnt.ones.xlane vm0  }
0x15f: {  	v10, _, _ =	vpop (xrf0)  }
0x160: {  	v9 =	vxor.u32 $0x80000000, v9;
	(v2sf) =	vpush v10, $0xF  }
0x161: {  	(xrf0) =	vmax.scan.msk.u32 $0xffff, v9;
	_ =	sdelay $0x5  }
0x162: {  	v9, _, _ =	vpop (xrf0)  }
0x163: {  	(v2sf) =	vpush v9, $0xF;
	_ =	sdelay $0x6  }
0x164: {  	s28 =	spop (v2sf)  }
0x165: {  	s24 =	sadd.s32 s28, s24  }
0x166: {  	s24 =	sadd.s32 $0x80000000, s24;
	_ =	sdelay $0x5  }
0x167: {  	s28 =	spop (v2sf)  }
0x168: {  	s29 =	sxor.u32 $0x1, s21;
	p1 =	sgt.u32 s28, $0x80000000;
	s28 =	sadd.s32 $0x7FFFFFFF, s28  }
0x169: {  	s29 =	simm.s32 @!p1 $0x0;
	p1 =	sgt.s32 s28, $0x0  }
0x16a: {  	s28 =	simm.s32 @!p1 $0x0;
	s21 =	sor.u32 s21, s29  }
0x16b: {  	v9 =	vmov s28  }
0x16c: {  	v7 =	vxor.u32 $0x80000000, v7;
	v8 =	vxor.u32 $0x80000000, v8;
	vm0 =	veq.s32 v9, v0  }
0x16d: {  	v8 =	vnsel vm0, $0x1, v8;
	v7 =	vnsel vm0, $0x1, v7  }
0x16e: {  	(xrf0) =	vmax.scan.msk.u32 $0xffff, v8  }
0x16f: {  	(xrf0) =	vmax.scan.msk.u32 $0xffff, v7;
	_ =	sdelay $0x4  }
0x170: {  	v7, _, _ =	vpop (xrf0)  }
0x171: {  	(v2sf) =	vpush v7, $0xF;
	v7, _, _ =	vpop (xrf0)  }
0x172: {  	(v2sf) =	vpush v7, $0xF;
	_ =	sdelay $0x1  }
0x173: {  	s22 =	sadd.s32 $0xFFFFFFF0, s22  }
0x174: {  	v7 =	vld [tilespmem:s22+$0x0];
	_ =	sdelay $0x4  }
0x175: {  	v8 =	vperm.xlane v7, v3;
	(xrf0) =	vadd.scan.msk.s32 $0xffff, v7;
	_ =	sdelay $0x1  }
0x176: {  	(xrf0) =	vadd.scan.msk.s32 $0xffff, v8;
	_ =	sdelay $0x2  }
.Ltmp5:
0x177: {  	(pc) =	sbr.rel @p0 .LBB2_12-.Ltmp5, $4  }
0x178: {  	v8, _, _ =	vpop (xrf0);
	s30 =	spop (v2sf)  }
0x179: {  	v8 =	vxor.u32 $0x80000000, v8;
	s30 =	sxor.u32 $0x80000000, s30;
	s31 =	spop (v2sf)  }
0x17a: {  	p1 =	seq.s32 s29, $0x0;
	s28 =	sadd.s32 s20, s28;
	v9, _, _ =	vpop (xrf0);
	(xrf0) =	vmax.scan.msk.u32 $0xffff, v8;
	s31 =	sxor.u32 $0x80000000, s31  }
0x17b: {  	s20 =	smov.u32 s26;
	s28 =	smov.u32 @p1 s25;
	v8 =	vperm.xlane v9, v3;
	s29 =	ssub.s32 s31, s30  }
0x17c: {  	s29 =	simm.s32 @p1 $0x0  }
0x17d: {  	v8 =	vadd.s32 s24, v8;
	s19 =	sadd.s32 s19, s29  }
0x17e: {  	vm0 =	vge.s32 v8, s19  }
0x17f: {  	v9 =	vmpcnt.ones.xlane vm0;
	_ =	sdelay $0x1  }
0x180: {  	v9 =	vxor.u32 $0x80000000, v9  }
0x181: {  	(xrf0) =	vmax.scan.msk.u32 $0xffff, v9;
	_ =	sdelay $0x4  }
0x182: {  	v61, _, _ =	vpop (xrf0)  }
0x183: {  	(v2sf) =	vpush v61, $0xF;
	v62, _, _ =	vpop (xrf0)  }
0x184: {  	(v2sf) =	vpush v62, $0xF;
	_ =	sdelay $0xd  }
0x185: {  	s22 =	spop (v2sf)  }
0x186: {  	s22 =	spop (v2sf)  }
0x187: {  	s23 =	sadd.s32 $0x7FFFFFFF, s22  }
0x188: {  	p0 =	sgt.s32 s23, $0x0  }
0x189: {  	s23 =	simm.s32 @!p0 $0x0  }
0x18a: {  	v63 =	vmov s23  }
0x18b: {  	v8 =	vxor.u32 $0x80000000, v8;
	vm15 =	veq.s32 v63, v0  }
0x18c: {  	v7 =	vxor.u32 $0x80000000, v7;
	v8 =	vnsel vm15, $0x1, v8  }
0x18d: {  	v7 =	vnsel vm15, $0x1, v7;
	(xrf0) =	vmax.scan.msk.u32 $0xffff, v8  }
0x18e: {  	(xrf0) =	vmax.scan.msk.u32 $0xffff, v7;
	_ =	sdelay $0x4  }
0x18f: {  	v7, _, _ =	vpop (xrf0)  }
0x190: {  	(v2sf) =	vpush v7, $0xF;
	v7, _, _ =	vpop (xrf0)  }
0x191: {  	(v2sf) =	vpush v7, $0xF;
	_ =	sdelay $0x3  }
0x192: {  	[tilespmem:$0x4000] =	vst v1  }
0x193: {  	[tilespmem:$0x4010] =	vst v1  }
0x194: {  	[tilespmem:$0x4020] =	vst v1  }
0x195: {  	[tilespmem:$0x4030] =	vst v1  }
0x196: {  	[tilespmem:$0x4040] =	vst v1  }
0x197: {  	[tilespmem:$0x4050] =	vst v1  }
0x198: {  	[tilespmem:$0x4060] =	vst v1  }
0x199: {  	[tilespmem:$0x4070] =	vst v1  }
0x19a: {  	[tilespmem:$0x4080] =	vst v1  }
0x19b: {  	[tilespmem:$0x4090] =	vst v1  }
0x19c: {  	s21 =	sxor.u32 $0x1, s21;
	[tilespmem:$0x40A0] =	vst v1;
	p0 =	sgt.u32 s22, $0x80000000;
	s30 =	spop (v2sf)  }
0x19d: {  	[tilespmem:$0x40B0] =	vst v1;
	s21 =	simm.s32 @!p0 $0x0;
	s20 =	sadd.s32 s20, s23;
	s31 =	spop (v2sf)  }
0x19e: {  	[tilespmem:$0x40C0] =	vst v1;
	p0 =	seq.s32 s21, $0x0;
	s22 =	sxor.u32 $0x80000000, s30;
	s24 =	sxor.u32 $0x80000000, s31  }
0x19f: {  	s18 =	sshll.u32 s18, $0x8;
	[tilespmem:$0x40D0] =	vst v1;
	s20 =	smov.u32 @p0 s28;
	s21 =	ssub.s32 s24, s22  }
0x1a0: {  	[tilespmem:$0x40E0] =	vst v1;
	s18 =	sor.u32 s18, s20;
	s21 =	simm.s32 @p0 $0x0  }
0x1a1: {  	[tilespmem:$0x40F0] =	vst v1;
	s25 =	simm.s32 $0x0;
	s20 =	simm.s32 $0x0;
	v7 =	vmov s18;
	s19 =	sadd.s32 s19, s21  }
.LBB2_14:
0x1a2: {  	s21 =	sshra.s32 s20, $0x2  }
0x1a3: {  	v8 =	vld [tilespmem:s21+$0x0];
	_ =	sdelay $0x4  }
0x1a4: {  	v9 =	vand.u32 v4, v8  }
0x1a5: {  	vm0 =	vlt.s32 v8, $0x0;
	v9 =	vxor.u32 $0xFFFFFFFF, v9  }
0x1a6: {  	v8 =	vsel vm0, v9, v8  }
0x1a7: {  	v8 =	vxor.u32 v5, v8  }
0x1a8: {  	v63 =	vshrl.u32 v8, $0x8  }
0x1a9: {  	vm15 =	veq.s32 v63, v7  }
0x1aa: {  	p0 =	sne.s32 s20, $0x7FC0;
	v8 =	vand.u32 $0xFF, v8  }
.Ltmp6:
0x1ab: {  	_ = 	snop;
	(pc) =	sbr.rel @p0 .LBB2_14-.Ltmp6, $2  }
0x1ac: {  	_ =	sdelay $0x2  }
0x1ad: {  	s20 =	sadd.s32 $0x40, s20;
	[tilespmem:v8+s15+$0x0] =	vst.idx.add.s32.msk vm15, v2  }
0x1ae: {  	s20 =	simm.s32 $0x40F0  }
0x1af: {  	v7 =	vld [tilespmem:s20+$0x0];
	_ =	sdelay $0x4  }
0x1b0: {  	v8 =	vperm.xlane v7, v3  }
0x1b1: {  	(xrf0) =	vadd.scan.msk.s32 $0xffff, v7  }
0x1b2: {  	(xrf0) =	vadd.scan.msk.s32 $0xffff, v8;
	_ =	sdelay $0x4  }
0x1b3: {  	v8, _, _ =	vpop (xrf0)  }
0x1b4: {  	v9, _, _ =	vpop (xrf0)  }
0x1b5: {  	v9 =	vperm.xlane v9, v3;
	_ =	sdelay $0x1  }
0x1b6: {  	v9 =	vadd.s32 s25, v9  }
0x1b7: {  	vm0 =	vge.s32 v9, s19  }
0x1b8: {  	v10 =	vmpcnt.ones.xlane vm0  }
0x1b9: {  	v8 =	vxor.u32 $0x80000000, v8  }
0x1ba: {  	(xrf0) =	vmax.scan.msk.u32 $0xffff, v8;
	v8 =	vxor.u32 $0x80000000, v10  }
0x1bb: {  	(xrf0) =	vmax.scan.msk.u32 $0xffff, v8;
	_ =	sdelay $0x4  }
0x1bc: {  	v8, _, _ =	vpop (xrf0)  }
0x1bd: {  	(v2sf) =	vpush v8, $0xF;
	v8, _, _ =	vpop (xrf0)  }
0x1be: {  	(v2sf) =	vpush v8, $0xF;
	_ =	sdelay $0xd  }
0x1bf: {  	s24 =	spop (v2sf)  }
0x1c0: {  	s21 =	spop (v2sf)  }
0x1c1: {  	s26 =	sadd.s32 $0x7FFFFFFF, s21  }
0x1c2: {  	p0 =	sgt.s32 s26, $0x0  }
0x1c3: {  	s26 =	simm.s32 @!p0 $0x0  }
0x1c4: {  	v8 =	vmov s26  }
0x1c5: {  	vm15 =	veq.s32 v8, v0;
	v8 =	vxor.u32 $0x80000000, v9  }
0x1c6: {  	v7 =	vxor.u32 $0x80000000, v7;
	v8 =	vnsel vm15, $0x1, v8  }
0x1c7: {  	v7 =	vnsel vm15, $0x1, v7;
	(xrf0) =	vmax.scan.msk.u32 $0xffff, v8  }
0x1c8: {  	(xrf0) =	vmax.scan.msk.u32 $0xffff, v7;
	_ =	sdelay $0x4  }
0x1c9: {  	v7, _, _ =	vpop (xrf0)  }
0x1ca: {  	(v2sf) =	vpush v7, $0xF;
	v7, _, _ =	vpop (xrf0)  }
0x1cb: {  	(v2sf) =	vpush v7, $0xF;
	_ =	sdelay $0x1  }
0x1cc: {  	s22 =	simm.s32 $0x40E0  }
0x1cd: {  	v7 =	vld [tilespmem:s22+$0x0];
	_ =	sdelay $0x4  }
0x1ce: {  	v8 =	vperm.xlane v7, v3  }
0x1cf: {  	(xrf0) =	vadd.scan.msk.s32 $0xffff, v7  }
0x1d0: {  	(xrf0) =	vadd.scan.msk.s32 $0xffff, v8;
	_ =	sdelay $0x1  }
0x1d1: {  	s23 =	simm.s32 $0xD0  }
0x1d2: {  	s29 =	sxor.u32 $0x1, s25;
	s20 =	simm.s32 $0xE0;
	s24 =	sadd.s32 $0x0, s24  }
0x1d3: {  	s24 =	sadd.s32 $0x80000000, s24;
	p0 =	sgt.u32 s21, $0x80000000;
	s30 =	spop (v2sf)  }
0x1d4: {  	s29 =	simm.s32 @!p0 $0x0;
	s28 =	sadd.s32 $0xF0, s26;
	v8, _, _ =	vpop (xrf0);
	s31 =	spop (v2sf)  }
0x1d5: {  	p1 =	seq.s32 s29, $0x0;
	v8 =	vxor.u32 $0x80000000, v8;
	v9, _, _ =	vpop (xrf0);
	s30 =	sxor.u32 $0x80000000, s30;
	s31 =	sxor.u32 $0x80000000, s31  }
0x1d6: {  	s21 =	sor.u32 s25, s29;
	s28 =	smov.u32 @p1 s25;
	(xrf0) =	vmax.scan.msk.u32 $0xffff, v8;
	v8 =	vperm.xlane v9, v3;
	s29 =	ssub.s32 s31, s30  }
.LBB2_16:
0x1d7: {  	s25 =	smov.u32 s28;
	p0 =	sne.s32 s23, $0x0  }
0x1d8: {  	s29 =	simm.s32 @p1 $0x0;
	s26 =	smov.u32 s23;
	s23 =	sadd.s32 $0xFFFFFFF0, s23  }
0x1d9: {  	v8 =	vadd.s32 s24, v8;
	s19 =	sadd.s32 s19, s29  }
0x1da: {  	vm0 =	vge.s32 v8, s19  }
0x1db: {  	v9 =	vmpcnt.ones.xlane vm0  }
0x1dc: {  	v10, _, _ =	vpop (xrf0)  }
0x1dd: {  	v9 =	vxor.u32 $0x80000000, v9;
	(v2sf) =	vpush v10, $0xF  }
0x1de: {  	(xrf0) =	vmax.scan.msk.u32 $0xffff, v9;
	_ =	sdelay $0x5  }
0x1df: {  	v9, _, _ =	vpop (xrf0)  }
0x1e0: {  	(v2sf) =	vpush v9, $0xF;
	_ =	sdelay $0x6  }
0x1e1: {  	s28 =	spop (v2sf)  }
0x1e2: {  	s24 =	sadd.s32 s28, s24  }
0x1e3: {  	s24 =	sadd.s32 $0x80000000, s24;
	_ =	sdelay $0x5  }
0x1e4: {  	s28 =	spop (v2sf)  }
0x1e5: {  	s29 =	sxor.u32 $0x1, s21;
	p1 =	sgt.u32 s28, $0x80000000;
	s28 =	sadd.s32 $0x7FFFFFFF, s28  }
0x1e6: {  	s29 =	simm.s32 @!p1 $0x0;
	p1 =	sgt.s32 s28, $0x0  }
0x1e7: {  	s28 =	simm.s32 @!p1 $0x0;
	s21 =	sor.u32 s21, s29  }
0x1e8: {  	v9 =	vmov s28  }
0x1e9: {  	v7 =	vxor.u32 $0x80000000, v7;
	v8 =	vxor.u32 $0x80000000, v8;
	vm0 =	veq.s32 v9, v0  }
0x1ea: {  	v8 =	vnsel vm0, $0x1, v8;
	v7 =	vnsel vm0, $0x1, v7  }
0x1eb: {  	(xrf0) =	vmax.scan.msk.u32 $0xffff, v8  }
0x1ec: {  	(xrf0) =	vmax.scan.msk.u32 $0xffff, v7;
	_ =	sdelay $0x4  }
0x1ed: {  	v7, _, _ =	vpop (xrf0)  }
0x1ee: {  	(v2sf) =	vpush v7, $0xF;
	v7, _, _ =	vpop (xrf0)  }
0x1ef: {  	(v2sf) =	vpush v7, $0xF;
	_ =	sdelay $0x1  }
0x1f0: {  	s22 =	sadd.s32 $0xFFFFFFF0, s22  }
0x1f1: {  	v7 =	vld [tilespmem:s22+$0x0];
	_ =	sdelay $0x4  }
0x1f2: {  	v8 =	vperm.xlane v7, v3;
	(xrf0) =	vadd.scan.msk.s32 $0xffff, v7;
	_ =	sdelay $0x1  }
0x1f3: {  	(xrf0) =	vadd.scan.msk.s32 $0xffff, v8;
	_ =	sdelay $0x2  }
.Ltmp7:
0x1f4: {  	(pc) =	sbr.rel @p0 .LBB2_16-.Ltmp7, $4  }
0x1f5: {  	v8, _, _ =	vpop (xrf0);
	s30 =	spop (v2sf)  }
0x1f6: {  	v8 =	vxor.u32 $0x80000000, v8;
	s30 =	sxor.u32 $0x80000000, s30;
	s31 =	spop (v2sf)  }
0x1f7: {  	p1 =	seq.s32 s29, $0x0;
	s28 =	sadd.s32 s20, s28;
	v9, _, _ =	vpop (xrf0);
	(xrf0) =	vmax.scan.msk.u32 $0xffff, v8;
	s31 =	sxor.u32 $0x80000000, s31  }
0x1f8: {  	s20 =	smov.u32 s26;
	s28 =	smov.u32 @p1 s25;
	v8 =	vperm.xlane v9, v3;
	s29 =	ssub.s32 s31, s30  }
0x1f9: {  	s29 =	simm.s32 @p1 $0x0  }
0x1fa: {  	v8 =	vadd.s32 s24, v8;
	s22 =	sadd.s32 s19, s29  }
0x1fb: {  	vm0 =	vge.s32 v8, s22  }
0x1fc: {  	v9 =	vmpcnt.ones.xlane vm0;
	_ =	sdelay $0x1  }
0x1fd: {  	v9 =	vxor.u32 $0x80000000, v9  }
0x1fe: {  	(xrf0) =	vmax.scan.msk.u32 $0xffff, v9;
	_ =	sdelay $0x4  }
0x1ff: {  	v9, _, _ =	vpop (xrf0)  }
0x200: {  	(v2sf) =	vpush v9, $0xF;
	v9, _, _ =	vpop (xrf0)  }
0x201: {  	(v2sf) =	vpush v9, $0xF;
	_ =	sdelay $0xd  }
0x202: {  	s31 =	spop (v2sf)  }
0x203: {  	s19 =	spop (v2sf)  }
0x204: {  	s23 =	sadd.s32 $0x7FFFFFFF, s19  }
0x205: {  	p0 =	sgt.s32 s23, $0x0  }
0x206: {  	s23 =	simm.s32 @!p0 $0x0  }
0x207: {  	v9 =	vmov s23  }
0x208: {  	v8 =	vxor.u32 $0x80000000, v8;
	vm0 =	veq.s32 v9, v0  }
0x209: {  	v7 =	vxor.u32 $0x80000000, v7;
	v8 =	vnsel vm0, $0x1, v8  }
0x20a: {  	v7 =	vnsel vm0, $0x1, v7;
	(xrf0) =	vmax.scan.msk.u32 $0xffff, v8  }
0x20b: {  	(xrf0) =	vmax.scan.msk.u32 $0xffff, v7;
	_ =	sdelay $0x4  }
0x20c: {  	v7, _, _ =	vpop (xrf0)  }
0x20d: {  	(v2sf) =	vpush v7, $0xF;
	v7, _, _ =	vpop (xrf0)  }
0x20e: {  	(v2sf) =	vpush v7, $0xF  }
0x20f: {  	(v2sf) =	vpush v6, $0x0;
	_ =	sdelay $0x8  }
0x210: {  	s25 =	simm.s32 $0x0  }
0x211: {  	v6 =	vld [tilespmem:s25+$0x0]  }
0x212: {  	s21 =	sxor.u32 $0x1, s21;
	p0 =	sgt.u32 s19, $0x80000000  }
0x213: {  	s21 =	simm.s32 @!p0 $0x0  }
0x214: {  	s19 =	sadd.s32 s20, s23;
	p0 =	seq.s32 s21, $0x0;
	s0 =	spop (v2sf)  }
0x215: {  	s19 =	smov.u32 @p0 s28;
	s28 =	sshll.u32 s18, $0x8;
	s26 =	spop (v2sf)  }
0x216: {  	s19 =	sor.u32 s28, s19;
	v7 =	vand.u32 v4, v6;
	s18 =	spop (v2sf)  }
0x217: {  	vm0 =	vlt.s32 v6, $0x0;
	v8 =	vxor.u32 $0xFFFFFFFF, v7;
	s20 =	sxor.u32 s18, s19;
	s19 =	simm.s32 $0x10  }
0x218: {  	v8 =	vsel vm0, v8, v6;
	v7 =	vmov s20;
	v9 =	vld [tilespmem:s19+$0x0]  }
0x219: {  	vm1 =	veq.s32 v8, v7  }
0x21a: {  	v6 =	vsel vm1, $0x1, v1  }
0x21b: {  	(xrf0) =	vadd.scan.msk.s32 $0xffff, v6;
	_ =	sdelay $0x1  }
0x21c: {  	s20 =	simm.s32 $0x20;
	v6 =	vand.u32 v4, v9  }
0x21d: {  	v10 =	vld [tilespmem:s20+$0x0];
	vm0 =	vlt.s32 v9, $0x0;
	v6 =	vxor.u32 $0xFFFFFFFF, v6  }
0x21e: {  	v9 =	vsel vm0, v6, v9  }
0x21f: {  	vm0 =	veq.s32 v9, v7  }
0x220: {  	v6 =	vsel vm0, $0x1, v1;
	v12, _, _ =	vpop (xrf0)  }
0x221: {  	s29 =	sxor.u32 $0x80000000, s0;
	s21 =	sxor.u32 $0x80000000, s26;
	(xrf0) =	vadd.scan.msk.s32 $0xffff, v6;
	v6 =	vxor.u32 $0x80000000, v12  }
0x222: {  	s23 =	ssub.s32 s21, s29;
	s21 =	simm.s32 $0x30;
	(xrf0) =	vmax.scan.msk.u32 $0xffff, v6;
	v6 =	vand.u32 v4, v10  }
0x223: {  	v11 =	vld [tilespmem:s21+$0x0];
	vm2 =	vlt.s32 v10, $0x0;
	v6 =	vxor.u32 $0xFFFFFFFF, v6  }
0x224: {  	v10 =	vsel vm2, v6, v10  }
0x225: {  	vm2 =	veq.s32 v10, v7  }
0x226: {  	v13 =	vsel vm2, $0x1, v1  }
0x227: {  	s23 =	simm.s32 @p0 $0x0;
	vm3 =	vgt.s32 v8, v7;
	v8, _, _ =	vpop (xrf0);
	(xrf0) =	vadd.scan.msk.s32 $0xffff, v13  }
0x228: {  	s22 =	sadd.s32 s22, s23;
	vm4 =	vgt.s32 v9, v7;
	v9 =	vand.u32 v4, v11;
	v13 =	vxor.u32 $0x80000000, v8  }
0x229: {  	vm5 =	vlt.s32 v11, $0x0;
	v9 =	vxor.u32 $0xFFFFFFFF, v9;
	v6 =	vmov s22;
	s22 =	simm.s32 $0x40;
	v14, _, _ =	vpop (xrf0);
	(xrf0) =	vmax.scan.msk.u32 $0xffff, v13  }
0x22a: {  	vm6 =	vgt.s32 v10, v7;
	v10 =	vsel vm5, v9, v11;
	v13 =	vld [tilespmem:s22+$0x0]  }
0x22b: {  	vm5 =	vmmov vm6;
	vm6 =	veq.s32 v10, v7  }
0x22c: {  	vm1 =	vmmov vm1;
	v11 =	vsel vm6, $0x1, v1  }
0x22d: {  	vm1 =	vmmov vm1;
	(v2sf) =	vpush v14, $0xF;
	v9, _, _ =	vpop (xrf0)  }
0x22e: {  	vm1 =	vmmov vm1;
	vm7 =	vgt.s32 v10, v7;
	(xrf0) =	vadd.scan.msk.s32 $0xffff, v11;
	v10 =	vxor.u32 $0x80000000, v9  }
0x22f: {  	vm8 =	vmmov vm1;
	v11, _, _ =	vpop (xrf0);
	(xrf0) =	vmax.scan.msk.u32 $0xffff, v10;
	v10 =	vand.u32 v4, v13  }
0x230: {  	vm4 =	vmmov vm4;
	vm1 =	vlt.s32 v13, $0x0;
	v10 =	vxor.u32 $0xFFFFFFFF, v10  }
0x231: {  	vm0 =	vmmov vm0;
	vm4 =	vmmov vm4;
	v10 =	vsel vm1, v10, v13  }
0x232: {  	vm0 =	vmmov vm0;
	vm9 =	vmmov vm4  }
0x233: {  	vm2 =	vmmov vm2;
	vm10 =	vmmov vm5;
	vm5 =	vmmov vm0  }
0x234: {  	vm0 =	vmmov vm2;
	vm2 =	veq.s32 v10, v7;
	vm4 =	vgt.s32 v10, v7;
	v10, _, _ =	vpop (xrf0)  }
0x235: {  	vm3 =	vmmov vm3;
	(v2sf) =	vpush v11, $0xF;
	v14, _, _ =	vpop (xrf0)  }
0x236: {  	s23 =	simm.s32 $0x50;
	vm3 =	vmmov vm3;
	(v2sf) =	vpush v14, $0xF  }
0x237: {  	s30 =	simm.s32 $0x0;
	vm3 =	vmmov vm3;
	v11 =	vld [tilespmem:s23+$0x0]  }
0x238: {  	vm3 =	vmmov vm3;
	v12 =	vadd.s32 s30, v12  }
0x239: {  	vm7 =	vmmov vm7;
	vm1 =	vmmov vm6;
	vm6 =	vle.s32 v12, v6  }
0x23a: {  	vm5 =	vmmov vm5;
	vm6 =	vmand vm8, vm6;
	v13 =	vsel vm2, $0x1, v1  }
0x23b: {  	vm7 =	vmmov vm7;
	vm6 =	vmor vm3, vm6;
	(xrf0) =	vadd.scan.msk.s32 $0xffff, v13;
	v12 =	vxor.u32 $0x80000000, v10  }
0x23c: {  	vm3 =	vmmov vm9;
	v13 =	vsel vm6, $0x1, v1;
	(xrf0) =	vmax.scan.msk.u32 $0xffff, v12;
	v12 =	vand.u32 v4, v11;
	s31 =	spop (v2sf)  }
0x23d: {  	s24 =	simm.s32 $0x60;
	s26 =	simm.s32 $0x1C0;
	vm6 =	vmmov vm10;
	vm9 =	vlt.s32 v11, $0x0;
	[tilespmem:s25+$0x2000] =	vst v13;
	v12 =	vxor.u32 $0xFFFFFFFF, v12;
	s25 =	sadd.s32 $0x0, s31  }
.LBB2_18:
0x23e: {  	p0 =	sne.s32 s26, $0x7FC0;
	v12 =	vsel vm9, v12, v11;
	s25 =	sadd.s32 $0x80000000, s25;
	vm8 =	vmmov vm4  }
0x23f: {  	v11 =	vld [tilespmem:s24+$0x0];
	vm9 =	vmmov vm0;
	vm0 =	vmmov vm1;
	vm1 =	vmmov vm2;
	s28 =	smov.u32 s19;
	s19 =	smov.u32 s20;
	s20 =	smov.u32 s21  }
0x240: {  	s21 =	smov.u32 s22;
	s22 =	smov.u32 s23;
	s23 =	smov.u32 s24;
	vm4 =	vgt.s32 v12, v7;
	vm2 =	veq.s32 v12, v7;
	v12 =	vadd.s32 s25, v8;
	v8 =	vmovc v9;
	v9 =	vmovc v10  }
.Ltmp8:
0x241: {  	v14 =	vsel vm2, $0x1, v1;
	v10, _, _ =	vpop (xrf0);
	vm10 =	vle.s32 v12, v6;
	(pc) =	sbr.rel @p0 .LBB2_18-.Ltmp8, $4  }
0x242: {  	(xrf0) =	vadd.scan.msk.s32 $0xffff, v14;
	v12 =	vxor.u32 $0x80000000, v10;
	v13, _, _ =	vpop (xrf0);
	vm10 =	vmand vm5, vm10;
	vm5 =	vmmov vm9  }
0x243: {  	(xrf0) =	vmax.scan.msk.u32 $0xffff, v12;
	(v2sf) =	vpush v13, $0xF;
	vm9 =	vmor vm3, vm10;
	vm3 =	vmmov vm6  }
0x244: {  	vm6 =	vmmov vm7;
	v12 =	vand.u32 v4, v11;
	v13 =	vsel vm9, $0x1, v1;
	s29 =	spop (v2sf)  }
0x245: {  	s24 =	sshra.s32 s26, $0x2;
	s26 =	sadd.s32 $0x40, s26;
	vm7 =	vmmov vm8;
	vm9 =	vlt.s32 v11, $0x0;
	v12 =	vxor.u32 $0xFFFFFFFF, v12;
	[tilespmem:s28+$0x2000] =	vst v13;
	s25 =	sadd.s32 s29, s25  }
0x246: {  	v13 =	vld [tilespmem:s24+$0x0];
	v11 =	vsel vm9, v12, v11  }
0x247: {  	vm9 =	veq.s32 v11, v7  }
0x248: {  	v47 =	vsel vm9, $0x1, v1  }
0x249: {  	(xrf0) =	vadd.scan.msk.s32 $0xffff, v47;
	_ =	sdelay $0x1  }
0x24a: {  	v48 =	vand.u32 v4, v13  }
0x24b: {  	vm8 =	vlt.s32 v13, $0x0;
	v12 =	vxor.u32 $0xFFFFFFFF, v48  }
0x24c: {  	v14, _, _ =	vpop (xrf0);
	v12 =	vsel vm8, v12, v13  }
0x24d: {  	v49 =	vxor.u32 $0x80000000, v14;
	v15, _, _ =	vpop (xrf0);
	vm8 =	veq.s32 v12, v7  }
0x24e: {  	(xrf0) =	vmax.scan.msk.u32 $0xffff, v49;
	v50 =	vsel vm8, $0x1, v1;
	v16, _, _ =	vpop (xrf0)  }
0x24f: {  	(xrf0) =	vadd.scan.msk.s32 $0xffff, v50;
	v51 =	vxor.u32 $0x80000000, v16  }
0x250: {  	(xrf0) =	vmax.scan.msk.u32 $0xffff, v51  }
0x251: {  	(v2sf) =	vpush v15, $0xF;
	_ =	sdelay $0x2  }
0x252: {  	v52, _, _ =	vpop (xrf0)  }
0x253: {  	(v2sf) =	vpush v52, $0xF;
	v53, _, _ =	vpop (xrf0)  }
0x254: {  	vm4 =	vmmov vm4;
	v54, _, _ =	vpop (xrf0)  }
0x255: {  	s26 =	spop (v2sf);
	vm0 =	vmmov vm0;
	v55 =	vxor.u32 $0x80000000, v53;
	(v2sf) =	vpush v54, $0xF  }
0x256: {  	s25 =	sadd.s32 $0x80000000, s25;
	vm1 =	vmmov vm1;
	vm2 =	vmmov vm2;
	vm15 =	vmmov vm7;
	(xrf0) =	vmax.scan.msk.u32 $0xffff, v55  }
0x257: {  	v8 =	vadd.s32 s25, v8;
	vm13 =	vgt.s32 v11, v7;
	vm0 =	vmmov vm0  }
0x258: {  	vm4 =	vmmov vm4;
	vm1 =	vmmov vm1;
	vm2 =	vmmov vm2  }
0x259: {  	s25 =	sadd.s32 s26, s25;
	vm10 =	vle.s32 v8, v6;
	vm12 =	vmmov vm13;
	vm9 =	vmmov vm9  }
0x25a: {  	s25 =	sadd.s32 $0x80000000, s25;
	vm1 =	vmmov vm1;
	vm2 =	vmmov vm2;
	vm5 =	vmand vm5, vm10  }
0x25b: {  	v56 =	vadd.s32 s25, v9;
	vm2 =	vmmov vm2;
	vm3 =	vmor vm3, vm5  }
0x25c: {  	vm5 =	vmmov vm6;
	vm14 =	vle.s32 v56, v6;
	vm13 =	vgt.s32 v12, v7;
	s31 =	spop (v2sf);
	v7, _, _ =	vpop (xrf0)  }
0x25d: {  	v57 =	vsel vm3, $0x1, v1;
	vm0 =	vmand vm0, vm14;
	s25 =	sadd.s32 s31, s25;
	(v2sf) =	vpush v7, $0xF  }
0x25e: {  	vm3 =	vmmov vm15;
	vm14 =	vmmov vm4;
	vm15 =	vmmov vm12;
	s25 =	sadd.s32 $0x80000000, s25;
	s0 =	spop (v2sf)  }
0x25f: {  	vm12 =	vmmov vm9;
	vm0 =	vmor vm5, vm0;
	v58 =	vadd.s32 s25, v10;
	s25 =	sadd.s32 s0, s25  }
0x260: {  	vm10 =	vmmov vm13;
	vm13 =	vmmov vm8;
	vm11 =	vle.s32 v58, v6;
	s25 =	sadd.s32 $0x80000000, s25  }
0x261: {  	vm6 =	vmmov vm13;
	vm1 =	vmand vm1, vm11;
	v60 =	vadd.s32 s25, v14  }
0x262: {  	vm13 =	vmmov vm6;
	vm1 =	vmor vm3, vm1;
	vm9 =	vle.s32 v60, v6;
	s28 =	spop (v2sf)  }
0x263: {  	vm2 =	vmand vm2, vm9;
	v7 =	vsel vm0, $0x1, v1;
	vm0 =	vmmov vm14;
	s25 =	sadd.s32 s28, s25  }
0x264: {  	vm14 =	vmmov vm15;
	vm15 =	vmmov vm10;
	vm10 =	vmmov vm12;
	s25 =	sadd.s32 $0x80000000, s25;
	s29 =	spop (v2sf)  }
0x265: {  	v59 =	vsel vm1, $0x1, v1;
	vm11 =	vmmov vm10;
	vm0 =	vmor vm0, vm2;
	s26 =	sadd.s32 s29, s25  }
0x266: {  	vm1 =	vmmov vm14;
	vm12 =	vmmov vm15;
	v62 =	vadd.s32 s25, v16;
	s30 =	sadd.s32 $0x80000000, s26  }
0x267: {  	[tilespmem:s19+$0x2000] =	vst v57;
	vm2 =	vmmov vm13;
	vm14 =	vle.s32 v62, v6;
	v63 =	vadd.s32 s30, v53  }
0x268: {  	[tilespmem:s20+$0x2000] =	vst v7;
	v61 =	vsel vm0, $0x1, v1;
	vm3 =	vmand vm11, vm14;
	vm15 =	vle.s32 v63, v6  }
0x269: {  	[tilespmem:s21+$0x2000] =	vst v59;
	vm0 =	vmmov vm12;
	vm1 =	vmor vm1, vm3;
	vm2 =	vmand vm2, vm15  }
0x26a: {  	[tilespmem:s22+$0x2000] =	vst v61;
	v6 =	vsel vm1, $0x1, v1;
	vm0 =	vmor vm0, vm2  }
0x26b: {  	[tilespmem:s23+$0x2000] =	vst v6;
	v6 =	vsel vm0, $0x1, v1  }
0x26c: {  	s31 =	spop (v2sf);
	[tilespmem:s24+$0x2000] =	vst v6  }
0x26d: {  	[hbm4b:s6+s13] =	stream.strided.scatter [tilespmem:s16], [sflag:$0x1], $0x2000, s14, s13, $0x38;
	[tilespmem:$0x4200] =	vst v63  }
0x26e: {  	_ =	swait.ge [sflag:s12], $0x2000  }
0x26f: {  	[sflag:s12] =	ssyncset.done $0x0  }
0x270: {  	s25 =	simm.s32 $0x0;
	[sflag:s12] =	ssyncadd.s32 $0xFFFFE000  }
0x271: {  	[tilespmem:s25], [sflag:$0x1] =	stream.strided.gather [hbm4b:s7+s13], $0x2000, s14, s13, $0x38;
	[tilespmem:$0x4200] =	vst v63  }
0x272: {  	_ =	swait.ge [sflag:s12], $0x2000  }
0x273: {  	[sflag:s12] =	ssyncset.done $0x0  }
0x274: {  	[sflag:s12] =	ssyncadd.s32 $0xFFFFE000  }
0x275: {  	[tilespmem:$0x4000] =	vst v1  }
0x276: {  	[tilespmem:$0x4010] =	vst v1  }
0x277: {  	[tilespmem:$0x4020] =	vst v1  }
0x278: {  	[tilespmem:$0x4030] =	vst v1  }
0x279: {  	[tilespmem:$0x4040] =	vst v1  }
0x27a: {  	[tilespmem:$0x4050] =	vst v1  }
0x27b: {  	[tilespmem:$0x4060] =	vst v1  }
0x27c: {  	[tilespmem:$0x4070] =	vst v1  }
0x27d: {  	[tilespmem:$0x4080] =	vst v1  }
0x27e: {  	[tilespmem:$0x4090] =	vst v1  }
0x27f: {  	[tilespmem:$0x40A0] =	vst v1  }
0x280: {  	[tilespmem:$0x40B0] =	vst v1  }
0x281: {  	[tilespmem:$0x40C0] =	vst v1  }
0x282: {  	[tilespmem:$0x40D0] =	vst v1  }
0x283: {  	[tilespmem:$0x40E0] =	vst v1  }
0x284: {  	s19 =	simm.s32 $0x0;
	[tilespmem:$0x40F0] =	vst v1  }
.LBB2_20:
0x285: {  	s20 =	sshra.s32 s19, $0x2  }
0x286: {  	v6 =	vld [tilespmem:s20+$0x0];
	_ =	sdelay $0x4  }
0x287: {  	v7 =	vand.u32 v4, v6  }
0x288: {  	vm0 =	vlt.s32 v6, $0x0;
	v7 =	vxor.u32 $0xFFFFFFFF, v7  }
0x289: {  	v6 =	vsel vm0, v7, v6  }
0x28a: {  	v6 =	vxor.u32 v5, v6  }
0x28b: {  	p0 =	sne.s32 s19, $0x7FC0;
	v6 =	vshrl.u32 v6, $0x18  }
.Ltmp9:
0x28c: {  	_ = 	snop;
	(pc) =	sbr.rel @p0 .LBB2_20-.Ltmp9, $2  }
0x28d: {  	_ =	sdelay $0x2  }
0x28e: {  	s19 =	sadd.s32 $0x40, s19;
	[tilespmem:v6+s15+$0x0] =	vst.idx.add.s32.msk $0xffff, v2  }
0x28f: {  	s19 =	simm.s32 $0x40F0  }
0x290: {  	v6 =	vld [tilespmem:s19+$0x0];
	_ =	sdelay $0x4  }
0x291: {  	v7 =	vperm.xlane v6, v3  }
0x292: {  	(xrf0) =	vadd.scan.msk.s32 $0xffff, v6  }
0x293: {  	(xrf0) =	vadd.scan.msk.s32 $0xffff, v7;
	_ =	sdelay $0x4  }
0x294: {  	v7, _, _ =	vpop (xrf0)  }
0x295: {  	v8, _, _ =	vpop (xrf0)  }
0x296: {  	v8 =	vperm.xlane v8, v3;
	_ =	sdelay $0x1  }
0x297: {  	s20 =	simm.s32 $0x201;
	v8 =	vadd.s32 s25, v8  }
0x298: {  	vm0 =	vge.s32 v8, s20  }
0x299: {  	v9 =	vmpcnt.ones.xlane vm0  }
0x29a: {  	v7 =	vxor.u32 $0x80000000, v7  }
0x29b: {  	(xrf0) =	vmax.scan.msk.u32 $0xffff, v7;
	v7 =	vxor.u32 $0x80000000, v9  }
0x29c: {  	(xrf0) =	vmax.scan.msk.u32 $0xffff, v7;
	_ =	sdelay $0x4  }
0x29d: {  	v7, _, _ =	vpop (xrf0)  }
0x29e: {  	(v2sf) =	vpush v7, $0xF;
	v7, _, _ =	vpop (xrf0)  }
0x29f: {  	(v2sf) =	vpush v7, $0xF;
	_ =	sdelay $0xd  }
0x2a0: {  	s24 =	spop (v2sf)  }
0x2a1: {  	s21 =	spop (v2sf)  }
0x2a2: {  	s26 =	sadd.s32 $0x7FFFFFFF, s21  }
0x2a3: {  	p0 =	sgt.s32 s26, $0x0  }
0x2a4: {  	s26 =	simm.s32 @!p0 $0x0  }
0x2a5: {  	v7 =	vmov s26  }
0x2a6: {  	vm15 =	veq.s32 v7, v0;
	v7 =	vxor.u32 $0x80000000, v8  }
0x2a7: {  	v6 =	vxor.u32 $0x80000000, v6;
	v7 =	vnsel vm15, $0x1, v7  }
0x2a8: {  	v6 =	vnsel vm15, $0x1, v6;
	(xrf0) =	vmax.scan.msk.u32 $0xffff, v7  }
0x2a9: {  	(xrf0) =	vmax.scan.msk.u32 $0xffff, v6;
	_ =	sdelay $0x4  }
0x2aa: {  	v6, _, _ =	vpop (xrf0)  }
0x2ab: {  	(v2sf) =	vpush v6, $0xF;
	v6, _, _ =	vpop (xrf0)  }
0x2ac: {  	(v2sf) =	vpush v6, $0xF;
	_ =	sdelay $0x1  }
0x2ad: {  	s22 =	simm.s32 $0x40E0  }
0x2ae: {  	v6 =	vld [tilespmem:s22+$0x0];
	_ =	sdelay $0x4  }
0x2af: {  	v7 =	vperm.xlane v6, v3  }
0x2b0: {  	(xrf0) =	vadd.scan.msk.s32 $0xffff, v6  }
0x2b1: {  	(xrf0) =	vadd.scan.msk.s32 $0xffff, v7;
	_ =	sdelay $0x1  }
0x2b2: {  	s23 =	simm.s32 $0xD0  }
0x2b3: {  	s29 =	sxor.u32 $0x1, s25;
	s19 =	simm.s32 $0xE0;
	s24 =	sadd.s32 $0x0, s24  }
0x2b4: {  	s24 =	sadd.s32 $0x80000000, s24;
	p0 =	sgt.u32 s21, $0x80000000;
	s30 =	spop (v2sf)  }
0x2b5: {  	s29 =	simm.s32 @!p0 $0x0;
	s28 =	sadd.s32 $0xF0, s26;
	v7, _, _ =	vpop (xrf0);
	s31 =	spop (v2sf)  }
0x2b6: {  	p1 =	seq.s32 s29, $0x0;
	v7 =	vxor.u32 $0x80000000, v7;
	v8, _, _ =	vpop (xrf0);
	s30 =	sxor.u32 $0x80000000, s30;
	s31 =	sxor.u32 $0x80000000, s31  }
0x2b7: {  	s21 =	sor.u32 s25, s29;
	s28 =	smov.u32 @p1 s25;
	(xrf0) =	vmax.scan.msk.u32 $0xffff, v7;
	v7 =	vperm.xlane v8, v3;
	s29 =	ssub.s32 s31, s30  }
.LBB2_22:
0x2b8: {  	s25 =	smov.u32 s28;
	p0 =	sne.s32 s23, $0x0  }
0x2b9: {  	s29 =	simm.s32 @p1 $0x0;
	s26 =	smov.u32 s23;
	s23 =	sadd.s32 $0xFFFFFFF0, s23  }
0x2ba: {  	v7 =	vadd.s32 s24, v7;
	s20 =	sadd.s32 s20, s29  }
0x2bb: {  	vm0 =	vge.s32 v7, s20  }
0x2bc: {  	v8 =	vmpcnt.ones.xlane vm0  }
0x2bd: {  	v9, _, _ =	vpop (xrf0)  }
0x2be: {  	v8 =	vxor.u32 $0x80000000, v8;
	(v2sf) =	vpush v9, $0xF  }
0x2bf: {  	(xrf0) =	vmax.scan.msk.u32 $0xffff, v8;
	_ =	sdelay $0x5  }
0x2c0: {  	v8, _, _ =	vpop (xrf0)  }
0x2c1: {  	(v2sf) =	vpush v8, $0xF;
	_ =	sdelay $0x6  }
0x2c2: {  	s28 =	spop (v2sf)  }
0x2c3: {  	s24 =	sadd.s32 s28, s24  }
0x2c4: {  	s24 =	sadd.s32 $0x80000000, s24;
	_ =	sdelay $0x5  }
0x2c5: {  	s28 =	spop (v2sf)  }
0x2c6: {  	s29 =	sxor.u32 $0x1, s21;
	p1 =	sgt.u32 s28, $0x80000000;
	s28 =	sadd.s32 $0x7FFFFFFF, s28  }
0x2c7: {  	s29 =	simm.s32 @!p1 $0x0;
	p1 =	sgt.s32 s28, $0x0  }
0x2c8: {  	s28 =	simm.s32 @!p1 $0x0;
	s21 =	sor.u32 s21, s29  }
0x2c9: {  	v8 =	vmov s28  }
0x2ca: {  	v6 =	vxor.u32 $0x80000000, v6;
	v7 =	vxor.u32 $0x80000000, v7;
	vm0 =	veq.s32 v8, v0  }
0x2cb: {  	v7 =	vnsel vm0, $0x1, v7;
	v6 =	vnsel vm0, $0x1, v6  }
0x2cc: {  	(xrf0) =	vmax.scan.msk.u32 $0xffff, v7  }
0x2cd: {  	(xrf0) =	vmax.scan.msk.u32 $0xffff, v6;
	_ =	sdelay $0x4  }
0x2ce: {  	v6, _, _ =	vpop (xrf0)  }
0x2cf: {  	(v2sf) =	vpush v6, $0xF;
	v6, _, _ =	vpop (xrf0)  }
0x2d0: {  	(v2sf) =	vpush v6, $0xF;
	_ =	sdelay $0x1  }
0x2d1: {  	s22 =	sadd.s32 $0xFFFFFFF0, s22  }
0x2d2: {  	v6 =	vld [tilespmem:s22+$0x0];
	_ =	sdelay $0x4  }
0x2d3: {  	v7 =	vperm.xlane v6, v3;
	(xrf0) =	vadd.scan.msk.s32 $0xffff, v6;
	_ =	sdelay $0x1  }
0x2d4: {  	(xrf0) =	vadd.scan.msk.s32 $0xffff, v7;
	_ =	sdelay $0x2  }
.Ltmp10:
0x2d5: {  	(pc) =	sbr.rel @p0 .LBB2_22-.Ltmp10, $4  }
0x2d6: {  	v7, _, _ =	vpop (xrf0);
	s30 =	spop (v2sf)  }
0x2d7: {  	v7 =	vxor.u32 $0x80000000, v7;
	s30 =	sxor.u32 $0x80000000, s30;
	s31 =	spop (v2sf)  }
0x2d8: {  	p1 =	seq.s32 s29, $0x0;
	s28 =	sadd.s32 s19, s28;
	v8, _, _ =	vpop (xrf0);
	(xrf0) =	vmax.scan.msk.u32 $0xffff, v7;
	s31 =	sxor.u32 $0x80000000, s31  }
0x2d9: {  	s19 =	smov.u32 s26;
	s28 =	smov.u32 @p1 s25;
	v7 =	vperm.xlane v8, v3;
	s29 =	ssub.s32 s31, s30  }
0x2da: {  	s29 =	simm.s32 @p1 $0x0  }
0x2db: {  	v7 =	vadd.s32 s24, v7;
	s20 =	sadd.s32 s20, s29  }
0x2dc: {  	vm0 =	vge.s32 v7, s20  }
0x2dd: {  	v8 =	vmpcnt.ones.xlane vm0;
	_ =	sdelay $0x1  }
0x2de: {  	v8 =	vxor.u32 $0x80000000, v8  }
0x2df: {  	(xrf0) =	vmax.scan.msk.u32 $0xffff, v8;
	_ =	sdelay $0x4  }
0x2e0: {  	v8, _, _ =	vpop (xrf0)  }
0x2e1: {  	(v2sf) =	vpush v8, $0xF;
	v8, _, _ =	vpop (xrf0)  }
0x2e2: {  	(v2sf) =	vpush v8, $0xF;
	_ =	sdelay $0xd  }
0x2e3: {  	s22 =	spop (v2sf)  }
0x2e4: {  	s22 =	spop (v2sf)  }
0x2e5: {  	s23 =	sadd.s32 $0x7FFFFFFF, s22  }
0x2e6: {  	p0 =	sgt.s32 s23, $0x0  }
0x2e7: {  	s23 =	simm.s32 @!p0 $0x0  }
0x2e8: {  	v8 =	vmov s23  }
0x2e9: {  	v7 =	vxor.u32 $0x80000000, v7;
	vm15 =	veq.s32 v8, v0  }
0x2ea: {  	v6 =	vxor.u32 $0x80000000, v6;
	v7 =	vnsel vm15, $0x1, v7  }
0x2eb: {  	v6 =	vnsel vm15, $0x1, v6;
	(xrf0) =	vmax.scan.msk.u32 $0xffff, v7  }
0x2ec: {  	(xrf0) =	vmax.scan.msk.u32 $0xffff, v6;
	_ =	sdelay $0x4  }
0x2ed: {  	v6, _, _ =	vpop (xrf0)  }
0x2ee: {  	(v2sf) =	vpush v6, $0xF;
	v6, _, _ =	vpop (xrf0)  }
0x2ef: {  	(v2sf) =	vpush v6, $0xF;
	_ =	sdelay $0x3  }
0x2f0: {  	[tilespmem:$0x4000] =	vst v1  }
0x2f1: {  	[tilespmem:$0x4010] =	vst v1  }
0x2f2: {  	[tilespmem:$0x4020] =	vst v1  }
0x2f3: {  	[tilespmem:$0x4030] =	vst v1  }
0x2f4: {  	[tilespmem:$0x4040] =	vst v1  }
0x2f5: {  	[tilespmem:$0x4050] =	vst v1  }
0x2f6: {  	[tilespmem:$0x4060] =	vst v1  }
0x2f7: {  	[tilespmem:$0x4070] =	vst v1  }
0x2f8: {  	[tilespmem:$0x4080] =	vst v1  }
0x2f9: {  	[tilespmem:$0x4090] =	vst v1  }
0x2fa: {  	[tilespmem:$0x40A0] =	vst v1;
	s30 =	spop (v2sf)  }
0x2fb: {  	s21 =	sxor.u32 $0x1, s21;
	[tilespmem:$0x40B0] =	vst v1;
	p0 =	sgt.u32 s22, $0x80000000;
	s31 =	spop (v2sf)  }
0x2fc: {  	[tilespmem:$0x40C0] =	vst v1;
	s21 =	simm.s32 @!p0 $0x0;
	s24 =	sxor.u32 $0x80000000, s30;
	s22 =	sxor.u32 $0x80000000, s31  }
0x2fd: {  	[tilespmem:$0x40D0] =	vst v1;
	s19 =	sadd.s32 s19, s23;
	p0 =	seq.s32 s21, $0x0;
	s21 =	ssub.s32 s22, s24  }
0x2fe: {  	[tilespmem:$0x40E0] =	vst v1;
	s19 =	smov.u32 @p0 s28;
	s21 =	simm.s32 @p0 $0x0  }
0x2ff: {  	[tilespmem:$0x40F0] =	vst v1;
	s26 =	simm.s32 $0x0;
	v6 =	vmov s19;
	s20 =	sadd.s32 s20, s21;
	s21 =	simm.s32 $0x0  }
.LBB2_24:
0x300: {  	s22 =	sshra.s32 s21, $0x2  }
0x301: {  	v7 =	vld [tilespmem:s22+$0x0];
	_ =	sdelay $0x4  }
0x302: {  	v8 =	vand.u32 v4, v7  }
0x303: {  	vm0 =	vlt.s32 v7, $0x0;
	v8 =	vxor.u32 $0xFFFFFFFF, v8  }
0x304: {  	v7 =	vsel vm0, v8, v7  }
0x305: {  	v7 =	vxor.u32 v5, v7  }
0x306: {  	v8 =	vshrl.u32 v7, $0x18  }
0x307: {  	v7 =	vshrl.u32 v7, $0x10;
	vm15 =	veq.s32 v8, v6  }
0x308: {  	p0 =	sne.s32 s21, $0x7FC0;
	v7 =	vand.u32 $0xFF, v7  }
.Ltmp11:
0x309: {  	_ = 	snop;
	(pc) =	sbr.rel @p0 .LBB2_24-.Ltmp11, $2  }
0x30a: {  	_ =	sdelay $0x2  }
0x30b: {  	s21 =	sadd.s32 $0x40, s21;
	[tilespmem:v7+s15+$0x0] =	vst.idx.add.s32.msk vm15, v2  }
0x30c: {  	s21 =	simm.s32 $0x40F0  }
0x30d: {  	v6 =	vld [tilespmem:s21+$0x0];
	_ =	sdelay $0x4  }
0x30e: {  	v7 =	vperm.xlane v6, v3  }
0x30f: {  	(xrf0) =	vadd.scan.msk.s32 $0xffff, v6  }
0x310: {  	(xrf0) =	vadd.scan.msk.s32 $0xffff, v7;
	_ =	sdelay $0x4  }
0x311: {  	v7, _, _ =	vpop (xrf0)  }
0x312: {  	v8, _, _ =	vpop (xrf0)  }
0x313: {  	v8 =	vperm.xlane v8, v3;
	_ =	sdelay $0x1  }
0x314: {  	v8 =	vadd.s32 s26, v8  }
0x315: {  	vm0 =	vge.s32 v8, s20  }
0x316: {  	v9 =	vmpcnt.ones.xlane vm0  }
0x317: {  	v7 =	vxor.u32 $0x80000000, v7  }
0x318: {  	(xrf0) =	vmax.scan.msk.u32 $0xffff, v7;
	v7 =	vxor.u32 $0x80000000, v9  }
0x319: {  	(xrf0) =	vmax.scan.msk.u32 $0xffff, v7;
	_ =	sdelay $0x4  }
0x31a: {  	v7, _, _ =	vpop (xrf0)  }
0x31b: {  	(v2sf) =	vpush v7, $0xF;
	v7, _, _ =	vpop (xrf0)  }
0x31c: {  	(v2sf) =	vpush v7, $0xF;
	_ =	sdelay $0xd  }
0x31d: {  	s25 =	spop (v2sf)  }
0x31e: {  	s22 =	spop (v2sf)  }
0x31f: {  	s28 =	sadd.s32 $0x7FFFFFFF, s22  }
0x320: {  	p0 =	sgt.s32 s28, $0x0  }
0x321: {  	s28 =	simm.s32 @!p0 $0x0  }
0x322: {  	v7 =	vmov s28  }
0x323: {  	vm15 =	veq.s32 v7, v0;
	v7 =	vxor.u32 $0x80000000, v8  }
0x324: {  	v6 =	vxor.u32 $0x80000000, v6;
	v7 =	vnsel vm15, $0x1, v7  }
0x325: {  	v6 =	vnsel vm15, $0x1, v6;
	(xrf0) =	vmax.scan.msk.u32 $0xffff, v7  }
0x326: {  	(xrf0) =	vmax.scan.msk.u32 $0xffff, v6;
	_ =	sdelay $0x4  }
0x327: {  	v6, _, _ =	vpop (xrf0)  }
0x328: {  	(v2sf) =	vpush v6, $0xF;
	v6, _, _ =	vpop (xrf0)  }
0x329: {  	(v2sf) =	vpush v6, $0xF;
	_ =	sdelay $0x1  }
0x32a: {  	s23 =	simm.s32 $0x40E0  }
0x32b: {  	v6 =	vld [tilespmem:s23+$0x0];
	_ =	sdelay $0x4  }
0x32c: {  	v7 =	vperm.xlane v6, v3  }
0x32d: {  	(xrf0) =	vadd.scan.msk.s32 $0xffff, v6  }
0x32e: {  	(xrf0) =	vadd.scan.msk.s32 $0xffff, v7;
	_ =	sdelay $0x1  }
0x32f: {  	s24 =	simm.s32 $0xD0  }
0x330: {  	s30 =	sxor.u32 $0x1, s26;
	s21 =	simm.s32 $0xE0;
	s25 =	sadd.s32 $0x0, s25  }
0x331: {  	s25 =	sadd.s32 $0x80000000, s25;
	p0 =	sgt.u32 s22, $0x80000000;
	s31 =	spop (v2sf)  }
0x332: {  	s30 =	simm.s32 @!p0 $0x0;
	s29 =	sadd.s32 $0xF0, s28;
	v7, _, _ =	vpop (xrf0);
	s0 =	spop (v2sf)  }
0x333: {  	p1 =	seq.s32 s30, $0x0;
	v7 =	vxor.u32 $0x80000000, v7;
	v8, _, _ =	vpop (xrf0);
	s31 =	sxor.u32 $0x80000000, s31;
	s0 =	sxor.u32 $0x80000000, s0  }
0x334: {  	s22 =	sor.u32 s26, s30;
	s29 =	smov.u32 @p1 s26;
	(xrf0) =	vmax.scan.msk.u32 $0xffff, v7;
	v7 =	vperm.xlane v8, v3;
	s30 =	ssub.s32 s0, s31  }
.LBB2_26:
0x335: {  	s26 =	smov.u32 s29;
	p0 =	sne.s32 s24, $0x0  }
0x336: {  	s30 =	simm.s32 @p1 $0x0;
	s28 =	smov.u32 s24;
	s24 =	sadd.s32 $0xFFFFFFF0, s24  }
0x337: {  	v7 =	vadd.s32 s25, v7;
	s20 =	sadd.s32 s20, s30  }
0x338: {  	vm0 =	vge.s32 v7, s20  }
0x339: {  	v8 =	vmpcnt.ones.xlane vm0  }
0x33a: {  	v9, _, _ =	vpop (xrf0)  }
0x33b: {  	v8 =	vxor.u32 $0x80000000, v8;
	(v2sf) =	vpush v9, $0xF  }
0x33c: {  	(xrf0) =	vmax.scan.msk.u32 $0xffff, v8;
	_ =	sdelay $0x5  }
0x33d: {  	v8, _, _ =	vpop (xrf0)  }
0x33e: {  	(v2sf) =	vpush v8, $0xF;
	_ =	sdelay $0x6  }
0x33f: {  	s0 =	spop (v2sf)  }
0x340: {  	s0 =	sadd.s32 s0, s25  }
0x341: {  	s25 =	sadd.s32 $0x80000000, s0;
	_ =	sdelay $0x5  }
0x342: {  	s0 =	spop (v2sf)  }
0x343: {  	s29 =	sxor.u32 $0x1, s22;
	p1 =	sgt.u32 s0, $0x80000000;
	s0 =	sadd.s32 $0x7FFFFFFF, s0  }
0x344: {  	s29 =	simm.s32 @!p1 $0x0;
	p1 =	sgt.s32 s0, $0x0  }
0x345: {  	s0 =	simm.s32 @!p1 $0x0;
	s22 =	sor.u32 s22, s29  }
0x346: {  	v8 =	vmov s0  }
0x347: {  	v6 =	vxor.u32 $0x80000000, v6;
	v7 =	vxor.u32 $0x80000000, v7;
	vm0 =	veq.s32 v8, v0  }
0x348: {  	v7 =	vnsel vm0, $0x1, v7;
	v6 =	vnsel vm0, $0x1, v6  }
0x349: {  	(xrf0) =	vmax.scan.msk.u32 $0xffff, v7  }
0x34a: {  	(xrf0) =	vmax.scan.msk.u32 $0xffff, v6;
	_ =	sdelay $0x4  }
0x34b: {  	v6, _, _ =	vpop (xrf0)  }
0x34c: {  	(v2sf) =	vpush v6, $0xF;
	v6, _, _ =	vpop (xrf0)  }
0x34d: {  	(v2sf) =	vpush v6, $0xF;
	_ =	sdelay $0x1  }
0x34e: {  	s23 =	sadd.s32 $0xFFFFFFF0, s23  }
0x34f: {  	v6 =	vld [tilespmem:s23+$0x0];
	_ =	sdelay $0x4  }
0x350: {  	v7 =	vperm.xlane v6, v3;
	(xrf0) =	vadd.scan.msk.s32 $0xffff, v6;
	_ =	sdelay $0x1  }
0x351: {  	(xrf0) =	vadd.scan.msk.s32 $0xffff, v7;
	_ =	sdelay $0x2  }
.Ltmp12:
0x352: {  	(pc) =	sbr.rel @p0 .LBB2_26-.Ltmp12, $4  }
0x353: {  	v7, _, _ =	vpop (xrf0);
	s30 =	spop (v2sf)  }
0x354: {  	v7 =	vxor.u32 $0x80000000, v7;
	s30 =	sxor.u32 $0x80000000, s30;
	s31 =	spop (v2sf)  }
0x355: {  	p1 =	seq.s32 s29, $0x0;
	s29 =	sadd.s32 s21, s0;
	v8, _, _ =	vpop (xrf0);
	(xrf0) =	vmax.scan.msk.u32 $0xffff, v7;
	s31 =	sxor.u32 $0x80000000, s31  }
0x356: {  	s21 =	smov.u32 s28;
	s29 =	smov.u32 @p1 s26;
	v7 =	vperm.xlane v8, v3;
	s30 =	ssub.s32 s31, s30  }
0x357: {  	s30 =	simm.s32 @p1 $0x0  }
0x358: {  	v7 =	vadd.s32 s25, v7;
	s0 =	sadd.s32 s20, s30  }
0x359: {  	vm0 =	vge.s32 v7, s0  }
0x35a: {  	v8 =	vmpcnt.ones.xlane vm0;
	_ =	sdelay $0x1  }
0x35b: {  	v8 =	vxor.u32 $0x80000000, v8  }
0x35c: {  	(xrf0) =	vmax.scan.msk.u32 $0xffff, v8;
	_ =	sdelay $0x4  }
0x35d: {  	v8, _, _ =	vpop (xrf0)  }
0x35e: {  	(v2sf) =	vpush v8, $0xF;
	v8, _, _ =	vpop (xrf0)  }
0x35f: {  	(v2sf) =	vpush v8, $0xF;
	_ =	sdelay $0xd  }
0x360: {  	s30 =	spop (v2sf)  }
0x361: {  	s20 =	spop (v2sf)  }
0x362: {  	s23 =	sadd.s32 $0x7FFFFFFF, s20  }
0x363: {  	p0 =	sgt.s32 s23, $0x0  }
0x364: {  	s23 =	simm.s32 @!p0 $0x0  }
0x365: {  	v8 =	vmov s23  }
0x366: {  	v7 =	vxor.u32 $0x80000000, v7;
	vm15 =	veq.s32 v8, v0  }
0x367: {  	v6 =	vxor.u32 $0x80000000, v6;
	v7 =	vnsel vm15, $0x1, v7  }
0x368: {  	v6 =	vnsel vm15, $0x1, v6;
	(xrf0) =	vmax.scan.msk.u32 $0xffff, v7  }
0x369: {  	(xrf0) =	vmax.scan.msk.u32 $0xffff, v6;
	_ =	sdelay $0x4  }
0x36a: {  	v6, _, _ =	vpop (xrf0)  }
0x36b: {  	(v2sf) =	vpush v6, $0xF;
	v6, _, _ =	vpop (xrf0)  }
0x36c: {  	(v2sf) =	vpush v6, $0xF;
	_ =	sdelay $0x3  }
0x36d: {  	[tilespmem:$0x4000] =	vst v1  }
0x36e: {  	[tilespmem:$0x4010] =	vst v1  }
0x36f: {  	[tilespmem:$0x4020] =	vst v1  }
0x370: {  	[tilespmem:$0x4030] =	vst v1  }
0x371: {  	[tilespmem:$0x4040] =	vst v1  }
0x372: {  	[tilespmem:$0x4050] =	vst v1  }
0x373: {  	[tilespmem:$0x4060] =	vst v1  }
0x374: {  	[tilespmem:$0x4070] =	vst v1  }
0x375: {  	[tilespmem:$0x4080] =	vst v1  }
0x376: {  	[tilespmem:$0x4090] =	vst v1  }
0x377: {  	s22 =	sxor.u32 $0x1, s22;
	[tilespmem:$0x40A0] =	vst v1;
	p0 =	sgt.u32 s20, $0x80000000;
	s31 =	spop (v2sf)  }
0x378: {  	[tilespmem:$0x40B0] =	vst v1;
	s22 =	simm.s32 @!p0 $0x0;
	s21 =	sadd.s32 s21, s23;
	s24 =	spop (v2sf)  }
0x379: {  	[tilespmem:$0x40C0] =	vst v1;
	p0 =	seq.s32 s22, $0x0;
	s20 =	sxor.u32 $0x80000000, s31;
	s24 =	sxor.u32 $0x80000000, s24  }
0x37a: {  	s19 =	sshll.u32 s19, $0x8;
	[tilespmem:$0x40D0] =	vst v1;
	s21 =	smov.u32 @p0 s29;
	s20 =	ssub.s32 s24, s20  }
0x37b: {  	[tilespmem:$0x40E0] =	vst v1;
	s19 =	sor.u32 s19, s21;
	s20 =	simm.s32 @p0 $0x0  }
0x37c: {  	[tilespmem:$0x40F0] =	vst v1;
	s26 =	simm.s32 $0x0;
	s21 =	simm.s32 $0x0;
	v6 =	vmov s19;
	s20 =	sadd.s32 s0, s20  }
.LBB2_28:
0x37d: {  	s0 =	sshra.s32 s21, $0x2  }
0x37e: {  	v7 =	vld [tilespmem:s0+$0x0];
	_ =	sdelay $0x4  }
0x37f: {  	v8 =	vand.u32 v4, v7  }
0x380: {  	vm0 =	vlt.s32 v7, $0x0;
	v8 =	vxor.u32 $0xFFFFFFFF, v8  }
0x381: {  	v7 =	vsel vm0, v8, v7  }
0x382: {  	v7 =	vxor.u32 v5, v7  }
0x383: {  	v8 =	vshrl.u32 v7, $0x10  }
0x384: {  	v7 =	vshrl.u32 v7, $0x8;
	vm15 =	veq.s32 v8, v6  }
0x385: {  	p0 =	sne.s32 s21, $0x7FC0;
	v7 =	vand.u32 $0xFF, v7  }
.Ltmp13:
0x386: {  	_ = 	snop;
	(pc) =	sbr.rel @p0 .LBB2_28-.Ltmp13, $2  }
0x387: {  	_ =	sdelay $0x2  }
0x388: {  	s21 =	sadd.s32 $0x40, s21;
	[tilespmem:v7+s15+$0x0] =	vst.idx.add.s32.msk vm15, v2  }
0x389: {  	s0 =	simm.s32 $0x40F0  }
0x38a: {  	v6 =	vld [tilespmem:s0+$0x0];
	_ =	sdelay $0x4  }
0x38b: {  	v7 =	vperm.xlane v6, v3  }
0x38c: {  	(xrf0) =	vadd.scan.msk.s32 $0xffff, v6  }
0x38d: {  	(xrf0) =	vadd.scan.msk.s32 $0xffff, v7;
	_ =	sdelay $0x4  }
0x38e: {  	v7, _, _ =	vpop (xrf0)  }
0x38f: {  	v8, _, _ =	vpop (xrf0)  }
0x390: {  	v8 =	vperm.xlane v8, v3;
	_ =	sdelay $0x1  }
0x391: {  	v8 =	vadd.s32 s26, v8  }
0x392: {  	vm0 =	vge.s32 v8, s20  }
0x393: {  	v9 =	vmpcnt.ones.xlane vm0  }
0x394: {  	v7 =	vxor.u32 $0x80000000, v7  }
0x395: {  	(xrf0) =	vmax.scan.msk.u32 $0xffff, v7;
	v7 =	vxor.u32 $0x80000000, v9  }
0x396: {  	(xrf0) =	vmax.scan.msk.u32 $0xffff, v7;
	_ =	sdelay $0x4  }
0x397: {  	v7, _, _ =	vpop (xrf0)  }
0x398: {  	(v2sf) =	vpush v7, $0xF;
	v7, _, _ =	vpop (xrf0)  }
0x399: {  	(v2sf) =	vpush v7, $0xF;
	_ =	sdelay $0xd  }
0x39a: {  	s25 =	spop (v2sf)  }
0x39b: {  	s22 =	spop (v2sf)  }
0x39c: {  	s28 =	sadd.s32 $0x7FFFFFFF, s22  }
0x39d: {  	p0 =	sgt.s32 s28, $0x0  }
0x39e: {  	s28 =	simm.s32 @!p0 $0x0  }
0x39f: {  	v7 =	vmov s28  }
0x3a0: {  	vm15 =	veq.s32 v7, v0;
	v7 =	vxor.u32 $0x80000000, v8  }
0x3a1: {  	v6 =	vxor.u32 $0x80000000, v6;
	v7 =	vnsel vm15, $0x1, v7  }
0x3a2: {  	v6 =	vnsel vm15, $0x1, v6;
	(xrf0) =	vmax.scan.msk.u32 $0xffff, v7  }
0x3a3: {  	(xrf0) =	vmax.scan.msk.u32 $0xffff, v6;
	_ =	sdelay $0x4  }
0x3a4: {  	v6, _, _ =	vpop (xrf0)  }
0x3a5: {  	(v2sf) =	vpush v6, $0xF;
	v6, _, _ =	vpop (xrf0)  }
0x3a6: {  	(v2sf) =	vpush v6, $0xF;
	_ =	sdelay $0x1  }
0x3a7: {  	s23 =	simm.s32 $0x40E0  }
0x3a8: {  	v6 =	vld [tilespmem:s23+$0x0];
	_ =	sdelay $0x4  }
0x3a9: {  	v7 =	vperm.xlane v6, v3  }
0x3aa: {  	(xrf0) =	vadd.scan.msk.s32 $0xffff, v6  }
0x3ab: {  	(xrf0) =	vadd.scan.msk.s32 $0xffff, v7;
	_ =	sdelay $0x1  }
0x3ac: {  	s0 =	sadd.s32 $0x0, s25  }
0x3ad: {  	s21 =	simm.s32 $0xE0;
	s24 =	simm.s32 $0xD0;
	s25 =	sadd.s32 $0x80000000, s0  }
0x3ae: {  	s0 =	sxor.u32 $0x1, s26;
	p0 =	sgt.u32 s22, $0x80000000;
	s31 =	spop (v2sf)  }
0x3af: {  	s0 =	simm.s32 @!p0 $0x0;
	v7, _, _ =	vpop (xrf0);
	s30 =	sxor.u32 $0x80000000, s31;
	s31 =	spop (v2sf)  }
0x3b0: {  	s29 =	sadd.s32 $0xF0, s28;
	p1 =	seq.s32 s0, $0x0;
	v7 =	vxor.u32 $0x80000000, v7;
	v8, _, _ =	vpop (xrf0);
	s31 =	sxor.u32 $0x80000000, s31  }
0x3b1: {  	s22 =	sor.u32 s26, s0;
	s29 =	smov.u32 @p1 s26;
	(xrf0) =	vmax.scan.msk.u32 $0xffff, v7;
	v7 =	vperm.xlane v8, v3;
	s30 =	ssub.s32 s31, s30  }
.LBB2_30:
0x3b2: {  	s26 =	smov.u32 s29;
	p0 =	sne.s32 s24, $0x0  }
0x3b3: {  	s30 =	simm.s32 @p1 $0x0;
	s28 =	smov.u32 s24;
	s24 =	sadd.s32 $0xFFFFFFF0, s24  }
0x3b4: {  	v7 =	vadd.s32 s25, v7;
	s20 =	sadd.s32 s20, s30  }
0x3b5: {  	vm0 =	vge.s32 v7, s20  }
0x3b6: {  	v8 =	vmpcnt.ones.xlane vm0  }
0x3b7: {  	v9, _, _ =	vpop (xrf0)  }
0x3b8: {  	v8 =	vxor.u32 $0x80000000, v8;
	(v2sf) =	vpush v9, $0xF  }
0x3b9: {  	(xrf0) =	vmax.scan.msk.u32 $0xffff, v8;
	_ =	sdelay $0x5  }
0x3ba: {  	v8, _, _ =	vpop (xrf0)  }
0x3bb: {  	(v2sf) =	vpush v8, $0xF;
	_ =	sdelay $0x6  }
0x3bc: {  	s0 =	spop (v2sf)  }
0x3bd: {  	s0 =	sadd.s32 s0, s25  }
0x3be: {  	s25 =	sadd.s32 $0x80000000, s0;
	_ =	sdelay $0x5  }
0x3bf: {  	s0 =	spop (v2sf)  }
0x3c0: {  	s29 =	sxor.u32 $0x1, s22;
	p1 =	sgt.u32 s0, $0x80000000;
	s0 =	sadd.s32 $0x7FFFFFFF, s0  }
0x3c1: {  	s29 =	simm.s32 @!p1 $0x0;
	p1 =	sgt.s32 s0, $0x0  }
0x3c2: {  	s0 =	simm.s32 @!p1 $0x0;
	s22 =	sor.u32 s22, s29  }
0x3c3: {  	v8 =	vmov s0  }
0x3c4: {  	v6 =	vxor.u32 $0x80000000, v6;
	v7 =	vxor.u32 $0x80000000, v7;
	vm0 =	veq.s32 v8, v0  }
0x3c5: {  	v7 =	vnsel vm0, $0x1, v7;
	v6 =	vnsel vm0, $0x1, v6  }
0x3c6: {  	(xrf0) =	vmax.scan.msk.u32 $0xffff, v7  }
0x3c7: {  	(xrf0) =	vmax.scan.msk.u32 $0xffff, v6;
	_ =	sdelay $0x4  }
0x3c8: {  	v6, _, _ =	vpop (xrf0)  }
0x3c9: {  	(v2sf) =	vpush v6, $0xF;
	v6, _, _ =	vpop (xrf0)  }
0x3ca: {  	(v2sf) =	vpush v6, $0xF;
	_ =	sdelay $0x1  }
0x3cb: {  	s23 =	sadd.s32 $0xFFFFFFF0, s23  }
0x3cc: {  	v6 =	vld [tilespmem:s23+$0x0];
	_ =	sdelay $0x4  }
0x3cd: {  	v7 =	vperm.xlane v6, v3;
	(xrf0) =	vadd.scan.msk.s32 $0xffff, v6;
	_ =	sdelay $0x1  }
0x3ce: {  	(xrf0) =	vadd.scan.msk.s32 $0xffff, v7;
	_ =	sdelay $0x2  }
.Ltmp14:
0x3cf: {  	(pc) =	sbr.rel @p0 .LBB2_30-.Ltmp14, $4  }
0x3d0: {  	v7, _, _ =	vpop (xrf0);
	s30 =	spop (v2sf)  }
0x3d1: {  	v7 =	vxor.u32 $0x80000000, v7;
	s30 =	sxor.u32 $0x80000000, s30;
	s31 =	spop (v2sf)  }
0x3d2: {  	p1 =	seq.s32 s29, $0x0;
	s29 =	sadd.s32 s21, s0;
	v8, _, _ =	vpop (xrf0);
	(xrf0) =	vmax.scan.msk.u32 $0xffff, v7;
	s31 =	sxor.u32 $0x80000000, s31  }
0x3d3: {  	s21 =	smov.u32 s28;
	s29 =	smov.u32 @p1 s26;
	v7 =	vperm.xlane v8, v3;
	s30 =	ssub.s32 s31, s30  }
0x3d4: {  	s30 =	simm.s32 @p1 $0x0  }
0x3d5: {  	v7 =	vadd.s32 s25, v7;
	s0 =	sadd.s32 s20, s30  }
0x3d6: {  	vm0 =	vge.s32 v7, s0  }
0x3d7: {  	v8 =	vmpcnt.ones.xlane vm0;
	_ =	sdelay $0x1  }
0x3d8: {  	v8 =	vxor.u32 $0x80000000, v8  }
0x3d9: {  	(xrf0) =	vmax.scan.msk.u32 $0xffff, v8;
	_ =	sdelay $0x4  }
0x3da: {  	v8, _, _ =	vpop (xrf0)  }
0x3db: {  	(v2sf) =	vpush v8, $0xF;
	v8, _, _ =	vpop (xrf0)  }
0x3dc: {  	(v2sf) =	vpush v8, $0xF;
	_ =	sdelay $0xd  }
0x3dd: {  	s30 =	spop (v2sf)  }
0x3de: {  	s20 =	spop (v2sf)  }
0x3df: {  	s23 =	sadd.s32 $0x7FFFFFFF, s20  }
0x3e0: {  	p0 =	sgt.s32 s23, $0x0  }
0x3e1: {  	s23 =	simm.s32 @!p0 $0x0  }
0x3e2: {  	v8 =	vmov s23  }
0x3e3: {  	v7 =	vxor.u32 $0x80000000, v7;
	vm15 =	veq.s32 v8, v0  }
0x3e4: {  	v6 =	vxor.u32 $0x80000000, v6;
	v7 =	vnsel vm15, $0x1, v7  }
0x3e5: {  	v6 =	vnsel vm15, $0x1, v6;
	(xrf0) =	vmax.scan.msk.u32 $0xffff, v7  }
0x3e6: {  	(xrf0) =	vmax.scan.msk.u32 $0xffff, v6;
	_ =	sdelay $0x4  }
0x3e7: {  	v6, _, _ =	vpop (xrf0)  }
0x3e8: {  	(v2sf) =	vpush v6, $0xF;
	v6, _, _ =	vpop (xrf0)  }
0x3e9: {  	(v2sf) =	vpush v6, $0xF;
	_ =	sdelay $0x3  }
0x3ea: {  	[tilespmem:$0x4000] =	vst v1  }
0x3eb: {  	[tilespmem:$0x4010] =	vst v1  }
0x3ec: {  	[tilespmem:$0x4020] =	vst v1  }
0x3ed: {  	[tilespmem:$0x4030] =	vst v1  }
0x3ee: {  	[tilespmem:$0x4040] =	vst v1  }
0x3ef: {  	[tilespmem:$0x4050] =	vst v1  }
0x3f0: {  	[tilespmem:$0x4060] =	vst v1  }
0x3f1: {  	[tilespmem:$0x4070] =	vst v1  }
0x3f2: {  	[tilespmem:$0x4080] =	vst v1  }
0x3f3: {  	[tilespmem:$0x4090] =	vst v1  }
0x3f4: {  	s22 =	sxor.u32 $0x1, s22;
	[tilespmem:$0x40A0] =	vst v1;
	p0 =	sgt.u32 s20, $0x80000000;
	s31 =	spop (v2sf)  }
0x3f5: {  	[tilespmem:$0x40B0] =	vst v1;
	s22 =	simm.s32 @!p0 $0x0;
	s21 =	sadd.s32 s21, s23;
	s24 =	spop (v2sf)  }
0x3f6: {  	[tilespmem:$0x40C0] =	vst v1;
	p0 =	seq.s32 s22, $0x0;
	s20 =	sxor.u32 $0x80000000, s31;
	s24 =	sxor.u32 $0x80000000, s24  }
0x3f7: {  	s19 =	sshll.u32 s19, $0x8;
	[tilespmem:$0x40D0] =	vst v1;
	s21 =	smov.u32 @p0 s29;
	s20 =	ssub.s32 s24, s20  }
0x3f8: {  	[tilespmem:$0x40E0] =	vst v1;
	s19 =	sor.u32 s19, s21;
	s20 =	simm.s32 @p0 $0x0  }
0x3f9: {  	[tilespmem:$0x40F0] =	vst v1;
	s26 =	simm.s32 $0x0;
	s21 =	simm.s32 $0x0;
	v6 =	vmov s19;
	s20 =	sadd.s32 s0, s20  }
.LBB2_32:
0x3fa: {  	s0 =	sshra.s32 s21, $0x2  }
0x3fb: {  	v7 =	vld [tilespmem:s0+$0x0];
	_ =	sdelay $0x4  }
0x3fc: {  	v8 =	vand.u32 v4, v7  }
0x3fd: {  	vm0 =	vlt.s32 v7, $0x0;
	v8 =	vxor.u32 $0xFFFFFFFF, v8  }
0x3fe: {  	v7 =	vsel vm0, v8, v7  }
0x3ff: {  	v7 =	vxor.u32 v5, v7  }
0x400: {  	v8 =	vshrl.u32 v7, $0x8  }
0x401: {  	vm15 =	veq.s32 v8, v6  }
0x402: {  	p0 =	sne.s32 s21, $0x7FC0;
	v7 =	vand.u32 $0xFF, v7  }
.Ltmp15:
0x403: {  	_ = 	snop;
	(pc) =	sbr.rel @p0 .LBB2_32-.Ltmp15, $2  }
0x404: {  	_ =	sdelay $0x2  }
0x405: {  	s21 =	sadd.s32 $0x40, s21;
	[tilespmem:v7+s15+$0x0] =	vst.idx.add.s32.msk vm15, v2  }
0x406: {  	s0 =	simm.s32 $0x40F0  }
0x407: {  	v5 =	vld [tilespmem:s0+$0x0];
	_ =	sdelay $0x4  }
0x408: {  	v6 =	vperm.xlane v5, v3  }
0x409: {  	(xrf0) =	vadd.scan.msk.s32 $0xffff, v5  }
0x40a: {  	(xrf0) =	vadd.scan.msk.s32 $0xffff, v6;
	_ =	sdelay $0x4  }
0x40b: {  	v6, _, _ =	vpop (xrf0)  }
0x40c: {  	v7, _, _ =	vpop (xrf0)  }
0x40d: {  	v7 =	vperm.xlane v7, v3;
	_ =	sdelay $0x1  }
0x40e: {  	v7 =	vadd.s32 s26, v7  }
0x40f: {  	vm0 =	vge.s32 v7, s20  }
0x410: {  	v8 =	vmpcnt.ones.xlane vm0  }
0x411: {  	v6 =	vxor.u32 $0x80000000, v6  }
0x412: {  	(xrf0) =	vmax.scan.msk.u32 $0xffff, v6;
	v6 =	vxor.u32 $0x80000000, v8  }
0x413: {  	(xrf0) =	vmax.scan.msk.u32 $0xffff, v6;
	_ =	sdelay $0x4  }
0x414: {  	v6, _, _ =	vpop (xrf0)  }
0x415: {  	(v2sf) =	vpush v6, $0xF;
	v6, _, _ =	vpop (xrf0)  }
0x416: {  	(v2sf) =	vpush v6, $0xF;
	_ =	sdelay $0xd  }
0x417: {  	s25 =	spop (v2sf)  }
0x418: {  	s22 =	spop (v2sf)  }
0x419: {  	s28 =	sadd.s32 $0x7FFFFFFF, s22  }
0x41a: {  	p0 =	sgt.s32 s28, $0x0  }
0x41b: {  	s28 =	simm.s32 @!p0 $0x0  }
0x41c: {  	v6 =	vmov s28  }
0x41d: {  	vm15 =	veq.s32 v6, v0;
	v6 =	vxor.u32 $0x80000000, v7  }
0x41e: {  	v5 =	vxor.u32 $0x80000000, v5;
	v6 =	vnsel vm15, $0x1, v6  }
0x41f: {  	v5 =	vnsel vm15, $0x1, v5;
	(xrf0) =	vmax.scan.msk.u32 $0xffff, v6  }
0x420: {  	(xrf0) =	vmax.scan.msk.u32 $0xffff, v5;
	_ =	sdelay $0x4  }
0x421: {  	v5, _, _ =	vpop (xrf0)  }
0x422: {  	(v2sf) =	vpush v5, $0xF;
	v5, _, _ =	vpop (xrf0)  }
0x423: {  	(v2sf) =	vpush v5, $0xF;
	_ =	sdelay $0x1  }
0x424: {  	s23 =	simm.s32 $0x40E0  }
0x425: {  	v5 =	vld [tilespmem:s23+$0x0];
	_ =	sdelay $0x4  }
0x426: {  	v6 =	vperm.xlane v5, v3  }
0x427: {  	(xrf0) =	vadd.scan.msk.s32 $0xffff, v5  }
0x428: {  	(xrf0) =	vadd.scan.msk.s32 $0xffff, v6;
	_ =	sdelay $0x1  }
0x429: {  	s0 =	sadd.s32 $0x0, s25  }
0x42a: {  	s21 =	simm.s32 $0xE0;
	s24 =	simm.s32 $0xD0;
	s25 =	sadd.s32 $0x80000000, s0  }
0x42b: {  	s0 =	sxor.u32 $0x1, s26;
	p0 =	sgt.u32 s22, $0x80000000;
	s31 =	spop (v2sf)  }
0x42c: {  	s0 =	simm.s32 @!p0 $0x0;
	v6, _, _ =	vpop (xrf0);
	s30 =	sxor.u32 $0x80000000, s31;
	s31 =	spop (v2sf)  }
0x42d: {  	s29 =	sadd.s32 $0xF0, s28;
	p1 =	seq.s32 s0, $0x0;
	v6 =	vxor.u32 $0x80000000, v6;
	v7, _, _ =	vpop (xrf0);
	s31 =	sxor.u32 $0x80000000, s31  }
0x42e: {  	s22 =	sor.u32 s26, s0;
	s29 =	smov.u32 @p1 s26;
	(xrf0) =	vmax.scan.msk.u32 $0xffff, v6;
	v6 =	vperm.xlane v7, v3;
	s30 =	ssub.s32 s31, s30  }
.LBB2_34:
0x42f: {  	s26 =	smov.u32 s29;
	p0 =	sne.s32 s24, $0x0  }
0x430: {  	s30 =	simm.s32 @p1 $0x0;
	s28 =	smov.u32 s24;
	s24 =	sadd.s32 $0xFFFFFFF0, s24  }
0x431: {  	v6 =	vadd.s32 s25, v6;
	s20 =	sadd.s32 s20, s30  }
0x432: {  	vm0 =	vge.s32 v6, s20  }
0x433: {  	v7 =	vmpcnt.ones.xlane vm0  }
0x434: {  	v8, _, _ =	vpop (xrf0)  }
0x435: {  	v7 =	vxor.u32 $0x80000000, v7;
	(v2sf) =	vpush v8, $0xF  }
0x436: {  	(xrf0) =	vmax.scan.msk.u32 $0xffff, v7;
	_ =	sdelay $0x5  }
0x437: {  	v7, _, _ =	vpop (xrf0)  }
0x438: {  	(v2sf) =	vpush v7, $0xF;
	_ =	sdelay $0x6  }
0x439: {  	s0 =	spop (v2sf)  }
0x43a: {  	s0 =	sadd.s32 s0, s25  }
0x43b: {  	s25 =	sadd.s32 $0x80000000, s0;
	_ =	sdelay $0x5  }
0x43c: {  	s0 =	spop (v2sf)  }
0x43d: {  	s29 =	sxor.u32 $0x1, s22;
	p1 =	sgt.u32 s0, $0x80000000;
	s0 =	sadd.s32 $0x7FFFFFFF, s0  }
0x43e: {  	s29 =	simm.s32 @!p1 $0x0;
	p1 =	sgt.s32 s0, $0x0  }
0x43f: {  	s0 =	simm.s32 @!p1 $0x0;
	s22 =	sor.u32 s22, s29  }
0x440: {  	v7 =	vmov s0  }
0x441: {  	v5 =	vxor.u32 $0x80000000, v5;
	v6 =	vxor.u32 $0x80000000, v6;
	vm0 =	veq.s32 v7, v0  }
0x442: {  	v6 =	vnsel vm0, $0x1, v6;
	v5 =	vnsel vm0, $0x1, v5  }
0x443: {  	(xrf0) =	vmax.scan.msk.u32 $0xffff, v6  }
0x444: {  	(xrf0) =	vmax.scan.msk.u32 $0xffff, v5;
	_ =	sdelay $0x4  }
0x445: {  	v5, _, _ =	vpop (xrf0)  }
0x446: {  	(v2sf) =	vpush v5, $0xF;
	v5, _, _ =	vpop (xrf0)  }
0x447: {  	(v2sf) =	vpush v5, $0xF;
	_ =	sdelay $0x1  }
0x448: {  	s23 =	sadd.s32 $0xFFFFFFF0, s23  }
0x449: {  	v5 =	vld [tilespmem:s23+$0x0];
	_ =	sdelay $0x4  }
0x44a: {  	v6 =	vperm.xlane v5, v3;
	(xrf0) =	vadd.scan.msk.s32 $0xffff, v5;
	_ =	sdelay $0x1  }
0x44b: {  	(xrf0) =	vadd.scan.msk.s32 $0xffff, v6;
	_ =	sdelay $0x2  }
.Ltmp16:
0x44c: {  	(pc) =	sbr.rel @p0 .LBB2_34-.Ltmp16, $4  }
0x44d: {  	v6, _, _ =	vpop (xrf0);
	s30 =	spop (v2sf)  }
0x44e: {  	v6 =	vxor.u32 $0x80000000, v6;
	s30 =	sxor.u32 $0x80000000, s30;
	s31 =	spop (v2sf)  }
0x44f: {  	p1 =	seq.s32 s29, $0x0;
	s29 =	sadd.s32 s21, s0;
	v7, _, _ =	vpop (xrf0);
	(xrf0) =	vmax.scan.msk.u32 $0xffff, v6;
	s31 =	sxor.u32 $0x80000000, s31  }
0x450: {  	s21 =	smov.u32 s28;
	s29 =	smov.u32 @p1 s26;
	v6 =	vperm.xlane v7, v3;
	s30 =	ssub.s32 s31, s30  }
0x451: {  	s30 =	simm.s32 @p1 $0x0  }
0x452: {  	v6 =	vadd.s32 s25, v6;
	s23 =	sadd.s32 s20, s30  }
0x453: {  	vm0 =	vge.s32 v6, s23  }
0x454: {  	v7 =	vmpcnt.ones.xlane vm0;
	_ =	sdelay $0x1  }
0x455: {  	v7 =	vxor.u32 $0x80000000, v7  }
0x456: {  	(xrf0) =	vmax.scan.msk.u32 $0xffff, v7;
	_ =	sdelay $0x4  }
0x457: {  	v7, _, _ =	vpop (xrf0)  }
0x458: {  	(v2sf) =	vpush v7, $0xF;
	v7, _, _ =	vpop (xrf0)  }
0x459: {  	(v2sf) =	vpush v7, $0xF;
	_ =	sdelay $0xd  }
0x45a: {  	s0 =	spop (v2sf)  }
0x45b: {  	s0 =	spop (v2sf)  }
0x45c: {  	s20 =	sadd.s32 $0x7FFFFFFF, s0  }
0x45d: {  	p0 =	sgt.s32 s20, $0x0  }
0x45e: {  	s20 =	simm.s32 @!p0 $0x0  }
0x45f: {  	v7 =	vmov s20  }
0x460: {  	v6 =	vxor.u32 $0x80000000, v6;
	vm0 =	veq.s32 v7, v0  }
0x461: {  	v5 =	vxor.u32 $0x80000000, v5;
	v6 =	vnsel vm0, $0x1, v6  }
0x462: {  	v5 =	vnsel vm0, $0x1, v5;
	(xrf0) =	vmax.scan.msk.u32 $0xffff, v6  }
0x463: {  	(xrf0) =	vmax.scan.msk.u32 $0xffff, v5;
	_ =	sdelay $0x4  }
0x464: {  	s24 =	simm.s32 $0x0;
	v6, _, _ =	vpop (xrf0)  }
0x465: {  	v5 =	vld [tilespmem:s24+$0x0];
	(v2sf) =	vpush v6, $0xF;
	v6, _, _ =	vpop (xrf0)  }
0x466: {  	s22 =	sxor.u32 $0x1, s22;
	p0 =	sgt.u32 s0, $0x80000000;
	(v2sf) =	vpush v6, $0xF  }
0x467: {  	s22 =	simm.s32 @!p0 $0x0  }
0x468: {  	s0 =	sadd.s32 s21, s20;
	p0 =	seq.s32 s22, $0x0  }
0x469: {  	s19 =	sshll.u32 s19, $0x8;
	s0 =	smov.u32 @p0 s29  }
0x46a: {  	s0 =	sor.u32 s19, s0;
	v6 =	vand.u32 v4, v5  }
0x46b: {  	s0 =	sxor.u32 s18, s0;
	s18 =	simm.s32 $0x10;
	vm0 =	vlt.s32 v5, $0x0;
	v7 =	vxor.u32 $0xFFFFFFFF, v6  }
0x46c: {  	v8 =	vld [tilespmem:s18+$0x0];
	v6 =	vmov s0;
	v7 =	vsel vm0, v7, v5  }
0x46d: {  	vm1 =	veq.s32 v7, v6  }
0x46e: {  	v5 =	vsel vm1, $0x1, v1  }
0x46f: {  	(xrf0) =	vadd.scan.msk.s32 $0xffff, v5;
	_ =	sdelay $0x1  }
0x470: {  	s19 =	simm.s32 $0x20;
	v5 =	vand.u32 v4, v8  }
0x471: {  	v9 =	vld [tilespmem:s19+$0x0];
	vm0 =	vlt.s32 v8, $0x0;
	v5 =	vxor.u32 $0xFFFFFFFF, v5  }
0x472: {  	v8 =	vsel vm0, v5, v8  }
0x473: {  	vm0 =	veq.s32 v8, v6;
	s28 =	spop (v2sf)  }
0x474: {  	v5 =	vsel vm0, $0x1, v1;
	v11, _, _ =	vpop (xrf0);
	s29 =	spop (v2sf)  }
0x475: {  	(xrf0) =	vadd.scan.msk.s32 $0xffff, v5;
	v5 =	vxor.u32 $0x80000000, v11;
	s0 =	sxor.u32 $0x80000000, s28;
	s20 =	sxor.u32 $0x80000000, s29  }
0x476: {  	(xrf0) =	vmax.scan.msk.u32 $0xffff, v5;
	v5 =	vand.u32 v4, v9;
	s0 =	ssub.s32 s20, s0;
	s20 =	simm.s32 $0x30  }
0x477: {  	vm2 =	vlt.s32 v9, $0x0;
	v5 =	vxor.u32 $0xFFFFFFFF, v5;
	v10 =	vld [tilespmem:s20+$0x0]  }
0x478: {  	v9 =	vsel vm2, v5, v9  }
0x479: {  	vm2 =	veq.s32 v9, v6  }
0x47a: {  	v12 =	vsel vm2, $0x1, v1  }
0x47b: {  	vm3 =	vgt.s32 v7, v6;
	v7, _, _ =	vpop (xrf0);
	(xrf0) =	vadd.scan.msk.s32 $0xffff, v12  }
0x47c: {  	vm4 =	vgt.s32 v8, v6;
	v59 =	vxor.u32 $0x80000000, v7;
	v8 =	vand.u32 v4, v10  }
0x47d: {  	s21 =	simm.s32 $0x40;
	v13, _, _ =	vpop (xrf0);
	(xrf0) =	vmax.scan.msk.u32 $0xffff, v59;
	vm5 =	vlt.s32 v10, $0x0;
	v8 =	vxor.u32 $0xFFFFFFFF, v8  }
0x47e: {  	v60 =	vld [tilespmem:s21+$0x0];
	vm6 =	vgt.s32 v9, v6;
	v9 =	vsel vm5, v8, v10  }
0x47f: {  	vm5 =	vmmov vm6;
	vm6 =	veq.s32 v9, v6  }
0x480: {  	v10 =	vsel vm6, $0x1, v1  }
0x481: {  	vm1 =	vmmov vm1;
	(v2sf) =	vpush v13, $0xF;
	v8, _, _ =	vpop (xrf0)  }
0x482: {  	vm1 =	vmmov vm1;
	vm7 =	vgt.s32 v9, v6;
	(xrf0) =	vadd.scan.msk.s32 $0xffff, v10;
	v9 =	vxor.u32 $0x80000000, v8  }
0x483: {  	vm3 =	vmmov vm3;
	vm1 =	vmmov vm1;
	v10, _, _ =	vpop (xrf0);
	(xrf0) =	vmax.scan.msk.u32 $0xffff, v9;
	v9 =	vand.u32 v4, v60  }
0x484: {  	vm8 =	vmmov vm1;
	vm1 =	vlt.s32 v60, $0x0;
	v9 =	vxor.u32 $0xFFFFFFFF, v9  }
0x485: {  	vm3 =	vmmov vm3;
	vm0 =	vmmov vm0;
	v9 =	vsel vm1, v9, v60  }
0x486: {  	vm3 =	vmmov vm3;
	vm0 =	vmmov vm0;
	vm2 =	vmmov vm2  }
0x487: {  	vm9 =	vmmov vm3;
	vm3 =	vmmov vm0;
	vm0 =	vmmov vm2  }
0x488: {  	vm10 =	vmmov vm5;
	vm2 =	veq.s32 v9, v6;
	vm5 =	vgt.s32 v9, v6;
	v9, _, _ =	vpop (xrf0)  }
0x489: {  	(v2sf) =	vpush v10, $0xF;
	v62, _, _ =	vpop (xrf0)  }
0x48a: {  	s22 =	simm.s32 $0x50;
	vm4 =	vmmov vm4;
	s0 =	simm.s32 @p0 $0x0;
	(v2sf) =	vpush v62, $0xF  }
0x48b: {  	s30 =	simm.s32 $0x0;
	vm4 =	vmmov vm4;
	s0 =	sadd.s32 s23, s0;
	v10 =	vld [tilespmem:s22+$0x0]  }
0x48c: {  	vm4 =	vmmov vm4;
	v11 =	vadd.s32 s30, v11;
	v5 =	vmov s0  }
0x48d: {  	vm3 =	vmmov vm3;
	vm1 =	vmmov vm6;
	vm6 =	vle.s32 v11, v5  }
0x48e: {  	vm4 =	vmmov vm4;
	vm6 =	vmand vm8, vm6;
	v61 =	vsel vm2, $0x1, v1  }
0x48f: {  	vm7 =	vmmov vm7;
	vm6 =	vmor vm9, vm6;
	(xrf0) =	vadd.scan.msk.s32 $0xffff, v61;
	v11 =	vxor.u32 $0x80000000, v9  }
0x490: {  	vm7 =	vmmov vm7;
	v63 =	vsel vm6, $0x1, v1;
	s31 =	spop (v2sf);
	(xrf0) =	vmax.scan.msk.u32 $0xffff, v11;
	v11 =	vand.u32 v4, v10  }
0x491: {  	s25 =	simm.s32 $0x1C0;
	s23 =	simm.s32 $0x60;
	vm6 =	vmmov vm10;
	vm9 =	vlt.s32 v10, $0x0;
	[tilespmem:s24+$0x2000] =	vst v63;
	s24 =	sadd.s32 $0x0, s31;
	v11 =	vxor.u32 $0xFFFFFFFF, v11  }
.LBB2_36:
0x492: {  	p0 =	sne.s32 s25, $0x7FC0;
	v11 =	vsel vm9, v11, v10;
	s0 =	sadd.s32 $0x80000000, s24;
	vm8 =	vmmov vm5  }
0x493: {  	v10 =	vld [tilespmem:s23+$0x0];
	vm9 =	vmmov vm0;
	vm0 =	vmmov vm1;
	vm1 =	vmmov vm2;
	s24 =	smov.u32 s18;
	s18 =	smov.u32 s19;
	s19 =	smov.u32 s20  }
0x494: {  	s20 =	smov.u32 s21;
	s21 =	smov.u32 s22;
	s22 =	smov.u32 s23;
	vm5 =	vgt.s32 v11, v6;
	vm2 =	veq.s32 v11, v6;
	v11 =	vadd.s32 s0, v7;
	v7 =	vmovc v8;
	v8 =	vmovc v9  }
.Ltmp17:
0x495: {  	v13 =	vsel vm2, $0x1, v1;
	v9, _, _ =	vpop (xrf0);
	vm10 =	vle.s32 v11, v5;
	(pc) =	sbr.rel @p0 .LBB2_36-.Ltmp17, $4  }
0x496: {  	(xrf0) =	vadd.scan.msk.s32 $0xffff, v13;
	v11 =	vxor.u32 $0x80000000, v9;
	v12, _, _ =	vpop (xrf0);
	vm10 =	vmand vm3, vm10;
	vm3 =	vmmov vm9  }
0x497: {  	(xrf0) =	vmax.scan.msk.u32 $0xffff, v11;
	(v2sf) =	vpush v12, $0xF;
	vm9 =	vmor vm4, vm10;
	vm4 =	vmmov vm6  }
0x498: {  	vm6 =	vmmov vm7;
	v11 =	vand.u32 v4, v10;
	v12 =	vsel vm9, $0x1, v1;
	s26 =	spop (v2sf)  }
0x499: {  	s23 =	sshra.s32 s25, $0x2;
	s25 =	sadd.s32 $0x40, s25;
	vm7 =	vmmov vm8;
	vm9 =	vlt.s32 v10, $0x0;
	v11 =	vxor.u32 $0xFFFFFFFF, v11;
	[tilespmem:s24+$0x2000] =	vst v12;
	s24 =	sadd.s32 s26, s0  }
0x49a: {  	v12 =	vld [tilespmem:s23+$0x0];
	v10 =	vsel vm9, v11, v10  }
0x49b: {  	vm9 =	veq.s32 v10, v6  }
0x49c: {  	v48 =	vsel vm9, $0x1, v1  }
0x49d: {  	(xrf0) =	vadd.scan.msk.s32 $0xffff, v48;
	_ =	sdelay $0x1  }
0x49e: {  	v4 =	vand.u32 v4, v12  }
0x49f: {  	vm8 =	vlt.s32 v12, $0x0;
	v4 =	vxor.u32 $0xFFFFFFFF, v4  }
0x4a0: {  	v49, _, _ =	vpop (xrf0);
	v4 =	vsel vm8, v4, v12  }
0x4a1: {  	v50 =	vxor.u32 $0x80000000, v49;
	v13, _, _ =	vpop (xrf0);
	vm8 =	veq.s32 v4, v6  }
0x4a2: {  	(xrf0) =	vmax.scan.msk.u32 $0xffff, v50;
	v51 =	vsel vm8, $0x1, v1;
	v14, _, _ =	vpop (xrf0)  }
0x4a3: {  	(xrf0) =	vadd.scan.msk.s32 $0xffff, v51;
	v52 =	vxor.u32 $0x80000000, v14  }
0x4a4: {  	(xrf0) =	vmax.scan.msk.u32 $0xffff, v52;
	_ =	sdelay $0x1  }
0x4a5: {  	(v2sf) =	vpush v13, $0xF;
	_ =	sdelay $0x1  }
0x4a6: {  	v53, _, _ =	vpop (xrf0)  }
0x4a7: {  	(v2sf) =	vpush v53, $0xF;
	v54, _, _ =	vpop (xrf0)  }
0x4a8: {  	vm5 =	vmmov vm5;
	v55, _, _ =	vpop (xrf0)  }
0x4a9: {  	vm0 =	vmmov vm0;
	v56 =	vxor.u32 $0x80000000, v54;
	(v2sf) =	vpush v55, $0xF  }
0x4aa: {  	s0 =	sadd.s32 $0x80000000, s24;
	vm1 =	vmmov vm1;
	vm2 =	vmmov vm2;
	vm15 =	vmmov vm7;
	(xrf0) =	vmax.scan.msk.u32 $0xffff, v56  }
0x4ab: {  	v7 =	vadd.s32 s0, v7;
	vm14 =	vgt.s32 v10, v6;
	vm0 =	vmmov vm0  }
0x4ac: {  	s31 =	spop (v2sf);
	vm5 =	vmmov vm5;
	vm1 =	vmmov vm1;
	vm2 =	vmmov vm2  }
0x4ad: {  	s0 =	sadd.s32 s31, s0;
	vm10 =	vle.s32 v7, v5;
	vm12 =	vmmov vm14;
	vm7 =	vmmov vm9  }
0x4ae: {  	s0 =	sadd.s32 $0x80000000, s0;
	vm1 =	vmmov vm1;
	vm2 =	vmmov vm2;
	vm3 =	vmand vm3, vm10  }
0x4af: {  	v8 =	vadd.s32 s0, v8;
	vm9 =	vmmov vm12;
	vm7 =	vmmov vm7  }
0x4b0: {  	vm2 =	vmmov vm2;
	vm3 =	vmor vm4, vm3;
	vm14 =	vgt.s32 v4, v6;
	s25 =	spop (v2sf);
	v4, _, _ =	vpop (xrf0)  }
0x4b1: {  	vm4 =	vmmov vm6;
	vm13 =	vle.s32 v8, v5;
	s0 =	sadd.s32 s25, s0;
	(v2sf) =	vpush v4, $0xF  }
0x4b2: {  	vm10 =	vmmov vm7;
	v57 =	vsel vm3, $0x1, v1;
	vm0 =	vmand vm0, vm13;
	s0 =	sadd.s32 $0x80000000, s0  }
0x4b3: {  	vm3 =	vmmov vm15;
	vm15 =	vmmov vm5;
	v58 =	vadd.s32 s0, v9;
	s26 =	spop (v2sf)  }
0x4b4: {  	vm0 =	vmor vm4, vm0;
	vm11 =	vmmov vm14;
	vm12 =	vle.s32 v58, v5;
	s0 =	sadd.s32 s26, s0  }
0x4b5: {  	vm13 =	vmmov vm8;
	vm14 =	vmmov vm9;
	vm1 =	vmand vm1, vm12;
	s0 =	sadd.s32 $0x80000000, s0  }
0x4b6: {  	vm6 =	vmmov vm13;
	vm1 =	vmor vm3, vm1;
	v60 =	vadd.s32 s0, v49;
	s28 =	spop (v2sf)  }
0x4b7: {  	vm13 =	vmmov vm6;
	v59 =	vsel vm1, $0x1, v1;
	vm9 =	vle.s32 v60, v5;
	s0 =	sadd.s32 s28, s0  }
0x4b8: {  	vm1 =	vmmov vm14;
	vm2 =	vmand vm2, vm9;
	v4 =	vsel vm0, $0x1, v1;
	s0 =	sadd.s32 $0x80000000, s0;
	s29 =	spop (v2sf)  }
0x4b9: {  	vm0 =	vmmov vm15;
	vm15 =	vmmov vm11;
	vm11 =	vmmov vm10;
	s24 =	sadd.s32 s29, s0  }
0x4ba: {  	vm0 =	vmor vm0, vm2;
	vm12 =	vmmov vm15;
	v62 =	vadd.s32 s0, v14;
	s30 =	sadd.s32 $0x80000000, s24  }
0x4bb: {  	[tilespmem:s18+$0x2000] =	vst v57;
	vm2 =	vmmov vm13;
	vm14 =	vle.s32 v62, v5;
	v63 =	vadd.s32 s30, v54  }
0x4bc: {  	[tilespmem:s19+$0x2000] =	vst v4;
	v61 =	vsel vm0, $0x1, v1;
	vm3 =	vmand vm11, vm14;
	vm15 =	vle.s32 v63, v5  }
0x4bd: {  	[tilespmem:s20+$0x2000] =	vst v59;
	vm0 =	vmmov vm12;
	vm1 =	vmor vm1, vm3;
	vm2 =	vmand vm2, vm15  }
0x4be: {  	s17 =	sadd.s32 $0x1, s17;
	[tilespmem:s21+$0x2000] =	vst v61;
	v4 =	vsel vm1, $0x1, v1;
	vm0 =	vmor vm0, vm2  }
0x4bf: {  	p0 =	sne.s32 s17, s9;
	[tilespmem:s22+$0x2000] =	vst v4;
	v4 =	vsel vm0, $0x1, v1  }
.Ltmp18:
0x4c0: {  	s31 =	spop (v2sf);
	[tilespmem:s23+$0x2000] =	vst v4;
	(pc) =	sbr.rel @p0 .LBB2_1-.Ltmp18, $4  }
0x4c1: {  	[hbm4b:s8+s13] =	stream.strided.scatter [tilespmem:s16], [sflag:$0x1], $0x2000, s14, s13, $0x38;
	[tilespmem:$0x4200] =	vst v63  }
0x4c2: {  	_ =	swait.ge [sflag:s12], $0x2000  }
0x4c3: {  	[sflag:s12] =	ssyncset.done $0x0  }
0x4c4: {  	[sflag:s12] =	ssyncadd.s32 $0xFFFFE000  }
0x4c5: {  	_ =	sfence.sel $0x180000  }
0x4c6: {  	[bflag:$0x0] =	sbarrier.arrive $0xFFFF  }
0x4c7: {  	_ =	strace $0x90000047  }
0x4c8: {  	[bflag:$0x2] =	sbarrier.arrive $0xFFFF  }
0x4c9: {  	p0 =	sne.s32 s3, $0x0;
	s0 =	rddreg [dreg:$0x2]  }
0x4ca: {  	s0 =	sadd.s32 @!p0 $0x100000, s0  }
0x4cb: {  	[sflag:s0] =	ssyncadd.tile.s32 @!p0 $0x1;
	_ =	shalt  }
.Lfunc_end2:
_tile_overlayer_lowered:
.L_overlay_start_2:
0x4cc: {  	(tag) =	ssettag $0x2  }
0x4cd: {  	s0 =	rddreg [dreg:$0x0];
	s2 =	stileid.u32  }
0x4ce: {  	s1 =	rddreg [dreg:$0x1];
	p0 =	sne.s32 s2, $0x0  }
0x4cf: {  	s3 =	rddreg [dreg:$0x2];
	[bflag:$0x3] =	sbarrier.arrive $0xFFFF;
	s2 =	simm.s32 @!p0 $0x1C01  }
0x4d0: {  	[timem:s3], [sflag:s2] =	dma.local @!p0 [hbm:s0], s1  }
0x4d1: {  	s0 =	simm.s32 @!p0 $0x1  }
0x4d2: {  	_ =	swait.ge @!p0 [sflag:s0], s1  }
0x4d3: {  	s1 =	ssub.s32 @!p0 $0x0, s1;
	[sflag:s0] =	ssyncset.done @!p0 $0x0  }
0x4d4: {  	[sflag:s0] =	ssyncadd.s32 @!p0 s1  }
0x4d5: {  	[bflag:$0x3] =	sbarrier.arrive $0xFFFF  }
0x4d6: {  	_ =	shalt  }

</sc_bundles>
